<compile_context>
chip_gen: v7x
topology: tpu7x:2x2x1
jax: 0.10.2.dev20260603
libtpu: 0.0.44.dev20260713+nightly
codegen_flags: <defaults>
</compile_context>

<pallas_src>
import functools

import jax
import jax.numpy as jnp
from jax import lax
from jax.experimental import pallas as pl
from jax.experimental.pallas import tpu as pltpu
from jax.experimental.pallas import tpu_sc as plsc

NC = 2
NS = 16
CH = 80
FB = 128


def _pad_rows(N):
    return ((N + NS * FB - 1) // (NS * FB)) * NS * FB


def _sc_pass1(N, E, D):
    per_w = E // (NC * NS)
    nchunk = per_w // CH
    NP = _pad_rows(N)
    rpt = NP // NS
    nflush = rpt // FB

    mesh = plsc.VectorSubcoreMesh(core_axis_name="c", subcore_axis_name="s")

    @functools.partial(
        pl.kernel,
        out_type=(
            jax.ShapeDtypeStruct((NC, NP, D), jnp.float32),
            jax.ShapeDtypeStruct((NC, NP, D), jnp.float32),
            jax.ShapeDtypeStruct((NC, NP, D), jnp.float32),
        ),
        mesh=mesh,
        scratch_types=(
            pltpu.VMEM_SHARED((NP, D), jnp.float32),
            pltpu.VMEM((FB, D), jnp.float32),
            pltpu.VMEM((CH, D), jnp.float32),
            pltpu.VMEM((CH,), jnp.int32),
            pltpu.VMEM((CH,), jnp.int32),
            pltpu.SemaphoreType.DMA,
        ),
    )
    def k(src_ref, dst_ref, x_ref, ea_ref, ax_ref, ae_ref, cnt_ref,
          acc, buf, rows, sidx, didx, sem):
        c = lax.axis_index("c")
        s = lax.axis_index("s")
        ebase = (c * NS + s) * per_w
        rbase = s * rpt
        z16 = jnp.zeros((16,), jnp.float32)

        def zero_buf(i, _):
            for jseg in range(D // 16):
                buf[i, pl.ds(jseg * 16, 16)] = z16
            return 0

        def fill_rows_ones(i, _):
            for jseg in range(D // 16):
                rows[i, pl.ds(jseg * 16, 16)] = z16 + 1.0
            return 0

        def zero_acc():
            lax.fori_loop(0, FB, zero_buf, 0)
            for t in range(nflush):
                pltpu.sync_copy(buf, acc.at[pl.ds(rbase + t * FB, FB)])

        def flush_acc(out_ref):
            for t in range(nflush):
                pltpu.sync_copy(acc.at[pl.ds(rbase + t * FB, FB)], buf)
                pltpu.sync_copy(buf, out_ref.at[c, pl.ds(rbase + t * FB, FB)])

        zero_acc()
        plsc.subcore_barrier()

        def step_x(j, _):
            eb = ebase + j * CH
            pltpu.sync_copy(src_ref.at[pl.ds(eb, CH)], sidx)
            pltpu.sync_copy(dst_ref.at[pl.ds(eb, CH)], didx)
            pltpu.async_copy(x_ref.at[sidx], rows, sem).wait()
            pltpu.sync_copy(rows, acc.at[didx], add=True)
            return 0

        lax.fori_loop(0, nchunk, step_x, 0)
        plsc.subcore_barrier()
        flush_acc(ax_ref)
        zero_acc()
        plsc.subcore_barrier()

        def step_e(j, _):
            eb = ebase + j * CH
            pltpu.sync_copy(dst_ref.at[pl.ds(eb, CH)], didx)
            pltpu.sync_copy(ea_ref.at[pl.ds(eb, CH)], rows)
            pltpu.sync_copy(rows, acc.at[didx], add=True)
            return 0

        lax.fori_loop(0, nchunk, step_e, 0)
        plsc.subcore_barrier()
        flush_acc(ae_ref)
        zero_acc()
        plsc.subcore_barrier()

        lax.fori_loop(0, CH, fill_rows_ones, 0)

        def step_c(j, _):
            eb = ebase + j * CH
            pltpu.sync_copy(dst_ref.at[pl.ds(eb, CH)], didx)
            pltpu.sync_copy(rows, acc.at[didx], add=True)
            return 0

        lax.fori_loop(0, nchunk, step_c, 0)
        plsc.subcore_barrier()
        flush_acc(cnt_ref)

    return k


def _sc_pass2(N, E, D):
    per_w = E // (NC * NS)
    nchunk = per_w // CH
    NP = _pad_rows(N)
    rpt = NP // NS
    nflush = rpt // FB

    mesh = plsc.VectorSubcoreMesh(core_axis_name="c", subcore_axis_name="s")

    @functools.partial(
        pl.kernel,
        out_type=jax.ShapeDtypeStruct((NC, NP, D), jnp.float32),
        mesh=mesh,
        scratch_types=(
            pltpu.VMEM_SHARED((NP, D), jnp.float32),
            pltpu.VMEM((FB, D), jnp.float32),
            pltpu.VMEM((CH, D), jnp.float32),
            pltpu.VMEM((CH,), jnp.int32),
            pltpu.VMEM((CH,), jnp.int32),
            pltpu.SemaphoreType.DMA,
        ),
    )
    def k(src_ref, dst_ref, hm_ref, ah_ref, acc, buf, rows, sidx, didx, sem):
        c = lax.axis_index("c")
        s = lax.axis_index("s")
        ebase = (c * NS + s) * per_w
        rbase = s * rpt
        z16 = jnp.zeros((16,), jnp.float32)

        def zero_buf(i, _):
            for jseg in range(D // 16):
                buf[i, pl.ds(jseg * 16, 16)] = z16
            return 0

        lax.fori_loop(0, FB, zero_buf, 0)
        for t in range(nflush):
            pltpu.sync_copy(buf, acc.at[pl.ds(rbase + t * FB, FB)])
        plsc.subcore_barrier()

        def step(j, _):
            eb = ebase + j * CH
            pltpu.sync_copy(src_ref.at[pl.ds(eb, CH)], sidx)
            pltpu.sync_copy(dst_ref.at[pl.ds(eb, CH)], didx)
            pltpu.async_copy(hm_ref.at[sidx], rows, sem).wait()
            pltpu.sync_copy(rows, acc.at[didx], add=True)
            return 0

        lax.fori_loop(0, nchunk, step, 0)
        plsc.subcore_barrier()

        for t in range(nflush):
            pltpu.sync_copy(acc.at[pl.ds(rbase + t * FB, FB)], buf)
            pltpu.sync_copy(buf, ah_ref.at[c, pl.ds(rbase + t * FB, FB)])

    return k


def _tc1_body(x_ref, ax_ref, ae_ref, cnt_ref, w1m, w1e, w1s, b1m, b1e, b1s,
              w2m, w2e, w2s, b2m, b2e, b2s, hm_ref, p2_ref):
    f32 = jnp.float32
    axs = ax_ref[0] + ax_ref[1]
    aes = ae_ref[0] + ae_ref[1]
    deg = cnt_ref[0, :, 0:1] + cnt_ref[1, :, 0:1]
    pre = (jnp.dot(axs, w1m[...], preferred_element_type=f32)
           + jnp.dot(aes, w1e[...], preferred_element_type=f32)
           + jnp.dot(x_ref[...], w1s[...], preferred_element_type=f32)
           + deg * (b1m[...] + b1e[...]) + b1s[...])
    h = jnp.maximum(pre, 0.0)
    hm_ref[...] = jnp.dot(h, w2m[...], preferred_element_type=f32)
    p2_ref[...] = (jnp.dot(aes, w2e[...], preferred_element_type=f32)
                   + jnp.dot(h, w2s[...], preferred_element_type=f32)
                   + deg * (b2m[...] + b2e[...]) + b2s[...])


def _tc2_body(ah_ref, p2_ref, o_ref):
    o_ref[...] = jnp.maximum(ah_ref[0] + ah_ref[1] + p2_ref[...], 0.0)


def kernel(x, edge_index, edge_attr, W1m, b1m, W1e, b1e, W1s, b1s,
           W2m, b2m, W2e, b2e, W2s, b2s):
    N, D_in = x.shape
    E = edge_index.shape[1]
    D_hid = W1m.shape[1]
    D_out = W2m.shape[1]

    src = edge_index[0]
    dst = edge_index[1]
    ax, ae, cnt = _sc_pass1(N, E, D_in)(src, dst, x, edge_attr)

    B = 1000
    grid = (N // B,)
    full = lambda shape: pl.BlockSpec(shape, lambda i: (0,) * len(shape))
    rowblk = lambda d: pl.BlockSpec((B, d), lambda i: (i, 0))
    partblk = lambda d: pl.BlockSpec((NC, B, d), lambda i: (0, i, 0))

    hm, p2 = pl.pallas_call(
        _tc1_body,
        grid=grid,
        in_specs=[
            rowblk(D_in), partblk(D_in), partblk(D_in), partblk(D_in),
            full((D_in, D_hid)), full((D_in, D_hid)), full((D_in, D_hid)),
            full((1, D_hid)), full((1, D_hid)), full((1, D_hid)),
            full((D_hid, D_out)), full((D_in, D_out)), full((D_hid, D_out)),
            full((1, D_out)), full((1, D_out)), full((1, D_out)),
        ],
        out_specs=[rowblk(D_out), rowblk(D_out)],
        out_shape=[
            jax.ShapeDtypeStruct((N, D_out), jnp.float32),
            jax.ShapeDtypeStruct((N, D_out), jnp.float32),
        ],
    )(x, ax, ae, cnt, W1m, W1e, W1s,
      b1m.reshape(1, -1), b1e.reshape(1, -1), b1s.reshape(1, -1),
      W2m, W2e, W2s,
      b2m.reshape(1, -1), b2e.reshape(1, -1), b2s.reshape(1, -1))

    ah = _sc_pass2(N, E, D_out)(src, dst, hm)

    out = pl.pallas_call(
        _tc2_body,
        grid=grid,
        in_specs=[partblk(D_out), rowblk(D_out)],
        out_specs=rowblk(D_out),
        out_shape=jax.ShapeDtypeStruct((N, D_out), jnp.float32),
    )(ah, p2)
    return out

# --- scband reference (transcript-rebuilt; emitter-appended) ---
"""Pipeline reference for scband-gcn-2layer-76836964925933 (READ-ONLY COPY).

The authoritative reference and input builder live on the scoring server;
editing this copy changes nothing except your own understanding.
"""

import jax, jax.numpy as jnp
import numpy as np

N = 10000
E = 320000
D_IN = 128
D_HID = 256
D_OUT = 128


def setup_inputs(seed: int = 0) -> dict:
    key = jax.random.key(seed)
    ks = jax.random.split(key, 16)
    x = jax.random.normal(ks[0], (N, D_IN), dtype=jnp.float32)
    edge_index = jax.random.randint(ks[1], (2, E), 0, N, dtype=jnp.int32)
    edge_attr = jax.random.normal(ks[2], (E, D_IN), dtype=jnp.float32)
    # GeneralConv layer 1 params (lin_msg, lin_edge, lin_self), stored as [in, out]
    s_in = 1.0 / np.sqrt(D_IN)
    s_hid = 1.0 / np.sqrt(D_HID)
    W1m = jax.random.uniform(ks[3], (D_IN, D_HID), jnp.float32, -s_in, s_in)
    b1m = jax.random.uniform(ks[4], (D_HID,), jnp.float32, -s_in, s_in)
    W1e = jax.random.uniform(ks[5], (D_IN, D_HID), jnp.float32, -s_in, s_in)
    b1e = jax.random.uniform(ks[6], (D_HID,), jnp.float32, -s_in, s_in)
    W1s = jax.random.uniform(ks[7], (D_IN, D_HID), jnp.float32, -s_in, s_in)
    b1s = jax.random.uniform(ks[8], (D_HID,), jnp.float32, -s_in, s_in)
    # layer 2 params
    W2m = jax.random.uniform(ks[9], (D_HID, D_OUT), jnp.float32, -s_hid, s_hid)
    b2m = jax.random.uniform(ks[10], (D_OUT,), jnp.float32, -s_hid, s_hid)
    W2e = jax.random.uniform(ks[11], (D_IN, D_OUT), jnp.float32, -s_in, s_in)
    b2e = jax.random.uniform(ks[12], (D_OUT,), jnp.float32, -s_in, s_in)
    W2s = jax.random.uniform(ks[13], (D_HID, D_OUT), jnp.float32, -s_hid, s_hid)
    b2s = jax.random.uniform(ks[14], (D_OUT,), jnp.float32, -s_hid, s_hid)
    return {
        "x": x, "edge_index": edge_index, "edge_attr": edge_attr,
        "W1m": W1m, "b1m": b1m, "W1e": W1e, "b1e": b1e, "W1s": W1s, "b1s": b1s,
        "W2m": W2m, "b2m": b2m, "W2e": W2e, "b2e": b2e, "W2s": W2s, "b2s": b2s,
    }


def _general_conv(x, src, dst, edge_attr, Wm, bm, We, be, Ws, bs, n_nodes):
    # message = lin_msg(x_j) + lin_edge(edge_attr)  (directed_msg=True, heads=1, aggr='add')
    msg = x[src] @ Wm + bm + edge_attr @ We + be
    agg = jax.ops.segment_sum(msg, dst, num_segments=n_nodes)
    # heads=1 -> mean over heads is identity; skip connection lin_self (in != out)
    return agg + (x @ Ws + bs)


def reference(x, edge_index, edge_attr, W1m, b1m, W1e, b1e, W1s, b1s,
              W2m, b2m, W2e, b2e, W2s, b2s):
    src = edge_index[0]
    dst = edge_index[1]
    h = _general_conv(x, src, dst, edge_attr, W1m, b1m, W1e, b1e, W1s, b1s, N)
    h = jax.nn.relu(h)
    # dropout is inactive in mode='eval'
    out = _general_conv(h, src, dst, edge_attr, W2m, b2m, W2e, b2e, W2s, b2s, N)
    return jax.nn.relu(out)

if __name__ == "__main__":
    import jax
    _d = setup_inputs()
    print(jax.jit(kernel)(*tuple(_d.values())))

</pallas_src>

<mosaic_0001>
#map = affine_map<(d0, d1) -> (0)>
#map1 = affine_map<(d0, d1) -> (0, 0)>
#map2 = affine_map<(d0, d1) -> (0, 0, 0)>
module attributes {stable_mosaic.version = 14 : i64} {
  func.func @k(%arg0: i32, %arg1: i32, %arg2: memref<320000xi32, #tpu.memory_space<hbm>>, %arg3: memref<320000xi32, #tpu.memory_space<hbm>>, %arg4: memref<10000x128xf32, #tpu.memory_space<hbm>>, %arg5: memref<320000x128xf32, #tpu.memory_space<hbm>>, %arg6: memref<2x10240x128xf32, #tpu.memory_space<hbm>>, %arg7: memref<2x10240x128xf32, #tpu.memory_space<hbm>>, %arg8: memref<2x10240x128xf32, #tpu.memory_space<hbm>>, %arg9: memref<10240x128xf32, #tpu.memory_space<vmem_shared>>, %arg10: memref<128x128xf32, #tpu.memory_space<vmem>>, %arg11: memref<80x128xf32, #tpu.memory_space<vmem>>, %arg12: memref<80xi32, #tpu.memory_space<vmem>>, %arg13: memref<80xi32, #tpu.memory_space<vmem>>, %arg14: memref<!tpu.dma_semaphore, #tpu.memory_space<semaphore_mem>>) attributes {dimension_semantics = [#tpu.dimension_semantics<core_parallel>, #tpu.dimension_semantics<subcore_parallel>], iteration_bounds = array<i64: 2, 16>, scalar_prefetch = 0 : i64, scratch_operands = 6 : i64, tpu.core_type = #tpu.core_type<sc_vector_subcore>, window_params = [{transform_indices = #map}, {transform_indices = #map}, {transform_indices = #map1}, {transform_indices = #map1}, {transform_indices = #map2}, {transform_indices = #map2}, {transform_indices = #map2}]} {
    %mul3A = arith.constant 16 : i32
    %mul3A_0 = arith.muli %arg0, %mul3A : i32
    %add3A = arith.addi %mul3A_0, %arg1 : i32
    %mul3A_1 = arith.constant 10000 : i32
    %mul3A_2 = arith.muli %add3A, %mul3A_1 : i32
    %mul3A_3 = arith.constant 640 : i32
    %mul3A_4 = arith.muli %arg1, %mul3A_3 : i32
    %broadcast_in_dim3A = arith.constant 0.000000e+00 : f32
    %broadcast_in_dim3A_5 = vector.broadcast %broadcast_in_dim3A : f32 to vector<16xf32>
    %scan3A = arith.constant 0 : i32
    %scan3A_6 = arith.constant 0 : i32
    %scan3A_7 = arith.constant 128 : i32
    %scan3A_8 = arith.addi %scan3A_6, %scan3A_7 : i32
    %scan3A_9 = arith.constant 1 : i32
    %scan3A_10 = scf.for %scan3A_149 = %scan3A_6 to %scan3A_8 step %scan3A_9 iter_args(%scan3A_150 = %scan3A) -> (i32)  : i32 {
      %swap3A = arith.index_cast %scan3A_149 : i32 to index
      %swap3A_151 = arith.constant 0 : index
      %swap3A_152 = tpu.vector_load %arg10[%swap3A, %swap3A_151] {strides = array<i32>} : memref<128x128xf32, #tpu.memory_space<vmem>>, vector<1x16xf32>,
      %swap3A_153 = vector.shape_cast %swap3A_152 : vector<1x16xf32> to vector<16xf32>
      %swap3A_154 = vector.shape_cast %broadcast_in_dim3A_5 : vector<16xf32> to vector<1x16xf32>
      tpu.vector_store %arg10[%swap3A, %swap3A_151], %swap3A_154 {strides = array<i32>} : memref<128x128xf32, #tpu.memory_space<vmem>>, vector<1x16xf32>,
      %swap3A_155 = arith.index_cast %scan3A_149 : i32 to index
      %swap3A_156 = arith.constant 16 : index
      %swap3A_157 = tpu.vector_load %arg10[%swap3A_155, %swap3A_156] {strides = array<i32>} : memref<128x128xf32, #tpu.memory_space<vmem>>, vector<1x16xf32>,
      %swap3A_158 = vector.shape_cast %swap3A_157 : vector<1x16xf32> to vector<16xf32>
      %swap3A_159 = vector.shape_cast %broadcast_in_dim3A_5 : vector<16xf32> to vector<1x16xf32>
      tpu.vector_store %arg10[%swap3A_155, %swap3A_156], %swap3A_159 {strides = array<i32>} : memref<128x128xf32, #tpu.memory_space<vmem>>, vector<1x16xf32>,
      %swap3A_160 = arith.index_cast %scan3A_149 : i32 to index
      %swap3A_161 = arith.constant 32 : index
      %swap3A_162 = tpu.vector_load %arg10[%swap3A_160, %swap3A_161] {strides = array<i32>} : memref<128x128xf32, #tpu.memory_space<vmem>>, vector<1x16xf32>,
      %swap3A_163 = vector.shape_cast %swap3A_162 : vector<1x16xf32> to vector<16xf32>
      %swap3A_164 = vector.shape_cast %broadcast_in_dim3A_5 : vector<16xf32> to vector<1x16xf32>
      tpu.vector_store %arg10[%swap3A_160, %swap3A_161], %swap3A_164 {strides = array<i32>} : memref<128x128xf32, #tpu.memory_space<vmem>>, vector<1x16xf32>,
      %swap3A_165 = arith.index_cast %scan3A_149 : i32 to index
      %swap3A_166 = arith.constant 48 : index
      %swap3A_167 = tpu.vector_load %arg10[%swap3A_165, %swap3A_166] {strides = array<i32>} : memref<128x128xf32, #tpu.memory_space<vmem>>, vector<1x16xf32>,
      %swap3A_168 = vector.shape_cast %swap3A_167 : vector<1x16xf32> to vector<16xf32>
      %swap3A_169 = vector.shape_cast %broadcast_in_dim3A_5 : vector<16xf32> to vector<1x16xf32>
      tpu.vector_store %arg10[%swap3A_165, %swap3A_166], %swap3A_169 {strides = array<i32>} : memref<128x128xf32, #tpu.memory_space<vmem>>, vector<1x16xf32>,
      %swap3A_170 = arith.index_cast %scan3A_149 : i32 to index
      %swap3A_171 = arith.constant 64 : index
      %swap3A_172 = tpu.vector_load %arg10[%swap3A_170, %swap3A_171] {strides = array<i32>} : memref<128x128xf32, #tpu.memory_space<vmem>>, vector<1x16xf32>,
      %swap3A_173 = vector.shape_cast %swap3A_172 : vector<1x16xf32> to vector<16xf32>
      %swap3A_174 = vector.shape_cast %broadcast_in_dim3A_5 : vector<16xf32> to vector<1x16xf32>
      tpu.vector_store %arg10[%swap3A_170, %swap3A_171], %swap3A_174 {strides = array<i32>} : memref<128x128xf32, #tpu.memory_space<vmem>>, vector<1x16xf32>,
      %swap3A_175 = arith.index_cast %scan3A_149 : i32 to index
      %swap3A_176 = arith.constant 80 : index
      %swap3A_177 = tpu.vector_load %arg10[%swap3A_175, %swap3A_176] {strides = array<i32>} : memref<128x128xf32, #tpu.memory_space<vmem>>, vector<1x16xf32>,
      %swap3A_178 = vector.shape_cast %swap3A_177 : vector<1x16xf32> to vector<16xf32>
      %swap3A_179 = vector.shape_cast %broadcast_in_dim3A_5 : vector<16xf32> to vector<1x16xf32>
      tpu.vector_store %arg10[%swap3A_175, %swap3A_176], %swap3A_179 {strides = array<i32>} : memref<128x128xf32, #tpu.memory_space<vmem>>, vector<1x16xf32>,
      %swap3A_180 = arith.index_cast %scan3A_149 : i32 to index
      %swap3A_181 = arith.constant 96 : index
      %swap3A_182 = tpu.vector_load %arg10[%swap3A_180, %swap3A_181] {strides = array<i32>} : memref<128x128xf32, #tpu.memory_space<vmem>>, vector<1x16xf32>,
      %swap3A_183 = vector.shape_cast %swap3A_182 : vector<1x16xf32> to vector<16xf32>
      %swap3A_184 = vector.shape_cast %broadcast_in_dim3A_5 : vector<16xf32> to vector<1x16xf32>
      tpu.vector_store %arg10[%swap3A_180, %swap3A_181], %swap3A_184 {strides = array<i32>} : memref<128x128xf32, #tpu.memory_space<vmem>>, vector<1x16xf32>,
      %swap3A_185 = arith.index_cast %scan3A_149 : i32 to index
      %swap3A_186 = arith.constant 112 : index
      %swap3A_187 = tpu.vector_load %arg10[%swap3A_185, %swap3A_186] {strides = array<i32>} : memref<128x128xf32, #tpu.memory_space<vmem>>, vector<1x16xf32>,
      %swap3A_188 = vector.shape_cast %swap3A_187 : vector<1x16xf32> to vector<16xf32>
      %swap3A_189 = vector.shape_cast %broadcast_in_dim3A_5 : vector<16xf32> to vector<1x16xf32>
      tpu.vector_store %arg10[%swap3A_185, %swap3A_186], %swap3A_189 {strides = array<i32>} : memref<128x128xf32, #tpu.memory_space<vmem>>, vector<1x16xf32>,
      %scan3A_190 = arith.constant 0 : i32
      scf.yield %scan3A_190 : i32
    }
    %scan3A_11 = arith.constant 128 : i32
    %add3A_12 = arith.constant 0 : i32
    %add3A_13 = arith.addi %mul3A_4, %add3A_12 : i32
    "tpu.region"() ({
      %run_scoped3A = tpu.sem_alloc : memref<!tpu.dma_semaphore, #tpu.memory_space<semaphore_mem>>
      %dma_start3A = arith.constant 0 : i32
      %dma_start3A_149 = tpu.memref_slice %arg9[%add3A_13, %dma_start3A] : memref<10240x128xf32, #tpu.memory_space<vmem_shared>> -> memref<128x128xf32, #tpu.memory_space<vmem_shared>>
      %dma_start3A_150 = arith.constant 0 : i32
      %dma_start3A_151 = tpu.memref_slice %arg9[%add3A_13, %dma_start3A_150] : memref<10240x128xf32, #tpu.memory_space<vmem_shared>> -> memref<128x128xf32, #tpu.memory_space<vmem_shared>>
      tpu.enqueue_dma source(%arg10 : memref<128x128xf32, #tpu.memory_space<vmem>>) target(%dma_start3A_151 : memref<128x128xf32, #tpu.memory_space<vmem_shared>>) target_semaphore(%run_scoped3A : memref<!tpu.dma_semaphore, #tpu.memory_space<semaphore_mem>>)
      %dma_wait3A = arith.constant 0 : i32
      %dma_wait3A_152 = tpu.memref_slice %arg9[%add3A_13, %dma_wait3A] : memref<10240x128xf32, #tpu.memory_space<vmem_shared>> -> memref<128x128xf32, #tpu.memory_space<vmem_shared>>
      %dma_wait3A_153 = arith.constant 0 : i32
      %dma_wait3A_154 = tpu.memref_slice %arg9[%add3A_13, %dma_wait3A_153] : memref<10240x128xf32, #tpu.memory_space<vmem_shared>> -> memref<128x128xf32, #tpu.memory_space<vmem_shared>>
      tpu.wait_dma2 semaphore(%run_scoped3A : memref<!tpu.dma_semaphore, #tpu.memory_space<semaphore_mem>>) src(%arg10 : memref<128x128xf32, #tpu.memory_space<vmem>>) dst(%dma_wait3A_154 : memref<128x128xf32, #tpu.memory_space<vmem_shared>>)
      tpu.yield
    }) : () -> ()
    %add3A_14 = arith.constant 128 : i32
    %add3A_15 = arith.addi %mul3A_4, %add3A_14 : i32
    "tpu.region"() ({
      %run_scoped3A = tpu.sem_alloc : memref<!tpu.dma_semaphore, #tpu.memory_space<semaphore_mem>>
      %dma_start3A = arith.constant 0 : i32
      %dma_start3A_149 = tpu.memref_slice %arg9[%add3A_15, %dma_start3A] : memref<10240x128xf32, #tpu.memory_space<vmem_shared>> -> memref<128x128xf32, #tpu.memory_space<vmem_shared>>
      %dma_start3A_150 = arith.constant 0 : i32
      %dma_start3A_151 = tpu.memref_slice %arg9[%add3A_15, %dma_start3A_150] : memref<10240x128xf32, #tpu.memory_space<vmem_shared>> -> memref<128x128xf32, #tpu.memory_space<vmem_shared>>
      tpu.enqueue_dma source(%arg10 : memref<128x128xf32, #tpu.memory_space<vmem>>) target(%dma_start3A_151 : memref<128x128xf32, #tpu.memory_space<vmem_shared>>) target_semaphore(%run_scoped3A : memref<!tpu.dma_semaphore, #tpu.memory_space<semaphore_mem>>)
      %dma_wait3A = arith.constant 0 : i32
      %dma_wait3A_152 = tpu.memref_slice %arg9[%add3A_15, %dma_wait3A] : memref<10240x128xf32, #tpu.memory_space<vmem_shared>> -> memref<128x128xf32, #tpu.memory_space<vmem_shared>>
      %dma_wait3A_153 = arith.constant 0 : i32
      %dma_wait3A_154 = tpu.memref_slice %arg9[%add3A_15, %dma_wait3A_153] : memref<10240x128xf32, #tpu.memory_space<vmem_shared>> -> memref<128x128xf32, #tpu.memory_space<vmem_shared>>
      tpu.wait_dma2 semaphore(%run_scoped3A : memref<!tpu.dma_semaphore, #tpu.memory_space<semaphore_mem>>) src(%arg10 : memref<128x128xf32, #tpu.memory_space<vmem>>) dst(%dma_wait3A_154 : memref<128x128xf32, #tpu.memory_space<vmem_shared>>)
      tpu.yield
    }) : () -> ()
    %add3A_16 = arith.constant 256 : i32
    %add3A_17 = arith.addi %mul3A_4, %add3A_16 : i32
    "tpu.region"() ({
      %run_scoped3A = tpu.sem_alloc : memref<!tpu.dma_semaphore, #tpu.memory_space<semaphore_mem>>
      %dma_start3A = arith.constant 0 : i32
      %dma_start3A_149 = tpu.memref_slice %arg9[%add3A_17, %dma_start3A] : memref<10240x128xf32, #tpu.memory_space<vmem_shared>> -> memref<128x128xf32, #tpu.memory_space<vmem_shared>>
      %dma_start3A_150 = arith.constant 0 : i32
      %dma_start3A_151 = tpu.memref_slice %arg9[%add3A_17, %dma_start3A_150] : memref<10240x128xf32, #tpu.memory_space<vmem_shared>> -> memref<128x128xf32, #tpu.memory_space<vmem_shared>>
      tpu.enqueue_dma source(%arg10 : memref<128x128xf32, #tpu.memory_space<vmem>>) target(%dma_start3A_151 : memref<128x128xf32, #tpu.memory_space<vmem_shared>>) target_semaphore(%run_scoped3A : memref<!tpu.dma_semaphore, #tpu.memory_space<semaphore_mem>>)
      %dma_wait3A = arith.constant 0 : i32
      %dma_wait3A_152 = tpu.memref_slice %arg9[%add3A_17, %dma_wait3A] : memref<10240x128xf32, #tpu.memory_space<vmem_shared>> -> memref<128x128xf32, #tpu.memory_space<vmem_shared>>
      %dma_wait3A_153 = arith.constant 0 : i32
      %dma_wait3A_154 = tpu.memref_slice %arg9[%add3A_17, %dma_wait3A_153] : memref<10240x128xf32, #tpu.memory_space<vmem_shared>> -> memref<128x128xf32, #tpu.memory_space<vmem_shared>>
      tpu.wait_dma2 semaphore(%run_scoped3A : memref<!tpu.dma_semaphore, #tpu.memory_space<semaphore_mem>>) src(%arg10 : memref<128x128xf32, #tpu.memory_space<vmem>>) dst(%dma_wait3A_154 : memref<128x128xf32, #tpu.memory_space<vmem_shared>>)
      tpu.yield
    }) : () -> ()
    %add3A_18 = arith.constant 384 : i32
    %add3A_19 = arith.addi %mul3A_4, %add3A_18 : i32
    "tpu.region"() ({
      %run_scoped3A = tpu.sem_alloc : memref<!tpu.dma_semaphore, #tpu.memory_space<semaphore_mem>>
      %dma_start3A = arith.constant 0 : i32
      %dma_start3A_149 = tpu.memref_slice %arg9[%add3A_19, %dma_start3A] : memref<10240x128xf32, #tpu.memory_space<vmem_shared>> -> memref<128x128xf32, #tpu.memory_space<vmem_shared>>
      %dma_start3A_150 = arith.constant 0 : i32
      %dma_start3A_151 = tpu.memref_slice %arg9[%add3A_19, %dma_start3A_150] : memref<10240x128xf32, #tpu.memory_space<vmem_shared>> -> memref<128x128xf32, #tpu.memory_space<vmem_shared>>
      tpu.enqueue_dma source(%arg10 : memref<128x128xf32, #tpu.memory_space<vmem>>) target(%dma_start3A_151 : memref<128x128xf32, #tpu.memory_space<vmem_shared>>) target_semaphore(%run_scoped3A : memref<!tpu.dma_semaphore, #tpu.memory_space<semaphore_mem>>)
      %dma_wait3A = arith.constant 0 : i32
      %dma_wait3A_152 = tpu.memref_slice %arg9[%add3A_19, %dma_wait3A] : memref<10240x128xf32, #tpu.memory_space<vmem_shared>> -> memref<128x128xf32, #tpu.memory_space<vmem_shared>>
      %dma_wait3A_153 = arith.constant 0 : i32
      %dma_wait3A_154 = tpu.memref_slice %arg9[%add3A_19, %dma_wait3A_153] : memref<10240x128xf32, #tpu.memory_space<vmem_shared>> -> memref<128x128xf32, #tpu.memory_space<vmem_shared>>
      tpu.wait_dma2 semaphore(%run_scoped3A : memref<!tpu.dma_semaphore, #tpu.memory_space<semaphore_mem>>) src(%arg10 : memref<128x128xf32, #tpu.memory_space<vmem>>) dst(%dma_wait3A_154 : memref<128x128xf32, #tpu.memory_space<vmem_shared>>)
      tpu.yield
    }) : () -> ()
    %add3A_20 = arith.constant 512 : i32
    %add3A_21 = arith.addi %mul3A_4, %add3A_20 : i32
    "tpu.region"() ({
      %run_scoped3A = tpu.sem_alloc : memref<!tpu.dma_semaphore, #tpu.memory_space<semaphore_mem>>
      %dma_start3A = arith.constant 0 : i32
      %dma_start3A_149 = tpu.memref_slice %arg9[%add3A_21, %dma_start3A] : memref<10240x128xf32, #tpu.memory_space<vmem_shared>> -> memref<128x128xf32, #tpu.memory_space<vmem_shared>>
      %dma_start3A_150 = arith.constant 0 : i32
      %dma_start3A_151 = tpu.memref_slice %arg9[%add3A_21, %dma_start3A_150] : memref<10240x128xf32, #tpu.memory_space<vmem_shared>> -> memref<128x128xf32, #tpu.memory_space<vmem_shared>>
      tpu.enqueue_dma source(%arg10 : memref<128x128xf32, #tpu.memory_space<vmem>>) target(%dma_start3A_151 : memref<128x128xf32, #tpu.memory_space<vmem_shared>>) target_semaphore(%run_scoped3A : memref<!tpu.dma_semaphore, #tpu.memory_space<semaphore_mem>>)
      %dma_wait3A = arith.constant 0 : i32
      %dma_wait3A_152 = tpu.memref_slice %arg9[%add3A_21, %dma_wait3A] : memref<10240x128xf32, #tpu.memory_space<vmem_shared>> -> memref<128x128xf32, #tpu.memory_space<vmem_shared>>
      %dma_wait3A_153 = arith.constant 0 : i32
      %dma_wait3A_154 = tpu.memref_slice %arg9[%add3A_21, %dma_wait3A_153] : memref<10240x128xf32, #tpu.memory_space<vmem_shared>> -> memref<128x128xf32, #tpu.memory_space<vmem_shared>>
      tpu.wait_dma2 semaphore(%run_scoped3A : memref<!tpu.dma_semaphore, #tpu.memory_space<semaphore_mem>>) src(%arg10 : memref<128x128xf32, #tpu.memory_space<vmem>>) dst(%dma_wait3A_154 : memref<128x128xf32, #tpu.memory_space<vmem_shared>>)
      tpu.yield
    }) : () -> ()
    %barrier3A = arith.constant 0 : index
    tpu.barrier barrier_id(%barrier3A)
    %scan3A_22 = arith.constant 0 : i32
    %scan3A_23 = arith.constant 0 : i32
    %scan3A_24 = arith.constant 125 : i32
    %scan3A_25 = arith.addi %scan3A_23, %scan3A_24 : i32
    %scan3A_26 = arith.constant 1 : i32
    %scan3A_27 = scf.for %scan3A_149 = %scan3A_23 to %scan3A_25 step %scan3A_26 iter_args(%scan3A_150 = %scan3A_22) -> (i32)  : i32 {
      %mul3A_151 = arith.constant 80 : i32
      %mul3A_152 = arith.muli %scan3A_149, %mul3A_151 : i32
      %add3A_153 = arith.addi %mul3A_2, %mul3A_152 : i32
      "tpu.region"() ({
        %run_scoped3A = tpu.sem_alloc : memref<!tpu.dma_semaphore, #tpu.memory_space<semaphore_mem>>
        %dma_start3A_159 = tpu.memref_slice %arg2[%add3A_153] : memref<320000xi32, #tpu.memory_space<hbm>> -> memref<80xi32, #tpu.memory_space<hbm>>
        %dma_start3A_160 = tpu.memref_slice %arg2[%add3A_153] : memref<320000xi32, #tpu.memory_space<hbm>> -> memref<80xi32, #tpu.memory_space<hbm>>
        tpu.enqueue_dma source(%dma_start3A_160 : memref<80xi32, #tpu.memory_space<hbm>>) target(%arg12 : memref<80xi32, #tpu.memory_space<vmem>>) target_semaphore(%run_scoped3A : memref<!tpu.dma_semaphore, #tpu.memory_space<semaphore_mem>>)
        %dma_wait3A_161 = tpu.memref_slice %arg2[%add3A_153] : memref<320000xi32, #tpu.memory_space<hbm>> -> memref<80xi32, #tpu.memory_space<hbm>>
        %dma_wait3A_162 = tpu.memref_slice %arg2[%add3A_153] : memref<320000xi32, #tpu.memory_space<hbm>> -> memref<80xi32, #tpu.memory_space<hbm>>
        tpu.wait_dma2 semaphore(%run_scoped3A : memref<!tpu.dma_semaphore, #tpu.memory_space<semaphore_mem>>) src(%dma_wait3A_162 : memref<80xi32, #tpu.memory_space<hbm>>) dst(%arg12 : memref<80xi32, #tpu.memory_space<vmem>>)
        tpu.yield
      }) : () -> ()
      "tpu.region"() ({
        %run_scoped3A = tpu.sem_alloc : memref<!tpu.dma_semaphore, #tpu.memory_space<semaphore_mem>>
        %dma_start3A_159 = tpu.memref_slice %arg3[%add3A_153] : memref<320000xi32, #tpu.memory_space<hbm>> -> memref<80xi32, #tpu.memory_space<hbm>>
        %dma_start3A_160 = tpu.memref_slice %arg3[%add3A_153] : memref<320000xi32, #tpu.memory_space<hbm>> -> memref<80xi32, #tpu.memory_space<hbm>>
        tpu.enqueue_dma source(%dma_start3A_160 : memref<80xi32, #tpu.memory_space<hbm>>) target(%arg13 : memref<80xi32, #tpu.memory_space<vmem>>) target_semaphore(%run_scoped3A : memref<!tpu.dma_semaphore, #tpu.memory_space<semaphore_mem>>)
        %dma_wait3A_161 = tpu.memref_slice %arg3[%add3A_153] : memref<320000xi32, #tpu.memory_space<hbm>> -> memref<80xi32, #tpu.memory_space<hbm>>
        %dma_wait3A_162 = tpu.memref_slice %arg3[%add3A_153] : memref<320000xi32, #tpu.memory_space<hbm>> -> memref<80xi32, #tpu.memory_space<hbm>>
        tpu.wait_dma2 semaphore(%run_scoped3A : memref<!tpu.dma_semaphore, #tpu.memory_space<semaphore_mem>>) src(%dma_wait3A_162 : memref<80xi32, #tpu.memory_space<hbm>>) dst(%arg13 : memref<80xi32, #tpu.memory_space<vmem>>)
        tpu.yield
      }) : () -> ()
      %dma_start3A = arith.constant 0 : i32
      %dma_start3A_154 = arith.constant 0 : i32
      %dma_start3A_155 = tpu.memref_slice %arg4[%dma_start3A, %dma_start3A_154] : memref<10000x128xf32, #tpu.memory_space<hbm>> -> memref<10000x128xf32, #tpu.memory_space<hbm>>
      tpu.enqueue_indirect_dma source(%dma_start3A_155 : memref<10000x128xf32, #tpu.memory_space<hbm>>) target(%arg11 : memref<80x128xf32, #tpu.memory_space<vmem>>) offsets(%arg12 : memref<80xi32, #tpu.memory_space<vmem>>) semaphore(%arg14 : memref<!tpu.dma_semaphore, #tpu.memory_space<semaphore_mem>>)
      %dma_wait3A = arith.constant 0 : i32
      %dma_wait3A_156 = arith.constant 0 : i32
      %dma_wait3A_157 = tpu.memref_slice %arg4[%dma_wait3A, %dma_wait3A_156] : memref<10000x128xf32, #tpu.memory_space<hbm>> -> memref<10000x128xf32, #tpu.memory_space<hbm>>
      tpu.wait_indirect_dma semaphore(%arg14 : memref<!tpu.dma_semaphore, #tpu.memory_space<semaphore_mem>>) src(%dma_wait3A_157 : memref<10000x128xf32, #tpu.memory_space<hbm>>) dst(%arg11 : memref<80x128xf32, #tpu.memory_space<vmem>>)
      "tpu.region"() ({
        %run_scoped3A = tpu.sem_alloc : memref<!tpu.dma_semaphore, #tpu.memory_space<semaphore_mem>>
        %dma_start3A_159 = arith.constant 0 : i32
        %dma_start3A_160 = arith.constant 0 : i32
        %dma_start3A_161 = tpu.memref_slice %arg9[%dma_start3A_159, %dma_start3A_160] : memref<10240x128xf32, #tpu.memory_space<vmem_shared>> -> memref<10240x128xf32, #tpu.memory_space<vmem_shared>>
        tpu.enqueue_indirect_dma source(%arg11 : memref<80x128xf32, #tpu.memory_space<vmem>>) target(%dma_start3A_161 : memref<10240x128xf32, #tpu.memory_space<vmem_shared>>) offsets(%arg13 : memref<80xi32, #tpu.memory_space<vmem>>) semaphore(%run_scoped3A : memref<!tpu.dma_semaphore, #tpu.memory_space<semaphore_mem>>) {add = true}
        %dma_wait3A_162 = arith.constant 0 : i32
        %dma_wait3A_163 = arith.constant 0 : i32
        %dma_wait3A_164 = tpu.memref_slice %arg9[%dma_wait3A_162, %dma_wait3A_163] : memref<10240x128xf32, #tpu.memory_space<vmem_shared>> -> memref<10240x128xf32, #tpu.memory_space<vmem_shared>>
        tpu.wait_indirect_dma semaphore(%run_scoped3A : memref<!tpu.dma_semaphore, #tpu.memory_space<semaphore_mem>>) src(%arg11 : memref<80x128xf32, #tpu.memory_space<vmem>>) dst(%dma_wait3A_164 : memref<10240x128xf32, #tpu.memory_space<vmem_shared>>)
        tpu.yield
      }) : () -> ()
      %scan3A_158 = arith.constant 0 : i32
      scf.yield %scan3A_158 : i32
    }
    %scan3A_28 = arith.constant 125 : i32
    %barrier3A_29 = arith.constant 0 : index
    tpu.barrier barrier_id(%barrier3A_29)
    %add3A_30 = arith.constant 0 : i32
    %add3A_31 = arith.addi %mul3A_4, %add3A_30 : i32
    "tpu.region"() ({
      %run_scoped3A = tpu.sem_alloc : memref<!tpu.dma_semaphore, #tpu.memory_space<semaphore_mem>>
      %dma_start3A = arith.constant 0 : i32
      %dma_start3A_149 = tpu.memref_slice %arg9[%add3A_31, %dma_start3A] : memref<10240x128xf32, #tpu.memory_space<vmem_shared>> -> memref<128x128xf32, #tpu.memory_space<vmem_shared>>
      %dma_start3A_150 = arith.constant 0 : i32
      %dma_start3A_151 = tpu.memref_slice %arg9[%add3A_31, %dma_start3A_150] : memref<10240x128xf32, #tpu.memory_space<vmem_shared>> -> memref<128x128xf32, #tpu.memory_space<vmem_shared>>
      tpu.enqueue_dma source(%dma_start3A_151 : memref<128x128xf32, #tpu.memory_space<vmem_shared>>) target(%arg10 : memref<128x128xf32, #tpu.memory_space<vmem>>) target_semaphore(%run_scoped3A : memref<!tpu.dma_semaphore, #tpu.memory_space<semaphore_mem>>)
      %dma_wait3A = arith.constant 0 : i32
      %dma_wait3A_152 = tpu.memref_slice %arg9[%add3A_31, %dma_wait3A] : memref<10240x128xf32, #tpu.memory_space<vmem_shared>> -> memref<128x128xf32, #tpu.memory_space<vmem_shared>>
      %dma_wait3A_153 = arith.constant 0 : i32
      %dma_wait3A_154 = tpu.memref_slice %arg9[%add3A_31, %dma_wait3A_153] : memref<10240x128xf32, #tpu.memory_space<vmem_shared>> -> memref<128x128xf32, #tpu.memory_space<vmem_shared>>
      tpu.wait_dma2 semaphore(%run_scoped3A : memref<!tpu.dma_semaphore, #tpu.memory_space<semaphore_mem>>) src(%dma_wait3A_154 : memref<128x128xf32, #tpu.memory_space<vmem_shared>>) dst(%arg10 : memref<128x128xf32, #tpu.memory_space<vmem>>)
      tpu.yield
    }) : () -> ()
    %add3A_32 = arith.constant 0 : i32
    %add3A_33 = arith.addi %mul3A_4, %add3A_32 : i32
    "tpu.region"() ({
      %run_scoped3A = tpu.sem_alloc : memref<!tpu.dma_semaphore, #tpu.memory_space<semaphore_mem>>
      %dma_start3A = arith.constant 0 : i32
      %dma_start3A_149 = tpu.memref_slice %arg6[%arg0, %add3A_33, %dma_start3A] : memref<2x10240x128xf32, #tpu.memory_space<hbm>> -> memref<1x128x128xf32, #tpu.memory_space<hbm>>
      %dma_start3A_150 = tpu.memref_squeeze %dma_start3A_149 : memref<1x128x128xf32, #tpu.memory_space<hbm>> -> memref<128x128xf32, #tpu.memory_space<hbm>>
      %dma_start3A_151 = arith.constant 0 : i32
      %dma_start3A_152 = tpu.memref_slice %arg6[%arg0, %add3A_33, %dma_start3A_151] : memref<2x10240x128xf32, #tpu.memory_space<hbm>> -> memref<1x128x128xf32, #tpu.memory_space<hbm>>
      %dma_start3A_153 = tpu.memref_squeeze %dma_start3A_152 : memref<1x128x128xf32, #tpu.memory_space<hbm>> -> memref<128x128xf32, #tpu.memory_space<hbm>>
      tpu.enqueue_dma source(%arg10 : memref<128x128xf32, #tpu.memory_space<vmem>>) target(%dma_start3A_153 : memref<128x128xf32, #tpu.memory_space<hbm>>) target_semaphore(%run_scoped3A : memref<!tpu.dma_semaphore, #tpu.memory_space<semaphore_mem>>)
      %dma_wait3A = arith.constant 0 : i32
      %dma_wait3A_154 = tpu.memref_slice %arg6[%arg0, %add3A_33, %dma_wait3A] : memref<2x10240x128xf32, #tpu.memory_space<hbm>> -> memref<1x128x128xf32, #tpu.memory_space<hbm>>
      %dma_wait3A_155 = tpu.memref_squeeze %dma_wait3A_154 : memref<1x128x128xf32, #tpu.memory_space<hbm>> -> memref<128x128xf32, #tpu.memory_space<hbm>>
      %dma_wait3A_156 = arith.constant 0 : i32
      %dma_wait3A_157 = tpu.memref_slice %arg6[%arg0, %add3A_33, %dma_wait3A_156] : memref<2x10240x128xf32, #tpu.memory_space<hbm>> -> memref<1x128x128xf32, #tpu.memory_space<hbm>>
      %dma_wait3A_158 = tpu.memref_squeeze %dma_wait3A_157 : memref<1x128x128xf32, #tpu.memory_space<hbm>> -> memref<128x128xf32, #tpu.memory_space<hbm>>
      tpu.wait_dma2 semaphore(%run_scoped3A : memref<!tpu.dma_semaphore, #tpu.memory_space<semaphore_mem>>) src(%arg10 : memref<128x128xf32, #tpu.memory_space<vmem>>) dst(%dma_wait3A_158 : memref<128x128xf32, #tpu.memory_space<hbm>>)
      tpu.yield
    }) : () -> ()
    %add3A_34 = arith.constant 128 : i32
    %add3A_35 = arith.addi %mul3A_4, %add3A_34 : i32
    "tpu.region"() ({
      %run_scoped3A = tpu.sem_alloc : memref<!tpu.dma_semaphore, #tpu.memory_space<semaphore_mem>>
      %dma_start3A = arith.constant 0 : i32
      %dma_start3A_149 = tpu.memref_slice %arg9[%add3A_35, %dma_start3A] : memref<10240x128xf32, #tpu.memory_space<vmem_shared>> -> memref<128x128xf32, #tpu.memory_space<vmem_shared>>
      %dma_start3A_150 = arith.constant 0 : i32
      %dma_start3A_151 = tpu.memref_slice %arg9[%add3A_35, %dma_start3A_150] : memref<10240x128xf32, #tpu.memory_space<vmem_shared>> -> memref<128x128xf32, #tpu.memory_space<vmem_shared>>
      tpu.enqueue_dma source(%dma_start3A_151 : memref<128x128xf32, #tpu.memory_space<vmem_shared>>) target(%arg10 : memref<128x128xf32, #tpu.memory_space<vmem>>) target_semaphore(%run_scoped3A : memref<!tpu.dma_semaphore, #tpu.memory_space<semaphore_mem>>)
      %dma_wait3A = arith.constant 0 : i32
      %dma_wait3A_152 = tpu.memref_slice %arg9[%add3A_35, %dma_wait3A] : memref<10240x128xf32, #tpu.memory_space<vmem_shared>> -> memref<128x128xf32, #tpu.memory_space<vmem_shared>>
      %dma_wait3A_153 = arith.constant 0 : i32
      %dma_wait3A_154 = tpu.memref_slice %arg9[%add3A_35, %dma_wait3A_153] : memref<10240x128xf32, #tpu.memory_space<vmem_shared>> -> memref<128x128xf32, #tpu.memory_space<vmem_shared>>
      tpu.wait_dma2 semaphore(%run_scoped3A : memref<!tpu.dma_semaphore, #tpu.memory_space<semaphore_mem>>) src(%dma_wait3A_154 : memref<128x128xf32, #tpu.memory_space<vmem_shared>>) dst(%arg10 : memref<128x128xf32, #tpu.memory_space<vmem>>)
      tpu.yield
    }) : () -> ()
    %add3A_36 = arith.constant 128 : i32
    %add3A_37 = arith.addi %mul3A_4, %add3A_36 : i32
    "tpu.region"() ({
      %run_scoped3A = tpu.sem_alloc : memref<!tpu.dma_semaphore, #tpu.memory_space<semaphore_mem>>
      %dma_start3A = arith.constant 0 : i32
      %dma_start3A_149 = tpu.memref_slice %arg6[%arg0, %add3A_37, %dma_start3A] : memref<2x10240x128xf32, #tpu.memory_space<hbm>> -> memref<1x128x128xf32, #tpu.memory_space<hbm>>
      %dma_start3A_150 = tpu.memref_squeeze %dma_start3A_149 : memref<1x128x128xf32, #tpu.memory_space<hbm>> -> memref<128x128xf32, #tpu.memory_space<hbm>>
      %dma_start3A_151 = arith.constant 0 : i32
      %dma_start3A_152 = tpu.memref_slice %arg6[%arg0, %add3A_37, %dma_start3A_151] : memref<2x10240x128xf32, #tpu.memory_space<hbm>> -> memref<1x128x128xf32, #tpu.memory_space<hbm>>
      %dma_start3A_153 = tpu.memref_squeeze %dma_start3A_152 : memref<1x128x128xf32, #tpu.memory_space<hbm>> -> memref<128x128xf32, #tpu.memory_space<hbm>>
      tpu.enqueue_dma source(%arg10 : memref<128x128xf32, #tpu.memory_space<vmem>>) target(%dma_start3A_153 : memref<128x128xf32, #tpu.memory_space<hbm>>) target_semaphore(%run_scoped3A : memref<!tpu.dma_semaphore, #tpu.memory_space<semaphore_mem>>)
      %dma_wait3A = arith.constant 0 : i32
      %dma_wait3A_154 = tpu.memref_slice %arg6[%arg0, %add3A_37, %dma_wait3A] : memref<2x10240x128xf32, #tpu.memory_space<hbm>> -> memref<1x128x128xf32, #tpu.memory_space<hbm>>
      %dma_wait3A_155 = tpu.memref_squeeze %dma_wait3A_154 : memref<1x128x128xf32, #tpu.memory_space<hbm>> -> memref<128x128xf32, #tpu.memory_space<hbm>>
      %dma_wait3A_156 = arith.constant 0 : i32
      %dma_wait3A_157 = tpu.memref_slice %arg6[%arg0, %add3A_37, %dma_wait3A_156] : memref<2x10240x128xf32, #tpu.memory_space<hbm>> -> memref<1x128x128xf32, #tpu.memory_space<hbm>>
      %dma_wait3A_158 = tpu.memref_squeeze %dma_wait3A_157 : memref<1x128x128xf32, #tpu.memory_space<hbm>> -> memref<128x128xf32, #tpu.memory_space<hbm>>
      tpu.wait_dma2 semaphore(%run_scoped3A : memref<!tpu.dma_semaphore, #tpu.memory_space<semaphore_mem>>) src(%arg10 : memref<128x128xf32, #tpu.memory_space<vmem>>) dst(%dma_wait3A_158 : memref<128x128xf32, #tpu.memory_space<hbm>>)
      tpu.yield
    }) : () -> ()
    %add3A_38 = arith.constant 256 : i32
    %add3A_39 = arith.addi %mul3A_4, %add3A_38 : i32
    "tpu.region"() ({
      %run_scoped3A = tpu.sem_alloc : memref<!tpu.dma_semaphore, #tpu.memory_space<semaphore_mem>>
      %dma_start3A = arith.constant 0 : i32
      %dma_start3A_149 = tpu.memref_slice %arg9[%add3A_39, %dma_start3A] : memref<10240x128xf32, #tpu.memory_space<vmem_shared>> -> memref<128x128xf32, #tpu.memory_space<vmem_shared>>
      %dma_start3A_150 = arith.constant 0 : i32
      %dma_start3A_151 = tpu.memref_slice %arg9[%add3A_39, %dma_start3A_150] : memref<10240x128xf32, #tpu.memory_space<vmem_shared>> -> memref<128x128xf32, #tpu.memory_space<vmem_shared>>
      tpu.enqueue_dma source(%dma_start3A_151 : memref<128x128xf32, #tpu.memory_space<vmem_shared>>) target(%arg10 : memref<128x128xf32, #tpu.memory_space<vmem>>) target_semaphore(%run_scoped3A : memref<!tpu.dma_semaphore, #tpu.memory_space<semaphore_mem>>)
      %dma_wait3A = arith.constant 0 : i32
      %dma_wait3A_152 = tpu.memref_slice %arg9[%add3A_39, %dma_wait3A] : memref<10240x128xf32, #tpu.memory_space<vmem_shared>> -> memref<128x128xf32, #tpu.memory_space<vmem_shared>>
      %dma_wait3A_153 = arith.constant 0 : i32
      %dma_wait3A_154 = tpu.memref_slice %arg9[%add3A_39, %dma_wait3A_153] : memref<10240x128xf32, #tpu.memory_space<vmem_shared>> -> memref<128x128xf32, #tpu.memory_space<vmem_shared>>
      tpu.wait_dma2 semaphore(%run_scoped3A : memref<!tpu.dma_semaphore, #tpu.memory_space<semaphore_mem>>) src(%dma_wait3A_154 : memref<128x128xf32, #tpu.memory_space<vmem_shared>>) dst(%arg10 : memref<128x128xf32, #tpu.memory_space<vmem>>)
      tpu.yield
    }) : () -> ()
    %add3A_40 = arith.constant 256 : i32
    %add3A_41 = arith.addi %mul3A_4, %add3A_40 : i32
    "tpu.region"() ({
      %run_scoped3A = tpu.sem_alloc : memref<!tpu.dma_semaphore, #tpu.memory_space<semaphore_mem>>
      %dma_start3A = arith.constant 0 : i32
      %dma_start3A_149 = tpu.memref_slice %arg6[%arg0, %add3A_41, %dma_start3A] : memref<2x10240x128xf32, #tpu.memory_space<hbm>> -> memref<1x128x128xf32, #tpu.memory_space<hbm>>
      %dma_start3A_150 = tpu.memref_squeeze %dma_start3A_149 : memref<1x128x128xf32, #tpu.memory_space<hbm>> -> memref<128x128xf32, #tpu.memory_space<hbm>>
      %dma_start3A_151 = arith.constant 0 : i32
      %dma_start3A_152 = tpu.memref_slice %arg6[%arg0, %add3A_41, %dma_start3A_151] : memref<2x10240x128xf32, #tpu.memory_space<hbm>> -> memref<1x128x128xf32, #tpu.memory_space<hbm>>
      %dma_start3A_153 = tpu.memref_squeeze %dma_start3A_152 : memref<1x128x128xf32, #tpu.memory_space<hbm>> -> memref<128x128xf32, #tpu.memory_space<hbm>>
      tpu.enqueue_dma source(%arg10 : memref<128x128xf32, #tpu.memory_space<vmem>>) target(%dma_start3A_153 : memref<128x128xf32, #tpu.memory_space<hbm>>) target_semaphore(%run_scoped3A : memref<!tpu.dma_semaphore, #tpu.memory_space<semaphore_mem>>)
      %dma_wait3A = arith.constant 0 : i32
      %dma_wait3A_154 = tpu.memref_slice %arg6[%arg0, %add3A_41, %dma_wait3A] : memref<2x10240x128xf32, #tpu.memory_space<hbm>> -> memref<1x128x128xf32, #tpu.memory_space<hbm>>
      %dma_wait3A_155 = tpu.memref_squeeze %dma_wait3A_154 : memref<1x128x128xf32, #tpu.memory_space<hbm>> -> memref<128x128xf32, #tpu.memory_space<hbm>>
      %dma_wait3A_156 = arith.constant 0 : i32
      %dma_wait3A_157 = tpu.memref_slice %arg6[%arg0, %add3A_41, %dma_wait3A_156] : memref<2x10240x128xf32, #tpu.memory_space<hbm>> -> memref<1x128x128xf32, #tpu.memory_space<hbm>>
      %dma_wait3A_158 = tpu.memref_squeeze %dma_wait3A_157 : memref<1x128x128xf32, #tpu.memory_space<hbm>> -> memref<128x128xf32, #tpu.memory_space<hbm>>
      tpu.wait_dma2 semaphore(%run_scoped3A : memref<!tpu.dma_semaphore, #tpu.memory_space<semaphore_mem>>) src(%arg10 : memref<128x128xf32, #tpu.memory_space<vmem>>) dst(%dma_wait3A_158 : memref<128x128xf32, #tpu.memory_space<hbm>>)
      tpu.yield
    }) : () -> ()
    %add3A_42 = arith.constant 384 : i32
    %add3A_43 = arith.addi %mul3A_4, %add3A_42 : i32
    "tpu.region"() ({
      %run_scoped3A = tpu.sem_alloc : memref<!tpu.dma_semaphore, #tpu.memory_space<semaphore_mem>>
      %dma_start3A = arith.constant 0 : i32
      %dma_start3A_149 = tpu.memref_slice %arg9[%add3A_43, %dma_start3A] : memref<10240x128xf32, #tpu.memory_space<vmem_shared>> -> memref<128x128xf32, #tpu.memory_space<vmem_shared>>
      %dma_start3A_150 = arith.constant 0 : i32
      %dma_start3A_151 = tpu.memref_slice %arg9[%add3A_43, %dma_start3A_150] : memref<10240x128xf32, #tpu.memory_space<vmem_shared>> -> memref<128x128xf32, #tpu.memory_space<vmem_shared>>
      tpu.enqueue_dma source(%dma_start3A_151 : memref<128x128xf32, #tpu.memory_space<vmem_shared>>) target(%arg10 : memref<128x128xf32, #tpu.memory_space<vmem>>) target_semaphore(%run_scoped3A : memref<!tpu.dma_semaphore, #tpu.memory_space<semaphore_mem>>)
      %dma_wait3A = arith.constant 0 : i32
      %dma_wait3A_152 = tpu.memref_slice %arg9[%add3A_43, %dma_wait3A] : memref<10240x128xf32, #tpu.memory_space<vmem_shared>> -> memref<128x128xf32, #tpu.memory_space<vmem_shared>>
      %dma_wait3A_153 = arith.constant 0 : i32
      %dma_wait3A_154 = tpu.memref_slice %arg9[%add3A_43, %dma_wait3A_153] : memref<10240x128xf32, #tpu.memory_space<vmem_shared>> -> memref<128x128xf32, #tpu.memory_space<vmem_shared>>
      tpu.wait_dma2 semaphore(%run_scoped3A : memref<!tpu.dma_semaphore, #tpu.memory_space<semaphore_mem>>) src(%dma_wait3A_154 : memref<128x128xf32, #tpu.memory_space<vmem_shared>>) dst(%arg10 : memref<128x128xf32, #tpu.memory_space<vmem>>)
      tpu.yield
    }) : () -> ()
    %add3A_44 = arith.constant 384 : i32
    %add3A_45 = arith.addi %mul3A_4, %add3A_44 : i32
    "tpu.region"() ({
      %run_scoped3A = tpu.sem_alloc : memref<!tpu.dma_semaphore, #tpu.memory_space<semaphore_mem>>
      %dma_start3A = arith.constant 0 : i32
      %dma_start3A_149 = tpu.memref_slice %arg6[%arg0, %add3A_45, %dma_start3A] : memref<2x10240x128xf32, #tpu.memory_space<hbm>> -> memref<1x128x128xf32, #tpu.memory_space<hbm>>
      %dma_start3A_150 = tpu.memref_squeeze %dma_start3A_149 : memref<1x128x128xf32, #tpu.memory_space<hbm>> -> memref<128x128xf32, #tpu.memory_space<hbm>>
      %dma_start3A_151 = arith.constant 0 : i32
      %dma_start3A_152 = tpu.memref_slice %arg6[%arg0, %add3A_45, %dma_start3A_151] : memref<2x10240x128xf32, #tpu.memory_space<hbm>> -> memref<1x128x128xf32, #tpu.memory_space<hbm>>
      %dma_start3A_153 = tpu.memref_squeeze %dma_start3A_152 : memref<1x128x128xf32, #tpu.memory_space<hbm>> -> memref<128x128xf32, #tpu.memory_space<hbm>>
      tpu.enqueue_dma source(%arg10 : memref<128x128xf32, #tpu.memory_space<vmem>>) target(%dma_start3A_153 : memref<128x128xf32, #tpu.memory_space<hbm>>) target_semaphore(%run_scoped3A : memref<!tpu.dma_semaphore, #tpu.memory_space<semaphore_mem>>)
      %dma_wait3A = arith.constant 0 : i32
      %dma_wait3A_154 = tpu.memref_slice %arg6[%arg0, %add3A_45, %dma_wait3A] : memref<2x10240x128xf32, #tpu.memory_space<hbm>> -> memref<1x128x128xf32, #tpu.memory_space<hbm>>
      %dma_wait3A_155 = tpu.memref_squeeze %dma_wait3A_154 : memref<1x128x128xf32, #tpu.memory_space<hbm>> -> memref<128x128xf32, #tpu.memory_space<hbm>>
      %dma_wait3A_156 = arith.constant 0 : i32
      %dma_wait3A_157 = tpu.memref_slice %arg6[%arg0, %add3A_45, %dma_wait3A_156] : memref<2x10240x128xf32, #tpu.memory_space<hbm>> -> memref<1x128x128xf32, #tpu.memory_space<hbm>>
      %dma_wait3A_158 = tpu.memref_squeeze %dma_wait3A_157 : memref<1x128x128xf32, #tpu.memory_space<hbm>> -> memref<128x128xf32, #tpu.memory_space<hbm>>
      tpu.wait_dma2 semaphore(%run_scoped3A : memref<!tpu.dma_semaphore, #tpu.memory_space<semaphore_mem>>) src(%arg10 : memref<128x128xf32, #tpu.memory_space<vmem>>) dst(%dma_wait3A_158 : memref<128x128xf32, #tpu.memory_space<hbm>>)
      tpu.yield
    }) : () -> ()
    %add3A_46 = arith.constant 512 : i32
    %add3A_47 = arith.addi %mul3A_4, %add3A_46 : i32
    "tpu.region"() ({
      %run_scoped3A = tpu.sem_alloc : memref<!tpu.dma_semaphore, #tpu.memory_space<semaphore_mem>>
      %dma_start3A = arith.constant 0 : i32
      %dma_start3A_149 = tpu.memref_slice %arg9[%add3A_47, %dma_start3A] : memref<10240x128xf32, #tpu.memory_space<vmem_shared>> -> memref<128x128xf32, #tpu.memory_space<vmem_shared>>
      %dma_start3A_150 = arith.constant 0 : i32
      %dma_start3A_151 = tpu.memref_slice %arg9[%add3A_47, %dma_start3A_150] : memref<10240x128xf32, #tpu.memory_space<vmem_shared>> -> memref<128x128xf32, #tpu.memory_space<vmem_shared>>
      tpu.enqueue_dma source(%dma_start3A_151 : memref<128x128xf32, #tpu.memory_space<vmem_shared>>) target(%arg10 : memref<128x128xf32, #tpu.memory_space<vmem>>) target_semaphore(%run_scoped3A : memref<!tpu.dma_semaphore, #tpu.memory_space<semaphore_mem>>)
      %dma_wait3A = arith.constant 0 : i32
      %dma_wait3A_152 = tpu.memref_slice %arg9[%add3A_47, %dma_wait3A] : memref<10240x128xf32, #tpu.memory_space<vmem_shared>> -> memref<128x128xf32, #tpu.memory_space<vmem_shared>>
      %dma_wait3A_153 = arith.constant 0 : i32
      %dma_wait3A_154 = tpu.memref_slice %arg9[%add3A_47, %dma_wait3A_153] : memref<10240x128xf32, #tpu.memory_space<vmem_shared>> -> memref<128x128xf32, #tpu.memory_space<vmem_shared>>
      tpu.wait_dma2 semaphore(%run_scoped3A : memref<!tpu.dma_semaphore, #tpu.memory_space<semaphore_mem>>) src(%dma_wait3A_154 : memref<128x128xf32, #tpu.memory_space<vmem_shared>>) dst(%arg10 : memref<128x128xf32, #tpu.memory_space<vmem>>)
      tpu.yield
    }) : () -> ()
    %add3A_48 = arith.constant 512 : i32
    %add3A_49 = arith.addi %mul3A_4, %add3A_48 : i32
    "tpu.region"() ({
      %run_scoped3A = tpu.sem_alloc : memref<!tpu.dma_semaphore, #tpu.memory_space<semaphore_mem>>
      %dma_start3A = arith.constant 0 : i32
      %dma_start3A_149 = tpu.memref_slice %arg6[%arg0, %add3A_49, %dma_start3A] : memref<2x10240x128xf32, #tpu.memory_space<hbm>> -> memref<1x128x128xf32, #tpu.memory_space<hbm>>
      %dma_start3A_150 = tpu.memref_squeeze %dma_start3A_149 : memref<1x128x128xf32, #tpu.memory_space<hbm>> -> memref<128x128xf32, #tpu.memory_space<hbm>>
      %dma_start3A_151 = arith.constant 0 : i32
      %dma_start3A_152 = tpu.memref_slice %arg6[%arg0, %add3A_49, %dma_start3A_151] : memref<2x10240x128xf32, #tpu.memory_space<hbm>> -> memref<1x128x128xf32, #tpu.memory_space<hbm>>
      %dma_start3A_153 = tpu.memref_squeeze %dma_start3A_152 : memref<1x128x128xf32, #tpu.memory_space<hbm>> -> memref<128x128xf32, #tpu.memory_space<hbm>>
      tpu.enqueue_dma source(%arg10 : memref<128x128xf32, #tpu.memory_space<vmem>>) target(%dma_start3A_153 : memref<128x128xf32, #tpu.memory_space<hbm>>) target_semaphore(%run_scoped3A : memref<!tpu.dma_semaphore, #tpu.memory_space<semaphore_mem>>)
      %dma_wait3A = arith.constant 0 : i32
      %dma_wait3A_154 = tpu.memref_slice %arg6[%arg0, %add3A_49, %dma_wait3A] : memref<2x10240x128xf32, #tpu.memory_space<hbm>> -> memref<1x128x128xf32, #tpu.memory_space<hbm>>
      %dma_wait3A_155 = tpu.memref_squeeze %dma_wait3A_154 : memref<1x128x128xf32, #tpu.memory_space<hbm>> -> memref<128x128xf32, #tpu.memory_space<hbm>>
      %dma_wait3A_156 = arith.constant 0 : i32
      %dma_wait3A_157 = tpu.memref_slice %arg6[%arg0, %add3A_49, %dma_wait3A_156] : memref<2x10240x128xf32, #tpu.memory_space<hbm>> -> memref<1x128x128xf32, #tpu.memory_space<hbm>>
      %dma_wait3A_158 = tpu.memref_squeeze %dma_wait3A_157 : memref<1x128x128xf32, #tpu.memory_space<hbm>> -> memref<128x128xf32, #tpu.memory_space<hbm>>
      tpu.wait_dma2 semaphore(%run_scoped3A : memref<!tpu.dma_semaphore, #tpu.memory_space<semaphore_mem>>) src(%arg10 : memref<128x128xf32, #tpu.memory_space<vmem>>) dst(%dma_wait3A_158 : memref<128x128xf32, #tpu.memory_space<hbm>>)
      tpu.yield
    }) : () -> ()
    %scan3A_50 = arith.constant 0 : i32
    %scan3A_51 = arith.constant 0 : i32
    %scan3A_52 = arith.constant 128 : i32
    %scan3A_53 = arith.addi %scan3A_51, %scan3A_52 : i32
    %scan3A_54 = arith.constant 1 : i32
    %scan3A_55 = scf.for %scan3A_149 = %scan3A_51 to %scan3A_53 step %scan3A_54 iter_args(%scan3A_150 = %scan3A_50) -> (i32)  : i32 {
      %swap3A = arith.index_cast %scan3A_149 : i32 to index
      %swap3A_151 = arith.constant 0 : index
      %swap3A_152 = tpu.vector_load %arg10[%swap3A, %swap3A_151] {strides = array<i32>} : memref<128x128xf32, #tpu.memory_space<vmem>>, vector<1x16xf32>,
      %swap3A_153 = vector.shape_cast %swap3A_152 : vector<1x16xf32> to vector<16xf32>
      %swap3A_154 = vector.shape_cast %broadcast_in_dim3A_5 : vector<16xf32> to vector<1x16xf32>
      tpu.vector_store %arg10[%swap3A, %swap3A_151], %swap3A_154 {strides = array<i32>} : memref<128x128xf32, #tpu.memory_space<vmem>>, vector<1x16xf32>,
      %swap3A_155 = arith.index_cast %scan3A_149 : i32 to index
      %swap3A_156 = arith.constant 16 : index
      %swap3A_157 = tpu.vector_load %arg10[%swap3A_155, %swap3A_156] {strides = array<i32>} : memref<128x128xf32, #tpu.memory_space<vmem>>, vector<1x16xf32>,
      %swap3A_158 = vector.shape_cast %swap3A_157 : vector<1x16xf32> to vector<16xf32>
      %swap3A_159 = vector.shape_cast %broadcast_in_dim3A_5 : vector<16xf32> to vector<1x16xf32>
      tpu.vector_store %arg10[%swap3A_155, %swap3A_156], %swap3A_159 {strides = array<i32>} : memref<128x128xf32, #tpu.memory_space<vmem>>, vector<1x16xf32>,
      %swap3A_160 = arith.index_cast %scan3A_149 : i32 to index
      %swap3A_161 = arith.constant 32 : index
      %swap3A_162 = tpu.vector_load %arg10[%swap3A_160, %swap3A_161] {strides = array<i32>} : memref<128x128xf32, #tpu.memory_space<vmem>>, vector<1x16xf32>,
      %swap3A_163 = vector.shape_cast %swap3A_162 : vector<1x16xf32> to vector<16xf32>
      %swap3A_164 = vector.shape_cast %broadcast_in_dim3A_5 : vector<16xf32> to vector<1x16xf32>
      tpu.vector_store %arg10[%swap3A_160, %swap3A_161], %swap3A_164 {strides = array<i32>} : memref<128x128xf32, #tpu.memory_space<vmem>>, vector<1x16xf32>,
      %swap3A_165 = arith.index_cast %scan3A_149 : i32 to index
      %swap3A_166 = arith.constant 48 : index
      %swap3A_167 = tpu.vector_load %arg10[%swap3A_165, %swap3A_166] {strides = array<i32>} : memref<128x128xf32, #tpu.memory_space<vmem>>, vector<1x16xf32>,
      %swap3A_168 = vector.shape_cast %swap3A_167 : vector<1x16xf32> to vector<16xf32>
      %swap3A_169 = vector.shape_cast %broadcast_in_dim3A_5 : vector<16xf32> to vector<1x16xf32>
      tpu.vector_store %arg10[%swap3A_165, %swap3A_166], %swap3A_169 {strides = array<i32>} : memref<128x128xf32, #tpu.memory_space<vmem>>, vector<1x16xf32>,
      %swap3A_170 = arith.index_cast %scan3A_149 : i32 to index
      %swap3A_171 = arith.constant 64 : index
      %swap3A_172 = tpu.vector_load %arg10[%swap3A_170, %swap3A_171] {strides = array<i32>} : memref<128x128xf32, #tpu.memory_space<vmem>>, vector<1x16xf32>,
      %swap3A_173 = vector.shape_cast %swap3A_172 : vector<1x16xf32> to vector<16xf32>
      %swap3A_174 = vector.shape_cast %broadcast_in_dim3A_5 : vector<16xf32> to vector<1x16xf32>
      tpu.vector_store %arg10[%swap3A_170, %swap3A_171], %swap3A_174 {strides = array<i32>} : memref<128x128xf32, #tpu.memory_space<vmem>>, vector<1x16xf32>,
      %swap3A_175 = arith.index_cast %scan3A_149 : i32 to index
      %swap3A_176 = arith.constant 80 : index
      %swap3A_177 = tpu.vector_load %arg10[%swap3A_175, %swap3A_176] {strides = array<i32>} : memref<128x128xf32, #tpu.memory_space<vmem>>, vector<1x16xf32>,
      %swap3A_178 = vector.shape_cast %swap3A_177 : vector<1x16xf32> to vector<16xf32>
      %swap3A_179 = vector.shape_cast %broadcast_in_dim3A_5 : vector<16xf32> to vector<1x16xf32>
      tpu.vector_store %arg10[%swap3A_175, %swap3A_176], %swap3A_179 {strides = array<i32>} : memref<128x128xf32, #tpu.memory_space<vmem>>, vector<1x16xf32>,
      %swap3A_180 = arith.index_cast %scan3A_149 : i32 to index
      %swap3A_181 = arith.constant 96 : index
      %swap3A_182 = tpu.vector_load %arg10[%swap3A_180, %swap3A_181] {strides = array<i32>} : memref<128x128xf32, #tpu.memory_space<vmem>>, vector<1x16xf32>,
      %swap3A_183 = vector.shape_cast %swap3A_182 : vector<1x16xf32> to vector<16xf32>
      %swap3A_184 = vector.shape_cast %broadcast_in_dim3A_5 : vector<16xf32> to vector<1x16xf32>
      tpu.vector_store %arg10[%swap3A_180, %swap3A_181], %swap3A_184 {strides = array<i32>} : memref<128x128xf32, #tpu.memory_space<vmem>>, vector<1x16xf32>,
      %swap3A_185 = arith.index_cast %scan3A_149 : i32 to index
      %swap3A_186 = arith.constant 112 : index
      %swap3A_187 = tpu.vector_load %arg10[%swap3A_185, %swap3A_186] {strides = array<i32>} : memref<128x128xf32, #tpu.memory_space<vmem>>, vector<1x16xf32>,
      %swap3A_188 = vector.shape_cast %swap3A_187 : vector<1x16xf32> to vector<16xf32>
      %swap3A_189 = vector.shape_cast %broadcast_in_dim3A_5 : vector<16xf32> to vector<1x16xf32>
      tpu.vector_store %arg10[%swap3A_185, %swap3A_186], %swap3A_189 {strides = array<i32>} : memref<128x128xf32, #tpu.memory_space<vmem>>, vector<1x16xf32>,
      %scan3A_190 = arith.constant 0 : i32
      scf.yield %scan3A_190 : i32
    }
    %scan3A_56 = arith.constant 128 : i32
    %add3A_57 = arith.constant 0 : i32
    %add3A_58 = arith.addi %mul3A_4, %add3A_57 : i32
    "tpu.region"() ({
      %run_scoped3A = tpu.sem_alloc : memref<!tpu.dma_semaphore, #tpu.memory_space<semaphore_mem>>
      %dma_start3A = arith.constant 0 : i32
      %dma_start3A_149 = tpu.memref_slice %arg9[%add3A_58, %dma_start3A] : memref<10240x128xf32, #tpu.memory_space<vmem_shared>> -> memref<128x128xf32, #tpu.memory_space<vmem_shared>>
      %dma_start3A_150 = arith.constant 0 : i32
      %dma_start3A_151 = tpu.memref_slice %arg9[%add3A_58, %dma_start3A_150] : memref<10240x128xf32, #tpu.memory_space<vmem_shared>> -> memref<128x128xf32, #tpu.memory_space<vmem_shared>>
      tpu.enqueue_dma source(%arg10 : memref<128x128xf32, #tpu.memory_space<vmem>>) target(%dma_start3A_151 : memref<128x128xf32, #tpu.memory_space<vmem_shared>>) target_semaphore(%run_scoped3A : memref<!tpu.dma_semaphore, #tpu.memory_space<semaphore_mem>>)
      %dma_wait3A = arith.constant 0 : i32
      %dma_wait3A_152 = tpu.memref_slice %arg9[%add3A_58, %dma_wait3A] : memref<10240x128xf32, #tpu.memory_space<vmem_shared>> -> memref<128x128xf32, #tpu.memory_space<vmem_shared>>
      %dma_wait3A_153 = arith.constant 0 : i32
      %dma_wait3A_154 = tpu.memref_slice %arg9[%add3A_58, %dma_wait3A_153] : memref<10240x128xf32, #tpu.memory_space<vmem_shared>> -> memref<128x128xf32, #tpu.memory_space<vmem_shared>>
      tpu.wait_dma2 semaphore(%run_scoped3A : memref<!tpu.dma_semaphore, #tpu.memory_space<semaphore_mem>>) src(%arg10 : memref<128x128xf32, #tpu.memory_space<vmem>>) dst(%dma_wait3A_154 : memref<128x128xf32, #tpu.memory_space<vmem_shared>>)
      tpu.yield
    }) : () -> ()
    %add3A_59 = arith.constant 128 : i32
    %add3A_60 = arith.addi %mul3A_4, %add3A_59 : i32
    "tpu.region"() ({
      %run_scoped3A = tpu.sem_alloc : memref<!tpu.dma_semaphore, #tpu.memory_space<semaphore_mem>>
      %dma_start3A = arith.constant 0 : i32
      %dma_start3A_149 = tpu.memref_slice %arg9[%add3A_60, %dma_start3A] : memref<10240x128xf32, #tpu.memory_space<vmem_shared>> -> memref<128x128xf32, #tpu.memory_space<vmem_shared>>
      %dma_start3A_150 = arith.constant 0 : i32
      %dma_start3A_151 = tpu.memref_slice %arg9[%add3A_60, %dma_start3A_150] : memref<10240x128xf32, #tpu.memory_space<vmem_shared>> -> memref<128x128xf32, #tpu.memory_space<vmem_shared>>
      tpu.enqueue_dma source(%arg10 : memref<128x128xf32, #tpu.memory_space<vmem>>) target(%dma_start3A_151 : memref<128x128xf32, #tpu.memory_space<vmem_shared>>) target_semaphore(%run_scoped3A : memref<!tpu.dma_semaphore, #tpu.memory_space<semaphore_mem>>)
      %dma_wait3A = arith.constant 0 : i32
      %dma_wait3A_152 = tpu.memref_slice %arg9[%add3A_60, %dma_wait3A] : memref<10240x128xf32, #tpu.memory_space<vmem_shared>> -> memref<128x128xf32, #tpu.memory_space<vmem_shared>>
      %dma_wait3A_153 = arith.constant 0 : i32
      %dma_wait3A_154 = tpu.memref_slice %arg9[%add3A_60, %dma_wait3A_153] : memref<10240x128xf32, #tpu.memory_space<vmem_shared>> -> memref<128x128xf32, #tpu.memory_space<vmem_shared>>
      tpu.wait_dma2 semaphore(%run_scoped3A : memref<!tpu.dma_semaphore, #tpu.memory_space<semaphore_mem>>) src(%arg10 : memref<128x128xf32, #tpu.memory_space<vmem>>) dst(%dma_wait3A_154 : memref<128x128xf32, #tpu.memory_space<vmem_shared>>)
      tpu.yield
    }) : () -> ()
    %add3A_61 = arith.constant 256 : i32
    %add3A_62 = arith.addi %mul3A_4, %add3A_61 : i32
    "tpu.region"() ({
      %run_scoped3A = tpu.sem_alloc : memref<!tpu.dma_semaphore, #tpu.memory_space<semaphore_mem>>
      %dma_start3A = arith.constant 0 : i32
      %dma_start3A_149 = tpu.memref_slice %arg9[%add3A_62, %dma_start3A] : memref<10240x128xf32, #tpu.memory_space<vmem_shared>> -> memref<128x128xf32, #tpu.memory_space<vmem_shared>>
      %dma_start3A_150 = arith.constant 0 : i32
      %dma_start3A_151 = tpu.memref_slice %arg9[%add3A_62, %dma_start3A_150] : memref<10240x128xf32, #tpu.memory_space<vmem_shared>> -> memref<128x128xf32, #tpu.memory_space<vmem_shared>>
      tpu.enqueue_dma source(%arg10 : memref<128x128xf32, #tpu.memory_space<vmem>>) target(%dma_start3A_151 : memref<128x128xf32, #tpu.memory_space<vmem_shared>>) target_semaphore(%run_scoped3A : memref<!tpu.dma_semaphore, #tpu.memory_space<semaphore_mem>>)
      %dma_wait3A = arith.constant 0 : i32
      %dma_wait3A_152 = tpu.memref_slice %arg9[%add3A_62, %dma_wait3A] : memref<10240x128xf32, #tpu.memory_space<vmem_shared>> -> memref<128x128xf32, #tpu.memory_space<vmem_shared>>
      %dma_wait3A_153 = arith.constant 0 : i32
      %dma_wait3A_154 = tpu.memref_slice %arg9[%add3A_62, %dma_wait3A_153] : memref<10240x128xf32, #tpu.memory_space<vmem_shared>> -> memref<128x128xf32, #tpu.memory_space<vmem_shared>>
      tpu.wait_dma2 semaphore(%run_scoped3A : memref<!tpu.dma_semaphore, #tpu.memory_space<semaphore_mem>>) src(%arg10 : memref<128x128xf32, #tpu.memory_space<vmem>>) dst(%dma_wait3A_154 : memref<128x128xf32, #tpu.memory_space<vmem_shared>>)
      tpu.yield
    }) : () -> ()
    %add3A_63 = arith.constant 384 : i32
    %add3A_64 = arith.addi %mul3A_4, %add3A_63 : i32
    "tpu.region"() ({
      %run_scoped3A = tpu.sem_alloc : memref<!tpu.dma_semaphore, #tpu.memory_space<semaphore_mem>>
      %dma_start3A = arith.constant 0 : i32
      %dma_start3A_149 = tpu.memref_slice %arg9[%add3A_64, %dma_start3A] : memref<10240x128xf32, #tpu.memory_space<vmem_shared>> -> memref<128x128xf32, #tpu.memory_space<vmem_shared>>
      %dma_start3A_150 = arith.constant 0 : i32
      %dma_start3A_151 = tpu.memref_slice %arg9[%add3A_64, %dma_start3A_150] : memref<10240x128xf32, #tpu.memory_space<vmem_shared>> -> memref<128x128xf32, #tpu.memory_space<vmem_shared>>
      tpu.enqueue_dma source(%arg10 : memref<128x128xf32, #tpu.memory_space<vmem>>) target(%dma_start3A_151 : memref<128x128xf32, #tpu.memory_space<vmem_shared>>) target_semaphore(%run_scoped3A : memref<!tpu.dma_semaphore, #tpu.memory_space<semaphore_mem>>)
      %dma_wait3A = arith.constant 0 : i32
      %dma_wait3A_152 = tpu.memref_slice %arg9[%add3A_64, %dma_wait3A] : memref<10240x128xf32, #tpu.memory_space<vmem_shared>> -> memref<128x128xf32, #tpu.memory_space<vmem_shared>>
      %dma_wait3A_153 = arith.constant 0 : i32
      %dma_wait3A_154 = tpu.memref_slice %arg9[%add3A_64, %dma_wait3A_153] : memref<10240x128xf32, #tpu.memory_space<vmem_shared>> -> memref<128x128xf32, #tpu.memory_space<vmem_shared>>
      tpu.wait_dma2 semaphore(%run_scoped3A : memref<!tpu.dma_semaphore, #tpu.memory_space<semaphore_mem>>) src(%arg10 : memref<128x128xf32, #tpu.memory_space<vmem>>) dst(%dma_wait3A_154 : memref<128x128xf32, #tpu.memory_space<vmem_shared>>)
      tpu.yield
    }) : () -> ()
    %add3A_65 = arith.constant 512 : i32
    %add3A_66 = arith.addi %mul3A_4, %add3A_65 : i32
    "tpu.region"() ({
      %run_scoped3A = tpu.sem_alloc : memref<!tpu.dma_semaphore, #tpu.memory_space<semaphore_mem>>
      %dma_start3A = arith.constant 0 : i32
      %dma_start3A_149 = tpu.memref_slice %arg9[%add3A_66, %dma_start3A] : memref<10240x128xf32, #tpu.memory_space<vmem_shared>> -> memref<128x128xf32, #tpu.memory_space<vmem_shared>>
      %dma_start3A_150 = arith.constant 0 : i32
      %dma_start3A_151 = tpu.memref_slice %arg9[%add3A_66, %dma_start3A_150] : memref<10240x128xf32, #tpu.memory_space<vmem_shared>> -> memref<128x128xf32, #tpu.memory_space<vmem_shared>>
      tpu.enqueue_dma source(%arg10 : memref<128x128xf32, #tpu.memory_space<vmem>>) target(%dma_start3A_151 : memref<128x128xf32, #tpu.memory_space<vmem_shared>>) target_semaphore(%run_scoped3A : memref<!tpu.dma_semaphore, #tpu.memory_space<semaphore_mem>>)
      %dma_wait3A = arith.constant 0 : i32
      %dma_wait3A_152 = tpu.memref_slice %arg9[%add3A_66, %dma_wait3A] : memref<10240x128xf32, #tpu.memory_space<vmem_shared>> -> memref<128x128xf32, #tpu.memory_space<vmem_shared>>
      %dma_wait3A_153 = arith.constant 0 : i32
      %dma_wait3A_154 = tpu.memref_slice %arg9[%add3A_66, %dma_wait3A_153] : memref<10240x128xf32, #tpu.memory_space<vmem_shared>> -> memref<128x128xf32, #tpu.memory_space<vmem_shared>>
      tpu.wait_dma2 semaphore(%run_scoped3A : memref<!tpu.dma_semaphore, #tpu.memory_space<semaphore_mem>>) src(%arg10 : memref<128x128xf32, #tpu.memory_space<vmem>>) dst(%dma_wait3A_154 : memref<128x128xf32, #tpu.memory_space<vmem_shared>>)
      tpu.yield
    }) : () -> ()
    %barrier3A_67 = arith.constant 0 : index
    tpu.barrier barrier_id(%barrier3A_67)
    %scan3A_68 = arith.constant 0 : i32
    %scan3A_69 = arith.constant 0 : i32
    %scan3A_70 = arith.constant 125 : i32
    %scan3A_71 = arith.addi %scan3A_69, %scan3A_70 : i32
    %scan3A_72 = arith.constant 1 : i32
    %scan3A_73 = scf.for %scan3A_149 = %scan3A_69 to %scan3A_71 step %scan3A_72 iter_args(%scan3A_150 = %scan3A_68) -> (i32)  : i32 {
      %mul3A_151 = arith.constant 80 : i32
      %mul3A_152 = arith.muli %scan3A_149, %mul3A_151 : i32
      %add3A_153 = arith.addi %mul3A_2, %mul3A_152 : i32
      "tpu.region"() ({
        %run_scoped3A = tpu.sem_alloc : memref<!tpu.dma_semaphore, #tpu.memory_space<semaphore_mem>>
        %dma_start3A = tpu.memref_slice %arg3[%add3A_153] : memref<320000xi32, #tpu.memory_space<hbm>> -> memref<80xi32, #tpu.memory_space<hbm>>
        %dma_start3A_155 = tpu.memref_slice %arg3[%add3A_153] : memref<320000xi32, #tpu.memory_space<hbm>> -> memref<80xi32, #tpu.memory_space<hbm>>
        tpu.enqueue_dma source(%dma_start3A_155 : memref<80xi32, #tpu.memory_space<hbm>>) target(%arg13 : memref<80xi32, #tpu.memory_space<vmem>>) target_semaphore(%run_scoped3A : memref<!tpu.dma_semaphore, #tpu.memory_space<semaphore_mem>>)
        %dma_wait3A = tpu.memref_slice %arg3[%add3A_153] : memref<320000xi32, #tpu.memory_space<hbm>> -> memref<80xi32, #tpu.memory_space<hbm>>
        %dma_wait3A_156 = tpu.memref_slice %arg3[%add3A_153] : memref<320000xi32, #tpu.memory_space<hbm>> -> memref<80xi32, #tpu.memory_space<hbm>>
        tpu.wait_dma2 semaphore(%run_scoped3A : memref<!tpu.dma_semaphore, #tpu.memory_space<semaphore_mem>>) src(%dma_wait3A_156 : memref<80xi32, #tpu.memory_space<hbm>>) dst(%arg13 : memref<80xi32, #tpu.memory_space<vmem>>)
        tpu.yield
      }) : () -> ()
      "tpu.region"() ({
        %run_scoped3A = tpu.sem_alloc : memref<!tpu.dma_semaphore, #tpu.memory_space<semaphore_mem>>
        %dma_start3A = arith.constant 0 : i32
        %dma_start3A_155 = tpu.memref_slice %arg5[%add3A_153, %dma_start3A] : memref<320000x128xf32, #tpu.memory_space<hbm>> -> memref<80x128xf32, #tpu.memory_space<hbm>>
        %dma_start3A_156 = arith.constant 0 : i32
        %dma_start3A_157 = tpu.memref_slice %arg5[%add3A_153, %dma_start3A_156] : memref<320000x128xf32, #tpu.memory_space<hbm>> -> memref<80x128xf32, #tpu.memory_space<hbm>>
        tpu.enqueue_dma source(%dma_start3A_157 : memref<80x128xf32, #tpu.memory_space<hbm>>) target(%arg11 : memref<80x128xf32, #tpu.memory_space<vmem>>) target_semaphore(%run_scoped3A : memref<!tpu.dma_semaphore, #tpu.memory_space<semaphore_mem>>)
        %dma_wait3A = arith.constant 0 : i32
        %dma_wait3A_158 = tpu.memref_slice %arg5[%add3A_153, %dma_wait3A] : memref<320000x128xf32, #tpu.memory_space<hbm>> -> memref<80x128xf32, #tpu.memory_space<hbm>>
        %dma_wait3A_159 = arith.constant 0 : i32
        %dma_wait3A_160 = tpu.memref_slice %arg5[%add3A_153, %dma_wait3A_159] : memref<320000x128xf32, #tpu.memory_space<hbm>> -> memref<80x128xf32, #tpu.memory_space<hbm>>
        tpu.wait_dma2 semaphore(%run_scoped3A : memref<!tpu.dma_semaphore, #tpu.memory_space<semaphore_mem>>) src(%dma_wait3A_160 : memref<80x128xf32, #tpu.memory_space<hbm>>) dst(%arg11 : memref<80x128xf32, #tpu.memory_space<vmem>>)
        tpu.yield
      }) : () -> ()
      "tpu.region"() ({
        %run_scoped3A = tpu.sem_alloc : memref<!tpu.dma_semaphore, #tpu.memory_space<semaphore_mem>>
        %dma_start3A = arith.constant 0 : i32
        %dma_start3A_155 = arith.constant 0 : i32
        %dma_start3A_156 = tpu.memref_slice %arg9[%dma_start3A, %dma_start3A_155] : memref<10240x128xf32, #tpu.memory_space<vmem_shared>> -> memref<10240x128xf32, #tpu.memory_space<vmem_shared>>
        tpu.enqueue_indirect_dma source(%arg11 : memref<80x128xf32, #tpu.memory_space<vmem>>) target(%dma_start3A_156 : memref<10240x128xf32, #tpu.memory_space<vmem_shared>>) offsets(%arg13 : memref<80xi32, #tpu.memory_space<vmem>>) semaphore(%run_scoped3A : memref<!tpu.dma_semaphore, #tpu.memory_space<semaphore_mem>>) {add = true}
        %dma_wait3A = arith.constant 0 : i32
        %dma_wait3A_157 = arith.constant 0 : i32
        %dma_wait3A_158 = tpu.memref_slice %arg9[%dma_wait3A, %dma_wait3A_157] : memref<10240x128xf32, #tpu.memory_space<vmem_shared>> -> memref<10240x128xf32, #tpu.memory_space<vmem_shared>>
        tpu.wait_indirect_dma semaphore(%run_scoped3A : memref<!tpu.dma_semaphore, #tpu.memory_space<semaphore_mem>>) src(%arg11 : memref<80x128xf32, #tpu.memory_space<vmem>>) dst(%dma_wait3A_158 : memref<10240x128xf32, #tpu.memory_space<vmem_shared>>)
        tpu.yield
      }) : () -> ()
      %scan3A_154 = arith.constant 0 : i32
      scf.yield %scan3A_154 : i32
    }
    %scan3A_74 = arith.constant 125 : i32
    %barrier3A_75 = arith.constant 0 : index
    tpu.barrier barrier_id(%barrier3A_75)
    %add3A_76 = arith.constant 0 : i32
    %add3A_77 = arith.addi %mul3A_4, %add3A_76 : i32
    "tpu.region"() ({
      %run_scoped3A = tpu.sem_alloc : memref<!tpu.dma_semaphore, #tpu.memory_space<semaphore_mem>>
      %dma_start3A = arith.constant 0 : i32
      %dma_start3A_149 = tpu.memref_slice %arg9[%add3A_77, %dma_start3A] : memref<10240x128xf32, #tpu.memory_space<vmem_shared>> -> memref<128x128xf32, #tpu.memory_space<vmem_shared>>
      %dma_start3A_150 = arith.constant 0 : i32
      %dma_start3A_151 = tpu.memref_slice %arg9[%add3A_77, %dma_start3A_150] : memref<10240x128xf32, #tpu.memory_space<vmem_shared>> -> memref<128x128xf32, #tpu.memory_space<vmem_shared>>
      tpu.enqueue_dma source(%dma_start3A_151 : memref<128x128xf32, #tpu.memory_space<vmem_shared>>) target(%arg10 : memref<128x128xf32, #tpu.memory_space<vmem>>) target_semaphore(%run_scoped3A : memref<!tpu.dma_semaphore, #tpu.memory_space<semaphore_mem>>)
      %dma_wait3A = arith.constant 0 : i32
      %dma_wait3A_152 = tpu.memref_slice %arg9[%add3A_77, %dma_wait3A] : memref<10240x128xf32, #tpu.memory_space<vmem_shared>> -> memref<128x128xf32, #tpu.memory_space<vmem_shared>>
      %dma_wait3A_153 = arith.constant 0 : i32
      %dma_wait3A_154 = tpu.memref_slice %arg9[%add3A_77, %dma_wait3A_153] : memref<10240x128xf32, #tpu.memory_space<vmem_shared>> -> memref<128x128xf32, #tpu.memory_space<vmem_shared>>
      tpu.wait_dma2 semaphore(%run_scoped3A : memref<!tpu.dma_semaphore, #tpu.memory_space<semaphore_mem>>) src(%dma_wait3A_154 : memref<128x128xf32, #tpu.memory_space<vmem_shared>>) dst(%arg10 : memref<128x128xf32, #tpu.memory_space<vmem>>)
      tpu.yield
    }) : () -> ()
    %add3A_78 = arith.constant 0 : i32
    %add3A_79 = arith.addi %mul3A_4, %add3A_78 : i32
    "tpu.region"() ({
      %run_scoped3A = tpu.sem_alloc : memref<!tpu.dma_semaphore, #tpu.memory_space<semaphore_mem>>
      %dma_start3A = arith.constant 0 : i32
      %dma_start3A_149 = tpu.memref_slice %arg7[%arg0, %add3A_79, %dma_start3A] : memref<2x10240x128xf32, #tpu.memory_space<hbm>> -> memref<1x128x128xf32, #tpu.memory_space<hbm>>
      %dma_start3A_150 = tpu.memref_squeeze %dma_start3A_149 : memref<1x128x128xf32, #tpu.memory_space<hbm>> -> memref<128x128xf32, #tpu.memory_space<hbm>>
      %dma_start3A_151 = arith.constant 0 : i32
      %dma_start3A_152 = tpu.memref_slice %arg7[%arg0, %add3A_79, %dma_start3A_151] : memref<2x10240x128xf32, #tpu.memory_space<hbm>> -> memref<1x128x128xf32, #tpu.memory_space<hbm>>
      %dma_start3A_153 = tpu.memref_squeeze %dma_start3A_152 : memref<1x128x128xf32, #tpu.memory_space<hbm>> -> memref<128x128xf32, #tpu.memory_space<hbm>>
      tpu.enqueue_dma source(%arg10 : memref<128x128xf32, #tpu.memory_space<vmem>>) target(%dma_start3A_153 : memref<128x128xf32, #tpu.memory_space<hbm>>) target_semaphore(%run_scoped3A : memref<!tpu.dma_semaphore, #tpu.memory_space<semaphore_mem>>)
      %dma_wait3A = arith.constant 0 : i32
      %dma_wait3A_154 = tpu.memref_slice %arg7[%arg0, %add3A_79, %dma_wait3A] : memref<2x10240x128xf32, #tpu.memory_space<hbm>> -> memref<1x128x128xf32, #tpu.memory_space<hbm>>
      %dma_wait3A_155 = tpu.memref_squeeze %dma_wait3A_154 : memref<1x128x128xf32, #tpu.memory_space<hbm>> -> memref<128x128xf32, #tpu.memory_space<hbm>>
      %dma_wait3A_156 = arith.constant 0 : i32
      %dma_wait3A_157 = tpu.memref_slice %arg7[%arg0, %add3A_79, %dma_wait3A_156] : memref<2x10240x128xf32, #tpu.memory_space<hbm>> -> memref<1x128x128xf32, #tpu.memory_space<hbm>>
      %dma_wait3A_158 = tpu.memref_squeeze %dma_wait3A_157 : memref<1x128x128xf32, #tpu.memory_space<hbm>> -> memref<128x128xf32, #tpu.memory_space<hbm>>
      tpu.wait_dma2 semaphore(%run_scoped3A : memref<!tpu.dma_semaphore, #tpu.memory_space<semaphore_mem>>) src(%arg10 : memref<128x128xf32, #tpu.memory_space<vmem>>) dst(%dma_wait3A_158 : memref<128x128xf32, #tpu.memory_space<hbm>>)
      tpu.yield
    }) : () -> ()
    %add3A_80 = arith.constant 128 : i32
    %add3A_81 = arith.addi %mul3A_4, %add3A_80 : i32
    "tpu.region"() ({
      %run_scoped3A = tpu.sem_alloc : memref<!tpu.dma_semaphore, #tpu.memory_space<semaphore_mem>>
      %dma_start3A = arith.constant 0 : i32
      %dma_start3A_149 = tpu.memref_slice %arg9[%add3A_81, %dma_start3A] : memref<10240x128xf32, #tpu.memory_space<vmem_shared>> -> memref<128x128xf32, #tpu.memory_space<vmem_shared>>
      %dma_start3A_150 = arith.constant 0 : i32
      %dma_start3A_151 = tpu.memref_slice %arg9[%add3A_81, %dma_start3A_150] : memref<10240x128xf32, #tpu.memory_space<vmem_shared>> -> memref<128x128xf32, #tpu.memory_space<vmem_shared>>
      tpu.enqueue_dma source(%dma_start3A_151 : memref<128x128xf32, #tpu.memory_space<vmem_shared>>) target(%arg10 : memref<128x128xf32, #tpu.memory_space<vmem>>) target_semaphore(%run_scoped3A : memref<!tpu.dma_semaphore, #tpu.memory_space<semaphore_mem>>)
      %dma_wait3A = arith.constant 0 : i32
      %dma_wait3A_152 = tpu.memref_slice %arg9[%add3A_81, %dma_wait3A] : memref<10240x128xf32, #tpu.memory_space<vmem_shared>> -> memref<128x128xf32, #tpu.memory_space<vmem_shared>>
      %dma_wait3A_153 = arith.constant 0 : i32
      %dma_wait3A_154 = tpu.memref_slice %arg9[%add3A_81, %dma_wait3A_153] : memref<10240x128xf32, #tpu.memory_space<vmem_shared>> -> memref<128x128xf32, #tpu.memory_space<vmem_shared>>
      tpu.wait_dma2 semaphore(%run_scoped3A : memref<!tpu.dma_semaphore, #tpu.memory_space<semaphore_mem>>) src(%dma_wait3A_154 : memref<128x128xf32, #tpu.memory_space<vmem_shared>>) dst(%arg10 : memref<128x128xf32, #tpu.memory_space<vmem>>)
      tpu.yield
    }) : () -> ()
    %add3A_82 = arith.constant 128 : i32
    %add3A_83 = arith.addi %mul3A_4, %add3A_82 : i32
    "tpu.region"() ({
      %run_scoped3A = tpu.sem_alloc : memref<!tpu.dma_semaphore, #tpu.memory_space<semaphore_mem>>
      %dma_start3A = arith.constant 0 : i32
      %dma_start3A_149 = tpu.memref_slice %arg7[%arg0, %add3A_83, %dma_start3A] : memref<2x10240x128xf32, #tpu.memory_space<hbm>> -> memref<1x128x128xf32, #tpu.memory_space<hbm>>
      %dma_start3A_150 = tpu.memref_squeeze %dma_start3A_149 : memref<1x128x128xf32, #tpu.memory_space<hbm>> -> memref<128x128xf32, #tpu.memory_space<hbm>>
      %dma_start3A_151 = arith.constant 0 : i32
      %dma_start3A_152 = tpu.memref_slice %arg7[%arg0, %add3A_83, %dma_start3A_151] : memref<2x10240x128xf32, #tpu.memory_space<hbm>> -> memref<1x128x128xf32, #tpu.memory_space<hbm>>
      %dma_start3A_153 = tpu.memref_squeeze %dma_start3A_152 : memref<1x128x128xf32, #tpu.memory_space<hbm>> -> memref<128x128xf32, #tpu.memory_space<hbm>>
      tpu.enqueue_dma source(%arg10 : memref<128x128xf32, #tpu.memory_space<vmem>>) target(%dma_start3A_153 : memref<128x128xf32, #tpu.memory_space<hbm>>) target_semaphore(%run_scoped3A : memref<!tpu.dma_semaphore, #tpu.memory_space<semaphore_mem>>)
      %dma_wait3A = arith.constant 0 : i32
      %dma_wait3A_154 = tpu.memref_slice %arg7[%arg0, %add3A_83, %dma_wait3A] : memref<2x10240x128xf32, #tpu.memory_space<hbm>> -> memref<1x128x128xf32, #tpu.memory_space<hbm>>
      %dma_wait3A_155 = tpu.memref_squeeze %dma_wait3A_154 : memref<1x128x128xf32, #tpu.memory_space<hbm>> -> memref<128x128xf32, #tpu.memory_space<hbm>>
      %dma_wait3A_156 = arith.constant 0 : i32
      %dma_wait3A_157 = tpu.memref_slice %arg7[%arg0, %add3A_83, %dma_wait3A_156] : memref<2x10240x128xf32, #tpu.memory_space<hbm>> -> memref<1x128x128xf32, #tpu.memory_space<hbm>>
      %dma_wait3A_158 = tpu.memref_squeeze %dma_wait3A_157 : memref<1x128x128xf32, #tpu.memory_space<hbm>> -> memref<128x128xf32, #tpu.memory_space<hbm>>
      tpu.wait_dma2 semaphore(%run_scoped3A : memref<!tpu.dma_semaphore, #tpu.memory_space<semaphore_mem>>) src(%arg10 : memref<128x128xf32, #tpu.memory_space<vmem>>) dst(%dma_wait3A_158 : memref<128x128xf32, #tpu.memory_space<hbm>>)
      tpu.yield
    }) : () -> ()
    %add3A_84 = arith.constant 256 : i32
    %add3A_85 = arith.addi %mul3A_4, %add3A_84 : i32
    "tpu.region"() ({
      %run_scoped3A = tpu.sem_alloc : memref<!tpu.dma_semaphore, #tpu.memory_space<semaphore_mem>>
      %dma_start3A = arith.constant 0 : i32
      %dma_start3A_149 = tpu.memref_slice %arg9[%add3A_85, %dma_start3A] : memref<10240x128xf32, #tpu.memory_space<vmem_shared>> -> memref<128x128xf32, #tpu.memory_space<vmem_shared>>
      %dma_start3A_150 = arith.constant 0 : i32
      %dma_start3A_151 = tpu.memref_slice %arg9[%add3A_85, %dma_start3A_150] : memref<10240x128xf32, #tpu.memory_space<vmem_shared>> -> memref<128x128xf32, #tpu.memory_space<vmem_shared>>
      tpu.enqueue_dma source(%dma_start3A_151 : memref<128x128xf32, #tpu.memory_space<vmem_shared>>) target(%arg10 : memref<128x128xf32, #tpu.memory_space<vmem>>) target_semaphore(%run_scoped3A : memref<!tpu.dma_semaphore, #tpu.memory_space<semaphore_mem>>)
      %dma_wait3A = arith.constant 0 : i32
      %dma_wait3A_152 = tpu.memref_slice %arg9[%add3A_85, %dma_wait3A] : memref<10240x128xf32, #tpu.memory_space<vmem_shared>> -> memref<128x128xf32, #tpu.memory_space<vmem_shared>>
      %dma_wait3A_153 = arith.constant 0 : i32
      %dma_wait3A_154 = tpu.memref_slice %arg9[%add3A_85, %dma_wait3A_153] : memref<10240x128xf32, #tpu.memory_space<vmem_shared>> -> memref<128x128xf32, #tpu.memory_space<vmem_shared>>
      tpu.wait_dma2 semaphore(%run_scoped3A : memref<!tpu.dma_semaphore, #tpu.memory_space<semaphore_mem>>) src(%dma_wait3A_154 : memref<128x128xf32, #tpu.memory_space<vmem_shared>>) dst(%arg10 : memref<128x128xf32, #tpu.memory_space<vmem>>)
      tpu.yield
    }) : () -> ()
    %add3A_86 = arith.constant 256 : i32
    %add3A_87 = arith.addi %mul3A_4, %add3A_86 : i32
    "tpu.region"() ({
      %run_scoped3A = tpu.sem_alloc : memref<!tpu.dma_semaphore, #tpu.memory_space<semaphore_mem>>
      %dma_start3A = arith.constant 0 : i32
      %dma_start3A_149 = tpu.memref_slice %arg7[%arg0, %add3A_87, %dma_start3A] : memref<2x10240x128xf32, #tpu.memory_space<hbm>> -> memref<1x128x128xf32, #tpu.memory_space<hbm>>
      %dma_start3A_150 = tpu.memref_squeeze %dma_start3A_149 : memref<1x128x128xf32, #tpu.memory_space<hbm>> -> memref<128x128xf32, #tpu.memory_space<hbm>>
      %dma_start3A_151 = arith.constant 0 : i32
      %dma_start3A_152 = tpu.memref_slice %arg7[%arg0, %add3A_87, %dma_start3A_151] : memref<2x10240x128xf32, #tpu.memory_space<hbm>> -> memref<1x128x128xf32, #tpu.memory_space<hbm>>
      %dma_start3A_153 = tpu.memref_squeeze %dma_start3A_152 : memref<1x128x128xf32, #tpu.memory_space<hbm>> -> memref<128x128xf32, #tpu.memory_space<hbm>>
      tpu.enqueue_dma source(%arg10 : memref<128x128xf32, #tpu.memory_space<vmem>>) target(%dma_start3A_153 : memref<128x128xf32, #tpu.memory_space<hbm>>) target_semaphore(%run_scoped3A : memref<!tpu.dma_semaphore, #tpu.memory_space<semaphore_mem>>)
      %dma_wait3A = arith.constant 0 : i32
      %dma_wait3A_154 = tpu.memref_slice %arg7[%arg0, %add3A_87, %dma_wait3A] : memref<2x10240x128xf32, #tpu.memory_space<hbm>> -> memref<1x128x128xf32, #tpu.memory_space<hbm>>
      %dma_wait3A_155 = tpu.memref_squeeze %dma_wait3A_154 : memref<1x128x128xf32, #tpu.memory_space<hbm>> -> memref<128x128xf32, #tpu.memory_space<hbm>>
      %dma_wait3A_156 = arith.constant 0 : i32
      %dma_wait3A_157 = tpu.memref_slice %arg7[%arg0, %add3A_87, %dma_wait3A_156] : memref<2x10240x128xf32, #tpu.memory_space<hbm>> -> memref<1x128x128xf32, #tpu.memory_space<hbm>>
      %dma_wait3A_158 = tpu.memref_squeeze %dma_wait3A_157 : memref<1x128x128xf32, #tpu.memory_space<hbm>> -> memref<128x128xf32, #tpu.memory_space<hbm>>
      tpu.wait_dma2 semaphore(%run_scoped3A : memref<!tpu.dma_semaphore, #tpu.memory_space<semaphore_mem>>) src(%arg10 : memref<128x128xf32, #tpu.memory_space<vmem>>) dst(%dma_wait3A_158 : memref<128x128xf32, #tpu.memory_space<hbm>>)
      tpu.yield
    }) : () -> ()
    %add3A_88 = arith.constant 384 : i32
    %add3A_89 = arith.addi %mul3A_4, %add3A_88 : i32
    "tpu.region"() ({
      %run_scoped3A = tpu.sem_alloc : memref<!tpu.dma_semaphore, #tpu.memory_space<semaphore_mem>>
      %dma_start3A = arith.constant 0 : i32
      %dma_start3A_149 = tpu.memref_slice %arg9[%add3A_89, %dma_start3A] : memref<10240x128xf32, #tpu.memory_space<vmem_shared>> -> memref<128x128xf32, #tpu.memory_space<vmem_shared>>
      %dma_start3A_150 = arith.constant 0 : i32
      %dma_start3A_151 = tpu.memref_slice %arg9[%add3A_89, %dma_start3A_150] : memref<10240x128xf32, #tpu.memory_space<vmem_shared>> -> memref<128x128xf32, #tpu.memory_space<vmem_shared>>
      tpu.enqueue_dma source(%dma_start3A_151 : memref<128x128xf32, #tpu.memory_space<vmem_shared>>) target(%arg10 : memref<128x128xf32, #tpu.memory_space<vmem>>) target_semaphore(%run_scoped3A : memref<!tpu.dma_semaphore, #tpu.memory_space<semaphore_mem>>)
      %dma_wait3A = arith.constant 0 : i32
      %dma_wait3A_152 = tpu.memref_slice %arg9[%add3A_89, %dma_wait3A] : memref<10240x128xf32, #tpu.memory_space<vmem_shared>> -> memref<128x128xf32, #tpu.memory_space<vmem_shared>>
      %dma_wait3A_153 = arith.constant 0 : i32
      %dma_wait3A_154 = tpu.memref_slice %arg9[%add3A_89, %dma_wait3A_153] : memref<10240x128xf32, #tpu.memory_space<vmem_shared>> -> memref<128x128xf32, #tpu.memory_space<vmem_shared>>
      tpu.wait_dma2 semaphore(%run_scoped3A : memref<!tpu.dma_semaphore, #tpu.memory_space<semaphore_mem>>) src(%dma_wait3A_154 : memref<128x128xf32, #tpu.memory_space<vmem_shared>>) dst(%arg10 : memref<128x128xf32, #tpu.memory_space<vmem>>)
      tpu.yield
    }) : () -> ()
    %add3A_90 = arith.constant 384 : i32
    %add3A_91 = arith.addi %mul3A_4, %add3A_90 : i32
    "tpu.region"() ({
      %run_scoped3A = tpu.sem_alloc : memref<!tpu.dma_semaphore, #tpu.memory_space<semaphore_mem>>
      %dma_start3A = arith.constant 0 : i32
      %dma_start3A_149 = tpu.memref_slice %arg7[%arg0, %add3A_91, %dma_start3A] : memref<2x10240x128xf32, #tpu.memory_space<hbm>> -> memref<1x128x128xf32, #tpu.memory_space<hbm>>
      %dma_start3A_150 = tpu.memref_squeeze %dma_start3A_149 : memref<1x128x128xf32, #tpu.memory_space<hbm>> -> memref<128x128xf32, #tpu.memory_space<hbm>>
      %dma_start3A_151 = arith.constant 0 : i32
      %dma_start3A_152 = tpu.memref_slice %arg7[%arg0, %add3A_91, %dma_start3A_151] : memref<2x10240x128xf32, #tpu.memory_space<hbm>> -> memref<1x128x128xf32, #tpu.memory_space<hbm>>
      %dma_start3A_153 = tpu.memref_squeeze %dma_start3A_152 : memref<1x128x128xf32, #tpu.memory_space<hbm>> -> memref<128x128xf32, #tpu.memory_space<hbm>>
      tpu.enqueue_dma source(%arg10 : memref<128x128xf32, #tpu.memory_space<vmem>>) target(%dma_start3A_153 : memref<128x128xf32, #tpu.memory_space<hbm>>) target_semaphore(%run_scoped3A : memref<!tpu.dma_semaphore, #tpu.memory_space<semaphore_mem>>)
      %dma_wait3A = arith.constant 0 : i32
      %dma_wait3A_154 = tpu.memref_slice %arg7[%arg0, %add3A_91, %dma_wait3A] : memref<2x10240x128xf32, #tpu.memory_space<hbm>> -> memref<1x128x128xf32, #tpu.memory_space<hbm>>
      %dma_wait3A_155 = tpu.memref_squeeze %dma_wait3A_154 : memref<1x128x128xf32, #tpu.memory_space<hbm>> -> memref<128x128xf32, #tpu.memory_space<hbm>>
      %dma_wait3A_156 = arith.constant 0 : i32
      %dma_wait3A_157 = tpu.memref_slice %arg7[%arg0, %add3A_91, %dma_wait3A_156] : memref<2x10240x128xf32, #tpu.memory_space<hbm>> -> memref<1x128x128xf32, #tpu.memory_space<hbm>>
      %dma_wait3A_158 = tpu.memref_squeeze %dma_wait3A_157 : memref<1x128x128xf32, #tpu.memory_space<hbm>> -> memref<128x128xf32, #tpu.memory_space<hbm>>
      tpu.wait_dma2 semaphore(%run_scoped3A : memref<!tpu.dma_semaphore, #tpu.memory_space<semaphore_mem>>) src(%arg10 : memref<128x128xf32, #tpu.memory_space<vmem>>) dst(%dma_wait3A_158 : memref<128x128xf32, #tpu.memory_space<hbm>>)
      tpu.yield
    }) : () -> ()
    %add3A_92 = arith.constant 512 : i32
    %add3A_93 = arith.addi %mul3A_4, %add3A_92 : i32
    "tpu.region"() ({
      %run_scoped3A = tpu.sem_alloc : memref<!tpu.dma_semaphore, #tpu.memory_space<semaphore_mem>>
      %dma_start3A = arith.constant 0 : i32
      %dma_start3A_149 = tpu.memref_slice %arg9[%add3A_93, %dma_start3A] : memref<10240x128xf32, #tpu.memory_space<vmem_shared>> -> memref<128x128xf32, #tpu.memory_space<vmem_shared>>
      %dma_start3A_150 = arith.constant 0 : i32
      %dma_start3A_151 = tpu.memref_slice %arg9[%add3A_93, %dma_start3A_150] : memref<10240x128xf32, #tpu.memory_space<vmem_shared>> -> memref<128x128xf32, #tpu.memory_space<vmem_shared>>
      tpu.enqueue_dma source(%dma_start3A_151 : memref<128x128xf32, #tpu.memory_space<vmem_shared>>) target(%arg10 : memref<128x128xf32, #tpu.memory_space<vmem>>) target_semaphore(%run_scoped3A : memref<!tpu.dma_semaphore, #tpu.memory_space<semaphore_mem>>)
      %dma_wait3A = arith.constant 0 : i32
      %dma_wait3A_152 = tpu.memref_slice %arg9[%add3A_93, %dma_wait3A] : memref<10240x128xf32, #tpu.memory_space<vmem_shared>> -> memref<128x128xf32, #tpu.memory_space<vmem_shared>>
      %dma_wait3A_153 = arith.constant 0 : i32
      %dma_wait3A_154 = tpu.memref_slice %arg9[%add3A_93, %dma_wait3A_153] : memref<10240x128xf32, #tpu.memory_space<vmem_shared>> -> memref<128x128xf32, #tpu.memory_space<vmem_shared>>
      tpu.wait_dma2 semaphore(%run_scoped3A : memref<!tpu.dma_semaphore, #tpu.memory_space<semaphore_mem>>) src(%dma_wait3A_154 : memref<128x128xf32, #tpu.memory_space<vmem_shared>>) dst(%arg10 : memref<128x128xf32, #tpu.memory_space<vmem>>)
      tpu.yield
    }) : () -> ()
    %add3A_94 = arith.constant 512 : i32
    %add3A_95 = arith.addi %mul3A_4, %add3A_94 : i32
    "tpu.region"() ({
      %run_scoped3A = tpu.sem_alloc : memref<!tpu.dma_semaphore, #tpu.memory_space<semaphore_mem>>
      %dma_start3A = arith.constant 0 : i32
      %dma_start3A_149 = tpu.memref_slice %arg7[%arg0, %add3A_95, %dma_start3A] : memref<2x10240x128xf32, #tpu.memory_space<hbm>> -> memref<1x128x128xf32, #tpu.memory_space<hbm>>
      %dma_start3A_150 = tpu.memref_squeeze %dma_start3A_149 : memref<1x128x128xf32, #tpu.memory_space<hbm>> -> memref<128x128xf32, #tpu.memory_space<hbm>>
      %dma_start3A_151 = arith.constant 0 : i32
      %dma_start3A_152 = tpu.memref_slice %arg7[%arg0, %add3A_95, %dma_start3A_151] : memref<2x10240x128xf32, #tpu.memory_space<hbm>> -> memref<1x128x128xf32, #tpu.memory_space<hbm>>
      %dma_start3A_153 = tpu.memref_squeeze %dma_start3A_152 : memref<1x128x128xf32, #tpu.memory_space<hbm>> -> memref<128x128xf32, #tpu.memory_space<hbm>>
      tpu.enqueue_dma source(%arg10 : memref<128x128xf32, #tpu.memory_space<vmem>>) target(%dma_start3A_153 : memref<128x128xf32, #tpu.memory_space<hbm>>) target_semaphore(%run_scoped3A : memref<!tpu.dma_semaphore, #tpu.memory_space<semaphore_mem>>)
      %dma_wait3A = arith.constant 0 : i32
      %dma_wait3A_154 = tpu.memref_slice %arg7[%arg0, %add3A_95, %dma_wait3A] : memref<2x10240x128xf32, #tpu.memory_space<hbm>> -> memref<1x128x128xf32, #tpu.memory_space<hbm>>
      %dma_wait3A_155 = tpu.memref_squeeze %dma_wait3A_154 : memref<1x128x128xf32, #tpu.memory_space<hbm>> -> memref<128x128xf32, #tpu.memory_space<hbm>>
      %dma_wait3A_156 = arith.constant 0 : i32
      %dma_wait3A_157 = tpu.memref_slice %arg7[%arg0, %add3A_95, %dma_wait3A_156] : memref<2x10240x128xf32, #tpu.memory_space<hbm>> -> memref<1x128x128xf32, #tpu.memory_space<hbm>>
      %dma_wait3A_158 = tpu.memref_squeeze %dma_wait3A_157 : memref<1x128x128xf32, #tpu.memory_space<hbm>> -> memref<128x128xf32, #tpu.memory_space<hbm>>
      tpu.wait_dma2 semaphore(%run_scoped3A : memref<!tpu.dma_semaphore, #tpu.memory_space<semaphore_mem>>) src(%arg10 : memref<128x128xf32, #tpu.memory_space<vmem>>) dst(%dma_wait3A_158 : memref<128x128xf32, #tpu.memory_space<hbm>>)
      tpu.yield
    }) : () -> ()
    %scan3A_96 = arith.constant 0 : i32
    %scan3A_97 = arith.constant 0 : i32
    %scan3A_98 = arith.constant 128 : i32
    %scan3A_99 = arith.addi %scan3A_97, %scan3A_98 : i32
    %scan3A_100 = arith.constant 1 : i32
    %scan3A_101 = scf.for %scan3A_149 = %scan3A_97 to %scan3A_99 step %scan3A_100 iter_args(%scan3A_150 = %scan3A_96) -> (i32)  : i32 {
      %swap3A = arith.index_cast %scan3A_149 : i32 to index
      %swap3A_151 = arith.constant 0 : index
      %swap3A_152 = tpu.vector_load %arg10[%swap3A, %swap3A_151] {strides = array<i32>} : memref<128x128xf32, #tpu.memory_space<vmem>>, vector<1x16xf32>,
      %swap3A_153 = vector.shape_cast %swap3A_152 : vector<1x16xf32> to vector<16xf32>
      %swap3A_154 = vector.shape_cast %broadcast_in_dim3A_5 : vector<16xf32> to vector<1x16xf32>
      tpu.vector_store %arg10[%swap3A, %swap3A_151], %swap3A_154 {strides = array<i32>} : memref<128x128xf32, #tpu.memory_space<vmem>>, vector<1x16xf32>,
      %swap3A_155 = arith.index_cast %scan3A_149 : i32 to index
      %swap3A_156 = arith.constant 16 : index
      %swap3A_157 = tpu.vector_load %arg10[%swap3A_155, %swap3A_156] {strides = array<i32>} : memref<128x128xf32, #tpu.memory_space<vmem>>, vector<1x16xf32>,
      %swap3A_158 = vector.shape_cast %swap3A_157 : vector<1x16xf32> to vector<16xf32>
      %swap3A_159 = vector.shape_cast %broadcast_in_dim3A_5 : vector<16xf32> to vector<1x16xf32>
      tpu.vector_store %arg10[%swap3A_155, %swap3A_156], %swap3A_159 {strides = array<i32>} : memref<128x128xf32, #tpu.memory_space<vmem>>, vector<1x16xf32>,
      %swap3A_160 = arith.index_cast %scan3A_149 : i32 to index
      %swap3A_161 = arith.constant 32 : index
      %swap3A_162 = tpu.vector_load %arg10[%swap3A_160, %swap3A_161] {strides = array<i32>} : memref<128x128xf32, #tpu.memory_space<vmem>>, vector<1x16xf32>,
      %swap3A_163 = vector.shape_cast %swap3A_162 : vector<1x16xf32> to vector<16xf32>
      %swap3A_164 = vector.shape_cast %broadcast_in_dim3A_5 : vector<16xf32> to vector<1x16xf32>
      tpu.vector_store %arg10[%swap3A_160, %swap3A_161], %swap3A_164 {strides = array<i32>} : memref<128x128xf32, #tpu.memory_space<vmem>>, vector<1x16xf32>,
      %swap3A_165 = arith.index_cast %scan3A_149 : i32 to index
      %swap3A_166 = arith.constant 48 : index
      %swap3A_167 = tpu.vector_load %arg10[%swap3A_165, %swap3A_166] {strides = array<i32>} : memref<128x128xf32, #tpu.memory_space<vmem>>, vector<1x16xf32>,
      %swap3A_168 = vector.shape_cast %swap3A_167 : vector<1x16xf32> to vector<16xf32>
      %swap3A_169 = vector.shape_cast %broadcast_in_dim3A_5 : vector<16xf32> to vector<1x16xf32>
      tpu.vector_store %arg10[%swap3A_165, %swap3A_166], %swap3A_169 {strides = array<i32>} : memref<128x128xf32, #tpu.memory_space<vmem>>, vector<1x16xf32>,
      %swap3A_170 = arith.index_cast %scan3A_149 : i32 to index
      %swap3A_171 = arith.constant 64 : index
      %swap3A_172 = tpu.vector_load %arg10[%swap3A_170, %swap3A_171] {strides = array<i32>} : memref<128x128xf32, #tpu.memory_space<vmem>>, vector<1x16xf32>,
      %swap3A_173 = vector.shape_cast %swap3A_172 : vector<1x16xf32> to vector<16xf32>
      %swap3A_174 = vector.shape_cast %broadcast_in_dim3A_5 : vector<16xf32> to vector<1x16xf32>
      tpu.vector_store %arg10[%swap3A_170, %swap3A_171], %swap3A_174 {strides = array<i32>} : memref<128x128xf32, #tpu.memory_space<vmem>>, vector<1x16xf32>,
      %swap3A_175 = arith.index_cast %scan3A_149 : i32 to index
      %swap3A_176 = arith.constant 80 : index
      %swap3A_177 = tpu.vector_load %arg10[%swap3A_175, %swap3A_176] {strides = array<i32>} : memref<128x128xf32, #tpu.memory_space<vmem>>, vector<1x16xf32>,
      %swap3A_178 = vector.shape_cast %swap3A_177 : vector<1x16xf32> to vector<16xf32>
      %swap3A_179 = vector.shape_cast %broadcast_in_dim3A_5 : vector<16xf32> to vector<1x16xf32>
      tpu.vector_store %arg10[%swap3A_175, %swap3A_176], %swap3A_179 {strides = array<i32>} : memref<128x128xf32, #tpu.memory_space<vmem>>, vector<1x16xf32>,
      %swap3A_180 = arith.index_cast %scan3A_149 : i32 to index
      %swap3A_181 = arith.constant 96 : index
      %swap3A_182 = tpu.vector_load %arg10[%swap3A_180, %swap3A_181] {strides = array<i32>} : memref<128x128xf32, #tpu.memory_space<vmem>>, vector<1x16xf32>,
      %swap3A_183 = vector.shape_cast %swap3A_182 : vector<1x16xf32> to vector<16xf32>
      %swap3A_184 = vector.shape_cast %broadcast_in_dim3A_5 : vector<16xf32> to vector<1x16xf32>
      tpu.vector_store %arg10[%swap3A_180, %swap3A_181], %swap3A_184 {strides = array<i32>} : memref<128x128xf32, #tpu.memory_space<vmem>>, vector<1x16xf32>,
      %swap3A_185 = arith.index_cast %scan3A_149 : i32 to index
      %swap3A_186 = arith.constant 112 : index
      %swap3A_187 = tpu.vector_load %arg10[%swap3A_185, %swap3A_186] {strides = array<i32>} : memref<128x128xf32, #tpu.memory_space<vmem>>, vector<1x16xf32>,
      %swap3A_188 = vector.shape_cast %swap3A_187 : vector<1x16xf32> to vector<16xf32>
      %swap3A_189 = vector.shape_cast %broadcast_in_dim3A_5 : vector<16xf32> to vector<1x16xf32>
      tpu.vector_store %arg10[%swap3A_185, %swap3A_186], %swap3A_189 {strides = array<i32>} : memref<128x128xf32, #tpu.memory_space<vmem>>, vector<1x16xf32>,
      %scan3A_190 = arith.constant 0 : i32
      scf.yield %scan3A_190 : i32
    }
    %scan3A_102 = arith.constant 128 : i32
    %add3A_103 = arith.constant 0 : i32
    %add3A_104 = arith.addi %mul3A_4, %add3A_103 : i32
    "tpu.region"() ({
      %run_scoped3A = tpu.sem_alloc : memref<!tpu.dma_semaphore, #tpu.memory_space<semaphore_mem>>
      %dma_start3A = arith.constant 0 : i32
      %dma_start3A_149 = tpu.memref_slice %arg9[%add3A_104, %dma_start3A] : memref<10240x128xf32, #tpu.memory_space<vmem_shared>> -> memref<128x128xf32, #tpu.memory_space<vmem_shared>>
      %dma_start3A_150 = arith.constant 0 : i32
      %dma_start3A_151 = tpu.memref_slice %arg9[%add3A_104, %dma_start3A_150] : memref<10240x128xf32, #tpu.memory_space<vmem_shared>> -> memref<128x128xf32, #tpu.memory_space<vmem_shared>>
      tpu.enqueue_dma source(%arg10 : memref<128x128xf32, #tpu.memory_space<vmem>>) target(%dma_start3A_151 : memref<128x128xf32, #tpu.memory_space<vmem_shared>>) target_semaphore(%run_scoped3A : memref<!tpu.dma_semaphore, #tpu.memory_space<semaphore_mem>>)
      %dma_wait3A = arith.constant 0 : i32
      %dma_wait3A_152 = tpu.memref_slice %arg9[%add3A_104, %dma_wait3A] : memref<10240x128xf32, #tpu.memory_space<vmem_shared>> -> memref<128x128xf32, #tpu.memory_space<vmem_shared>>
      %dma_wait3A_153 = arith.constant 0 : i32
      %dma_wait3A_154 = tpu.memref_slice %arg9[%add3A_104, %dma_wait3A_153] : memref<10240x128xf32, #tpu.memory_space<vmem_shared>> -> memref<128x128xf32, #tpu.memory_space<vmem_shared>>
      tpu.wait_dma2 semaphore(%run_scoped3A : memref<!tpu.dma_semaphore, #tpu.memory_space<semaphore_mem>>) src(%arg10 : memref<128x128xf32, #tpu.memory_space<vmem>>) dst(%dma_wait3A_154 : memref<128x128xf32, #tpu.memory_space<vmem_shared>>)
      tpu.yield
    }) : () -> ()
    %add3A_105 = arith.constant 128 : i32
    %add3A_106 = arith.addi %mul3A_4, %add3A_105 : i32
    "tpu.region"() ({
      %run_scoped3A = tpu.sem_alloc : memref<!tpu.dma_semaphore, #tpu.memory_space<semaphore_mem>>
      %dma_start3A = arith.constant 0 : i32
      %dma_start3A_149 = tpu.memref_slice %arg9[%add3A_106, %dma_start3A] : memref<10240x128xf32, #tpu.memory_space<vmem_shared>> -> memref<128x128xf32, #tpu.memory_space<vmem_shared>>
      %dma_start3A_150 = arith.constant 0 : i32
      %dma_start3A_151 = tpu.memref_slice %arg9[%add3A_106, %dma_start3A_150] : memref<10240x128xf32, #tpu.memory_space<vmem_shared>> -> memref<128x128xf32, #tpu.memory_space<vmem_shared>>
      tpu.enqueue_dma source(%arg10 : memref<128x128xf32, #tpu.memory_space<vmem>>) target(%dma_start3A_151 : memref<128x128xf32, #tpu.memory_space<vmem_shared>>) target_semaphore(%run_scoped3A : memref<!tpu.dma_semaphore, #tpu.memory_space<semaphore_mem>>)
      %dma_wait3A = arith.constant 0 : i32
      %dma_wait3A_152 = tpu.memref_slice %arg9[%add3A_106, %dma_wait3A] : memref<10240x128xf32, #tpu.memory_space<vmem_shared>> -> memref<128x128xf32, #tpu.memory_space<vmem_shared>>
      %dma_wait3A_153 = arith.constant 0 : i32
      %dma_wait3A_154 = tpu.memref_slice %arg9[%add3A_106, %dma_wait3A_153] : memref<10240x128xf32, #tpu.memory_space<vmem_shared>> -> memref<128x128xf32, #tpu.memory_space<vmem_shared>>
      tpu.wait_dma2 semaphore(%run_scoped3A : memref<!tpu.dma_semaphore, #tpu.memory_space<semaphore_mem>>) src(%arg10 : memref<128x128xf32, #tpu.memory_space<vmem>>) dst(%dma_wait3A_154 : memref<128x128xf32, #tpu.memory_space<vmem_shared>>)
      tpu.yield
    }) : () -> ()
    %add3A_107 = arith.constant 256 : i32
    %add3A_108 = arith.addi %mul3A_4, %add3A_107 : i32
    "tpu.region"() ({
      %run_scoped3A = tpu.sem_alloc : memref<!tpu.dma_semaphore, #tpu.memory_space<semaphore_mem>>
      %dma_start3A = arith.constant 0 : i32
      %dma_start3A_149 = tpu.memref_slice %arg9[%add3A_108, %dma_start3A] : memref<10240x128xf32, #tpu.memory_space<vmem_shared>> -> memref<128x128xf32, #tpu.memory_space<vmem_shared>>
      %dma_start3A_150 = arith.constant 0 : i32
      %dma_start3A_151 = tpu.memref_slice %arg9[%add3A_108, %dma_start3A_150] : memref<10240x128xf32, #tpu.memory_space<vmem_shared>> -> memref<128x128xf32, #tpu.memory_space<vmem_shared>>
      tpu.enqueue_dma source(%arg10 : memref<128x128xf32, #tpu.memory_space<vmem>>) target(%dma_start3A_151 : memref<128x128xf32, #tpu.memory_space<vmem_shared>>) target_semaphore(%run_scoped3A : memref<!tpu.dma_semaphore, #tpu.memory_space<semaphore_mem>>)
      %dma_wait3A = arith.constant 0 : i32
      %dma_wait3A_152 = tpu.memref_slice %arg9[%add3A_108, %dma_wait3A] : memref<10240x128xf32, #tpu.memory_space<vmem_shared>> -> memref<128x128xf32, #tpu.memory_space<vmem_shared>>
      %dma_wait3A_153 = arith.constant 0 : i32
      %dma_wait3A_154 = tpu.memref_slice %arg9[%add3A_108, %dma_wait3A_153] : memref<10240x128xf32, #tpu.memory_space<vmem_shared>> -> memref<128x128xf32, #tpu.memory_space<vmem_shared>>
      tpu.wait_dma2 semaphore(%run_scoped3A : memref<!tpu.dma_semaphore, #tpu.memory_space<semaphore_mem>>) src(%arg10 : memref<128x128xf32, #tpu.memory_space<vmem>>) dst(%dma_wait3A_154 : memref<128x128xf32, #tpu.memory_space<vmem_shared>>)
      tpu.yield
    }) : () -> ()
    %add3A_109 = arith.constant 384 : i32
    %add3A_110 = arith.addi %mul3A_4, %add3A_109 : i32
    "tpu.region"() ({
      %run_scoped3A = tpu.sem_alloc : memref<!tpu.dma_semaphore, #tpu.memory_space<semaphore_mem>>
      %dma_start3A = arith.constant 0 : i32
      %dma_start3A_149 = tpu.memref_slice %arg9[%add3A_110, %dma_start3A] : memref<10240x128xf32, #tpu.memory_space<vmem_shared>> -> memref<128x128xf32, #tpu.memory_space<vmem_shared>>
      %dma_start3A_150 = arith.constant 0 : i32
      %dma_start3A_151 = tpu.memref_slice %arg9[%add3A_110, %dma_start3A_150] : memref<10240x128xf32, #tpu.memory_space<vmem_shared>> -> memref<128x128xf32, #tpu.memory_space<vmem_shared>>
      tpu.enqueue_dma source(%arg10 : memref<128x128xf32, #tpu.memory_space<vmem>>) target(%dma_start3A_151 : memref<128x128xf32, #tpu.memory_space<vmem_shared>>) target_semaphore(%run_scoped3A : memref<!tpu.dma_semaphore, #tpu.memory_space<semaphore_mem>>)
      %dma_wait3A = arith.constant 0 : i32
      %dma_wait3A_152 = tpu.memref_slice %arg9[%add3A_110, %dma_wait3A] : memref<10240x128xf32, #tpu.memory_space<vmem_shared>> -> memref<128x128xf32, #tpu.memory_space<vmem_shared>>
      %dma_wait3A_153 = arith.constant 0 : i32
      %dma_wait3A_154 = tpu.memref_slice %arg9[%add3A_110, %dma_wait3A_153] : memref<10240x128xf32, #tpu.memory_space<vmem_shared>> -> memref<128x128xf32, #tpu.memory_space<vmem_shared>>
      tpu.wait_dma2 semaphore(%run_scoped3A : memref<!tpu.dma_semaphore, #tpu.memory_space<semaphore_mem>>) src(%arg10 : memref<128x128xf32, #tpu.memory_space<vmem>>) dst(%dma_wait3A_154 : memref<128x128xf32, #tpu.memory_space<vmem_shared>>)
      tpu.yield
    }) : () -> ()
    %add3A_111 = arith.constant 512 : i32
    %add3A_112 = arith.addi %mul3A_4, %add3A_111 : i32
    "tpu.region"() ({
      %run_scoped3A = tpu.sem_alloc : memref<!tpu.dma_semaphore, #tpu.memory_space<semaphore_mem>>
      %dma_start3A = arith.constant 0 : i32
      %dma_start3A_149 = tpu.memref_slice %arg9[%add3A_112, %dma_start3A] : memref<10240x128xf32, #tpu.memory_space<vmem_shared>> -> memref<128x128xf32, #tpu.memory_space<vmem_shared>>
      %dma_start3A_150 = arith.constant 0 : i32
      %dma_start3A_151 = tpu.memref_slice %arg9[%add3A_112, %dma_start3A_150] : memref<10240x128xf32, #tpu.memory_space<vmem_shared>> -> memref<128x128xf32, #tpu.memory_space<vmem_shared>>
      tpu.enqueue_dma source(%arg10 : memref<128x128xf32, #tpu.memory_space<vmem>>) target(%dma_start3A_151 : memref<128x128xf32, #tpu.memory_space<vmem_shared>>) target_semaphore(%run_scoped3A : memref<!tpu.dma_semaphore, #tpu.memory_space<semaphore_mem>>)
      %dma_wait3A = arith.constant 0 : i32
      %dma_wait3A_152 = tpu.memref_slice %arg9[%add3A_112, %dma_wait3A] : memref<10240x128xf32, #tpu.memory_space<vmem_shared>> -> memref<128x128xf32, #tpu.memory_space<vmem_shared>>
      %dma_wait3A_153 = arith.constant 0 : i32
      %dma_wait3A_154 = tpu.memref_slice %arg9[%add3A_112, %dma_wait3A_153] : memref<10240x128xf32, #tpu.memory_space<vmem_shared>> -> memref<128x128xf32, #tpu.memory_space<vmem_shared>>
      tpu.wait_dma2 semaphore(%run_scoped3A : memref<!tpu.dma_semaphore, #tpu.memory_space<semaphore_mem>>) src(%arg10 : memref<128x128xf32, #tpu.memory_space<vmem>>) dst(%dma_wait3A_154 : memref<128x128xf32, #tpu.memory_space<vmem_shared>>)
      tpu.yield
    }) : () -> ()
    %barrier3A_113 = arith.constant 0 : index
    tpu.barrier barrier_id(%barrier3A_113)
    %scan3A_114 = arith.constant 0 : i32
    %scan3A_115 = arith.constant 0 : i32
    %scan3A_116 = arith.constant 80 : i32
    %scan3A_117 = arith.addi %scan3A_115, %scan3A_116 : i32
    %scan3A_118 = arith.constant 1 : i32
    %scan3A_119 = scf.for %scan3A_149 = %scan3A_115 to %scan3A_117 step %scan3A_118 iter_args(%scan3A_150 = %scan3A_114) -> (i32)  : i32 {
      %add3A_151 = arith.constant 1.000000e+00 : f32
      %add3A_152 = vector.broadcast %add3A_151 : f32 to vector<16xf32>
      %add3A_153 = arith.addf %broadcast_in_dim3A_5, %add3A_152 : vector<16xf32>
      %swap3A = arith.index_cast %scan3A_149 : i32 to index
      %swap3A_154 = arith.constant 0 : index
      %swap3A_155 = tpu.vector_load %arg11[%swap3A, %swap3A_154] {strides = array<i32>} : memref<80x128xf32, #tpu.memory_space<vmem>>, vector<1x16xf32>,
      %swap3A_156 = vector.shape_cast %swap3A_155 : vector<1x16xf32> to vector<16xf32>
      %swap3A_157 = vector.shape_cast %add3A_153 : vector<16xf32> to vector<1x16xf32>
      tpu.vector_store %arg11[%swap3A, %swap3A_154], %swap3A_157 {strides = array<i32>} : memref<80x128xf32, #tpu.memory_space<vmem>>, vector<1x16xf32>,
      %add3A_158 = arith.constant 1.000000e+00 : f32
      %add3A_159 = vector.broadcast %add3A_158 : f32 to vector<16xf32>
      %add3A_160 = arith.addf %broadcast_in_dim3A_5, %add3A_159 : vector<16xf32>
      %swap3A_161 = arith.index_cast %scan3A_149 : i32 to index
      %swap3A_162 = arith.constant 16 : index
      %swap3A_163 = tpu.vector_load %arg11[%swap3A_161, %swap3A_162] {strides = array<i32>} : memref<80x128xf32, #tpu.memory_space<vmem>>, vector<1x16xf32>,
      %swap3A_164 = vector.shape_cast %swap3A_163 : vector<1x16xf32> to vector<16xf32>
      %swap3A_165 = vector.shape_cast %add3A_160 : vector<16xf32> to vector<1x16xf32>
      tpu.vector_store %arg11[%swap3A_161, %swap3A_162], %swap3A_165 {strides = array<i32>} : memref<80x128xf32, #tpu.memory_space<vmem>>, vector<1x16xf32>,
      %add3A_166 = arith.constant 1.000000e+00 : f32
      %add3A_167 = vector.broadcast %add3A_166 : f32 to vector<16xf32>
      %add3A_168 = arith.addf %broadcast_in_dim3A_5, %add3A_167 : vector<16xf32>
      %swap3A_169 = arith.index_cast %scan3A_149 : i32 to index
      %swap3A_170 = arith.constant 32 : index
      %swap3A_171 = tpu.vector_load %arg11[%swap3A_169, %swap3A_170] {strides = array<i32>} : memref<80x128xf32, #tpu.memory_space<vmem>>, vector<1x16xf32>,
      %swap3A_172 = vector.shape_cast %swap3A_171 : vector<1x16xf32> to vector<16xf32>
      %swap3A_173 = vector.shape_cast %add3A_168 : vector<16xf32> to vector<1x16xf32>
      tpu.vector_store %arg11[%swap3A_169, %swap3A_170], %swap3A_173 {strides = array<i32>} : memref<80x128xf32, #tpu.memory_space<vmem>>, vector<1x16xf32>,
      %add3A_174 = arith.constant 1.000000e+00 : f32
      %add3A_175 = vector.broadcast %add3A_174 : f32 to vector<16xf32>
      %add3A_176 = arith.addf %broadcast_in_dim3A_5, %add3A_175 : vector<16xf32>
      %swap3A_177 = arith.index_cast %scan3A_149 : i32 to index
      %swap3A_178 = arith.constant 48 : index
      %swap3A_179 = tpu.vector_load %arg11[%swap3A_177, %swap3A_178] {strides = array<i32>} : memref<80x128xf32, #tpu.memory_space<vmem>>, vector<1x16xf32>,
      %swap3A_180 = vector.shape_cast %swap3A_179 : vector<1x16xf32> to vector<16xf32>
      %swap3A_181 = vector.shape_cast %add3A_176 : vector<16xf32> to vector<1x16xf32>
      tpu.vector_store %arg11[%swap3A_177, %swap3A_178], %swap3A_181 {strides = array<i32>} : memref<80x128xf32, #tpu.memory_space<vmem>>, vector<1x16xf32>,
      %add3A_182 = arith.constant 1.000000e+00 : f32
      %add3A_183 = vector.broadcast %add3A_182 : f32 to vector<16xf32>
      %add3A_184 = arith.addf %broadcast_in_dim3A_5, %add3A_183 : vector<16xf32>
      %swap3A_185 = arith.index_cast %scan3A_149 : i32 to index
      %swap3A_186 = arith.constant 64 : index
      %swap3A_187 = tpu.vector_load %arg11[%swap3A_185, %swap3A_186] {strides = array<i32>} : memref<80x128xf32, #tpu.memory_space<vmem>>, vector<1x16xf32>,
      %swap3A_188 = vector.shape_cast %swap3A_187 : vector<1x16xf32> to vector<16xf32>
      %swap3A_189 = vector.shape_cast %add3A_184 : vector<16xf32> to vector<1x16xf32>
      tpu.vector_store %arg11[%swap3A_185, %swap3A_186], %swap3A_189 {strides = array<i32>} : memref<80x128xf32, #tpu.memory_space<vmem>>, vector<1x16xf32>,
      %add3A_190 = arith.constant 1.000000e+00 : f32
      %add3A_191 = vector.broadcast %add3A_190 : f32 to vector<16xf32>
      %add3A_192 = arith.addf %broadcast_in_dim3A_5, %add3A_191 : vector<16xf32>
      %swap3A_193 = arith.index_cast %scan3A_149 : i32 to index
      %swap3A_194 = arith.constant 80 : index
      %swap3A_195 = tpu.vector_load %arg11[%swap3A_193, %swap3A_194] {strides = array<i32>} : memref<80x128xf32, #tpu.memory_space<vmem>>, vector<1x16xf32>,
      %swap3A_196 = vector.shape_cast %swap3A_195 : vector<1x16xf32> to vector<16xf32>
      %swap3A_197 = vector.shape_cast %add3A_192 : vector<16xf32> to vector<1x16xf32>
      tpu.vector_store %arg11[%swap3A_193, %swap3A_194], %swap3A_197 {strides = array<i32>} : memref<80x128xf32, #tpu.memory_space<vmem>>, vector<1x16xf32>,
      %add3A_198 = arith.constant 1.000000e+00 : f32
      %add3A_199 = vector.broadcast %add3A_198 : f32 to vector<16xf32>
      %add3A_200 = arith.addf %broadcast_in_dim3A_5, %add3A_199 : vector<16xf32>
      %swap3A_201 = arith.index_cast %scan3A_149 : i32 to index
      %swap3A_202 = arith.constant 96 : index
      %swap3A_203 = tpu.vector_load %arg11[%swap3A_201, %swap3A_202] {strides = array<i32>} : memref<80x128xf32, #tpu.memory_space<vmem>>, vector<1x16xf32>,
      %swap3A_204 = vector.shape_cast %swap3A_203 : vector<1x16xf32> to vector<16xf32>
      %swap3A_205 = vector.shape_cast %add3A_200 : vector<16xf32> to vector<1x16xf32>
      tpu.vector_store %arg11[%swap3A_201, %swap3A_202], %swap3A_205 {strides = array<i32>} : memref<80x128xf32, #tpu.memory_space<vmem>>, vector<1x16xf32>,
      %add3A_206 = arith.constant 1.000000e+00 : f32
      %add3A_207 = vector.broadcast %add3A_206 : f32 to vector<16xf32>
      %add3A_208 = arith.addf %broadcast_in_dim3A_5, %add3A_207 : vector<16xf32>
      %swap3A_209 = arith.index_cast %scan3A_149 : i32 to index
      %swap3A_210 = arith.constant 112 : index
      %swap3A_211 = tpu.vector_load %arg11[%swap3A_209, %swap3A_210] {strides = array<i32>} : memref<80x128xf32, #tpu.memory_space<vmem>>, vector<1x16xf32>,
      %swap3A_212 = vector.shape_cast %swap3A_211 : vector<1x16xf32> to vector<16xf32>
      %swap3A_213 = vector.shape_cast %add3A_208 : vector<16xf32> to vector<1x16xf32>
      tpu.vector_store %arg11[%swap3A_209, %swap3A_210], %swap3A_213 {strides = array<i32>} : memref<80x128xf32, #tpu.memory_space<vmem>>, vector<1x16xf32>,
      %scan3A_214 = arith.constant 0 : i32
      scf.yield %scan3A_214 : i32
    }
    %scan3A_120 = arith.constant 80 : i32
    %scan3A_121 = arith.constant 0 : i32
    %scan3A_122 = arith.constant 0 : i32
    %scan3A_123 = arith.constant 125 : i32
    %scan3A_124 = arith.addi %scan3A_122, %scan3A_123 : i32
    %scan3A_125 = arith.constant 1 : i32
    %scan3A_126 = scf.for %scan3A_149 = %scan3A_122 to %scan3A_124 step %scan3A_125 iter_args(%scan3A_150 = %scan3A_121) -> (i32)  : i32 {
      %mul3A_151 = arith.constant 80 : i32
      %mul3A_152 = arith.muli %scan3A_149, %mul3A_151 : i32
      %add3A_153 = arith.addi %mul3A_2, %mul3A_152 : i32
      "tpu.region"() ({
        %run_scoped3A = tpu.sem_alloc : memref<!tpu.dma_semaphore, #tpu.memory_space<semaphore_mem>>
        %dma_start3A = tpu.memref_slice %arg3[%add3A_153] : memref<320000xi32, #tpu.memory_space<hbm>> -> memref<80xi32, #tpu.memory_space<hbm>>
        %dma_start3A_155 = tpu.memref_slice %arg3[%add3A_153] : memref<320000xi32, #tpu.memory_space<hbm>> -> memref<80xi32, #tpu.memory_space<hbm>>
        tpu.enqueue_dma source(%dma_start3A_155 : memref<80xi32, #tpu.memory_space<hbm>>) target(%arg13 : memref<80xi32, #tpu.memory_space<vmem>>) target_semaphore(%run_scoped3A : memref<!tpu.dma_semaphore, #tpu.memory_space<semaphore_mem>>)
        %dma_wait3A = tpu.memref_slice %arg3[%add3A_153] : memref<320000xi32, #tpu.memory_space<hbm>> -> memref<80xi32, #tpu.memory_space<hbm>>
        %dma_wait3A_156 = tpu.memref_slice %arg3[%add3A_153] : memref<320000xi32, #tpu.memory_space<hbm>> -> memref<80xi32, #tpu.memory_space<hbm>>
        tpu.wait_dma2 semaphore(%run_scoped3A : memref<!tpu.dma_semaphore, #tpu.memory_space<semaphore_mem>>) src(%dma_wait3A_156 : memref<80xi32, #tpu.memory_space<hbm>>) dst(%arg13 : memref<80xi32, #tpu.memory_space<vmem>>)
        tpu.yield
      }) : () -> ()
      "tpu.region"() ({
        %run_scoped3A = tpu.sem_alloc : memref<!tpu.dma_semaphore, #tpu.memory_space<semaphore_mem>>
        %dma_start3A = arith.constant 0 : i32
        %dma_start3A_155 = arith.constant 0 : i32
        %dma_start3A_156 = tpu.memref_slice %arg9[%dma_start3A, %dma_start3A_155] : memref<10240x128xf32, #tpu.memory_space<vmem_shared>> -> memref<10240x128xf32, #tpu.memory_space<vmem_shared>>
        tpu.enqueue_indirect_dma source(%arg11 : memref<80x128xf32, #tpu.memory_space<vmem>>) target(%dma_start3A_156 : memref<10240x128xf32, #tpu.memory_space<vmem_shared>>) offsets(%arg13 : memref<80xi32, #tpu.memory_space<vmem>>) semaphore(%run_scoped3A : memref<!tpu.dma_semaphore, #tpu.memory_space<semaphore_mem>>) {add = true}
        %dma_wait3A = arith.constant 0 : i32
        %dma_wait3A_157 = arith.constant 0 : i32
        %dma_wait3A_158 = tpu.memref_slice %arg9[%dma_wait3A, %dma_wait3A_157] : memref<10240x128xf32, #tpu.memory_space<vmem_shared>> -> memref<10240x128xf32, #tpu.memory_space<vmem_shared>>
        tpu.wait_indirect_dma semaphore(%run_scoped3A : memref<!tpu.dma_semaphore, #tpu.memory_space<semaphore_mem>>) src(%arg11 : memref<80x128xf32, #tpu.memory_space<vmem>>) dst(%dma_wait3A_158 : memref<10240x128xf32, #tpu.memory_space<vmem_shared>>)
        tpu.yield
      }) : () -> ()
      %scan3A_154 = arith.constant 0 : i32
      scf.yield %scan3A_154 : i32
    }
    %scan3A_127 = arith.constant 125 : i32
    %barrier3A_128 = arith.constant 0 : index
    tpu.barrier barrier_id(%barrier3A_128)
    %add3A_129 = arith.constant 0 : i32
    %add3A_130 = arith.addi %mul3A_4, %add3A_129 : i32
    "tpu.region"() ({
      %run_scoped3A = tpu.sem_alloc : memref<!tpu.dma_semaphore, #tpu.memory_space<semaphore_mem>>
      %dma_start3A = arith.constant 0 : i32
      %dma_start3A_149 = tpu.memref_slice %arg9[%add3A_130, %dma_start3A] : memref<10240x128xf32, #tpu.memory_space<vmem_shared>> -> memref<128x128xf32, #tpu.memory_space<vmem_shared>>
      %dma_start3A_150 = arith.constant 0 : i32
      %dma_start3A_151 = tpu.memref_slice %arg9[%add3A_130, %dma_start3A_150] : memref<10240x128xf32, #tpu.memory_space<vmem_shared>> -> memref<128x128xf32, #tpu.memory_space<vmem_shared>>
      tpu.enqueue_dma source(%dma_start3A_151 : memref<128x128xf32, #tpu.memory_space<vmem_shared>>) target(%arg10 : memref<128x128xf32, #tpu.memory_space<vmem>>) target_semaphore(%run_scoped3A : memref<!tpu.dma_semaphore, #tpu.memory_space<semaphore_mem>>)
      %dma_wait3A = arith.constant 0 : i32
      %dma_wait3A_152 = tpu.memref_slice %arg9[%add3A_130, %dma_wait3A] : memref<10240x128xf32, #tpu.memory_space<vmem_shared>> -> memref<128x128xf32, #tpu.memory_space<vmem_shared>>
      %dma_wait3A_153 = arith.constant 0 : i32
      %dma_wait3A_154 = tpu.memref_slice %arg9[%add3A_130, %dma_wait3A_153] : memref<10240x128xf32, #tpu.memory_space<vmem_shared>> -> memref<128x128xf32, #tpu.memory_space<vmem_shared>>
      tpu.wait_dma2 semaphore(%run_scoped3A : memref<!tpu.dma_semaphore, #tpu.memory_space<semaphore_mem>>) src(%dma_wait3A_154 : memref<128x128xf32, #tpu.memory_space<vmem_shared>>) dst(%arg10 : memref<128x128xf32, #tpu.memory_space<vmem>>)
      tpu.yield
    }) : () -> ()
    %add3A_131 = arith.constant 0 : i32
    %add3A_132 = arith.addi %mul3A_4, %add3A_131 : i32
    "tpu.region"() ({
      %run_scoped3A = tpu.sem_alloc : memref<!tpu.dma_semaphore, #tpu.memory_space<semaphore_mem>>
      %dma_start3A = arith.constant 0 : i32
      %dma_start3A_149 = tpu.memref_slice %arg8[%arg0, %add3A_132, %dma_start3A] : memref<2x10240x128xf32, #tpu.memory_space<hbm>> -> memref<1x128x128xf32, #tpu.memory_space<hbm>>
      %dma_start3A_150 = tpu.memref_squeeze %dma_start3A_149 : memref<1x128x128xf32, #tpu.memory_space<hbm>> -> memref<128x128xf32, #tpu.memory_space<hbm>>
      %dma_start3A_151 = arith.constant 0 : i32
      %dma_start3A_152 = tpu.memref_slice %arg8[%arg0, %add3A_132, %dma_start3A_151] : memref<2x10240x128xf32, #tpu.memory_space<hbm>> -> memref<1x128x128xf32, #tpu.memory_space<hbm>>
      %dma_start3A_153 = tpu.memref_squeeze %dma_start3A_152 : memref<1x128x128xf32, #tpu.memory_space<hbm>> -> memref<128x128xf32, #tpu.memory_space<hbm>>
      tpu.enqueue_dma source(%arg10 : memref<128x128xf32, #tpu.memory_space<vmem>>) target(%dma_start3A_153 : memref<128x128xf32, #tpu.memory_space<hbm>>) target_semaphore(%run_scoped3A : memref<!tpu.dma_semaphore, #tpu.memory_space<semaphore_mem>>)
      %dma_wait3A = arith.constant 0 : i32
      %dma_wait3A_154 = tpu.memref_slice %arg8[%arg0, %add3A_132, %dma_wait3A] : memref<2x10240x128xf32, #tpu.memory_space<hbm>> -> memref<1x128x128xf32, #tpu.memory_space<hbm>>
      %dma_wait3A_155 = tpu.memref_squeeze %dma_wait3A_154 : memref<1x128x128xf32, #tpu.memory_space<hbm>> -> memref<128x128xf32, #tpu.memory_space<hbm>>
      %dma_wait3A_156 = arith.constant 0 : i32
      %dma_wait3A_157 = tpu.memref_slice %arg8[%arg0, %add3A_132, %dma_wait3A_156] : memref<2x10240x128xf32, #tpu.memory_space<hbm>> -> memref<1x128x128xf32, #tpu.memory_space<hbm>>
      %dma_wait3A_158 = tpu.memref_squeeze %dma_wait3A_157 : memref<1x128x128xf32, #tpu.memory_space<hbm>> -> memref<128x128xf32, #tpu.memory_space<hbm>>
      tpu.wait_dma2 semaphore(%run_scoped3A : memref<!tpu.dma_semaphore, #tpu.memory_space<semaphore_mem>>) src(%arg10 : memref<128x128xf32, #tpu.memory_space<vmem>>) dst(%dma_wait3A_158 : memref<128x128xf32, #tpu.memory_space<hbm>>)
      tpu.yield
    }) : () -> ()
    %add3A_133 = arith.constant 128 : i32
    %add3A_134 = arith.addi %mul3A_4, %add3A_133 : i32
    "tpu.region"() ({
      %run_scoped3A = tpu.sem_alloc : memref<!tpu.dma_semaphore, #tpu.memory_space<semaphore_mem>>
      %dma_start3A = arith.constant 0 : i32
      %dma_start3A_149 = tpu.memref_slice %arg9[%add3A_134, %dma_start3A] : memref<10240x128xf32, #tpu.memory_space<vmem_shared>> -> memref<128x128xf32, #tpu.memory_space<vmem_shared>>
      %dma_start3A_150 = arith.constant 0 : i32
      %dma_start3A_151 = tpu.memref_slice %arg9[%add3A_134, %dma_start3A_150] : memref<10240x128xf32, #tpu.memory_space<vmem_shared>> -> memref<128x128xf32, #tpu.memory_space<vmem_shared>>
      tpu.enqueue_dma source(%dma_start3A_151 : memref<128x128xf32, #tpu.memory_space<vmem_shared>>) target(%arg10 : memref<128x128xf32, #tpu.memory_space<vmem>>) target_semaphore(%run_scoped3A : memref<!tpu.dma_semaphore, #tpu.memory_space<semaphore_mem>>)
      %dma_wait3A = arith.constant 0 : i32
      %dma_wait3A_152 = tpu.memref_slice %arg9[%add3A_134, %dma_wait3A] : memref<10240x128xf32, #tpu.memory_space<vmem_shared>> -> memref<128x128xf32, #tpu.memory_space<vmem_shared>>
      %dma_wait3A_153 = arith.constant 0 : i32
      %dma_wait3A_154 = tpu.memref_slice %arg9[%add3A_134, %dma_wait3A_153] : memref<10240x128xf32, #tpu.memory_space<vmem_shared>> -> memref<128x128xf32, #tpu.memory_space<vmem_shared>>
      tpu.wait_dma2 semaphore(%run_scoped3A : memref<!tpu.dma_semaphore, #tpu.memory_space<semaphore_mem>>) src(%dma_wait3A_154 : memref<128x128xf32, #tpu.memory_space<vmem_shared>>) dst(%arg10 : memref<128x128xf32, #tpu.memory_space<vmem>>)
      tpu.yield
    }) : () -> ()
    %add3A_135 = arith.constant 128 : i32
    %add3A_136 = arith.addi %mul3A_4, %add3A_135 : i32
    "tpu.region"() ({
      %run_scoped3A = tpu.sem_alloc : memref<!tpu.dma_semaphore, #tpu.memory_space<semaphore_mem>>
      %dma_start3A = arith.constant 0 : i32
      %dma_start3A_149 = tpu.memref_slice %arg8[%arg0, %add3A_136, %dma_start3A] : memref<2x10240x128xf32, #tpu.memory_space<hbm>> -> memref<1x128x128xf32, #tpu.memory_space<hbm>>
      %dma_start3A_150 = tpu.memref_squeeze %dma_start3A_149 : memref<1x128x128xf32, #tpu.memory_space<hbm>> -> memref<128x128xf32, #tpu.memory_space<hbm>>
      %dma_start3A_151 = arith.constant 0 : i32
      %dma_start3A_152 = tpu.memref_slice %arg8[%arg0, %add3A_136, %dma_start3A_151] : memref<2x10240x128xf32, #tpu.memory_space<hbm>> -> memref<1x128x128xf32, #tpu.memory_space<hbm>>
      %dma_start3A_153 = tpu.memref_squeeze %dma_start3A_152 : memref<1x128x128xf32, #tpu.memory_space<hbm>> -> memref<128x128xf32, #tpu.memory_space<hbm>>
      tpu.enqueue_dma source(%arg10 : memref<128x128xf32, #tpu.memory_space<vmem>>) target(%dma_start3A_153 : memref<128x128xf32, #tpu.memory_space<hbm>>) target_semaphore(%run_scoped3A : memref<!tpu.dma_semaphore, #tpu.memory_space<semaphore_mem>>)
      %dma_wait3A = arith.constant 0 : i32
      %dma_wait3A_154 = tpu.memref_slice %arg8[%arg0, %add3A_136, %dma_wait3A] : memref<2x10240x128xf32, #tpu.memory_space<hbm>> -> memref<1x128x128xf32, #tpu.memory_space<hbm>>
      %dma_wait3A_155 = tpu.memref_squeeze %dma_wait3A_154 : memref<1x128x128xf32, #tpu.memory_space<hbm>> -> memref<128x128xf32, #tpu.memory_space<hbm>>
      %dma_wait3A_156 = arith.constant 0 : i32
      %dma_wait3A_157 = tpu.memref_slice %arg8[%arg0, %add3A_136, %dma_wait3A_156] : memref<2x10240x128xf32, #tpu.memory_space<hbm>> -> memref<1x128x128xf32, #tpu.memory_space<hbm>>
      %dma_wait3A_158 = tpu.memref_squeeze %dma_wait3A_157 : memref<1x128x128xf32, #tpu.memory_space<hbm>> -> memref<128x128xf32, #tpu.memory_space<hbm>>
      tpu.wait_dma2 semaphore(%run_scoped3A : memref<!tpu.dma_semaphore, #tpu.memory_space<semaphore_mem>>) src(%arg10 : memref<128x128xf32, #tpu.memory_space<vmem>>) dst(%dma_wait3A_158 : memref<128x128xf32, #tpu.memory_space<hbm>>)
      tpu.yield
    }) : () -> ()
    %add3A_137 = arith.constant 256 : i32
    %add3A_138 = arith.addi %mul3A_4, %add3A_137 : i32
    "tpu.region"() ({
      %run_scoped3A = tpu.sem_alloc : memref<!tpu.dma_semaphore, #tpu.memory_space<semaphore_mem>>
      %dma_start3A = arith.constant 0 : i32
      %dma_start3A_149 = tpu.memref_slice %arg9[%add3A_138, %dma_start3A] : memref<10240x128xf32, #tpu.memory_space<vmem_shared>> -> memref<128x128xf32, #tpu.memory_space<vmem_shared>>
      %dma_start3A_150 = arith.constant 0 : i32
      %dma_start3A_151 = tpu.memref_slice %arg9[%add3A_138, %dma_start3A_150] : memref<10240x128xf32, #tpu.memory_space<vmem_shared>> -> memref<128x128xf32, #tpu.memory_space<vmem_shared>>
      tpu.enqueue_dma source(%dma_start3A_151 : memref<128x128xf32, #tpu.memory_space<vmem_shared>>) target(%arg10 : memref<128x128xf32, #tpu.memory_space<vmem>>) target_semaphore(%run_scoped3A : memref<!tpu.dma_semaphore, #tpu.memory_space<semaphore_mem>>)
      %dma_wait3A = arith.constant 0 : i32
      %dma_wait3A_152 = tpu.memref_slice %arg9[%add3A_138, %dma_wait3A] : memref<10240x128xf32, #tpu.memory_space<vmem_shared>> -> memref<128x128xf32, #tpu.memory_space<vmem_shared>>
      %dma_wait3A_153 = arith.constant 0 : i32
      %dma_wait3A_154 = tpu.memref_slice %arg9[%add3A_138, %dma_wait3A_153] : memref<10240x128xf32, #tpu.memory_space<vmem_shared>> -> memref<128x128xf32, #tpu.memory_space<vmem_shared>>
      tpu.wait_dma2 semaphore(%run_scoped3A : memref<!tpu.dma_semaphore, #tpu.memory_space<semaphore_mem>>) src(%dma_wait3A_154 : memref<128x128xf32, #tpu.memory_space<vmem_shared>>) dst(%arg10 : memref<128x128xf32, #tpu.memory_space<vmem>>)
      tpu.yield
    }) : () -> ()
    %add3A_139 = arith.constant 256 : i32
    %add3A_140 = arith.addi %mul3A_4, %add3A_139 : i32
    "tpu.region"() ({
      %run_scoped3A = tpu.sem_alloc : memref<!tpu.dma_semaphore, #tpu.memory_space<semaphore_mem>>
      %dma_start3A = arith.constant 0 : i32
      %dma_start3A_149 = tpu.memref_slice %arg8[%arg0, %add3A_140, %dma_start3A] : memref<2x10240x128xf32, #tpu.memory_space<hbm>> -> memref<1x128x128xf32, #tpu.memory_space<hbm>>
      %dma_start3A_150 = tpu.memref_squeeze %dma_start3A_149 : memref<1x128x128xf32, #tpu.memory_space<hbm>> -> memref<128x128xf32, #tpu.memory_space<hbm>>
      %dma_start3A_151 = arith.constant 0 : i32
      %dma_start3A_152 = tpu.memref_slice %arg8[%arg0, %add3A_140, %dma_start3A_151] : memref<2x10240x128xf32, #tpu.memory_space<hbm>> -> memref<1x128x128xf32, #tpu.memory_space<hbm>>
      %dma_start3A_153 = tpu.memref_squeeze %dma_start3A_152 : memref<1x128x128xf32, #tpu.memory_space<hbm>> -> memref<128x128xf32, #tpu.memory_space<hbm>>
      tpu.enqueue_dma source(%arg10 : memref<128x128xf32, #tpu.memory_space<vmem>>) target(%dma_start3A_153 : memref<128x128xf32, #tpu.memory_space<hbm>>) target_semaphore(%run_scoped3A : memref<!tpu.dma_semaphore, #tpu.memory_space<semaphore_mem>>)
      %dma_wait3A = arith.constant 0 : i32
      %dma_wait3A_154 = tpu.memref_slice %arg8[%arg0, %add3A_140, %dma_wait3A] : memref<2x10240x128xf32, #tpu.memory_space<hbm>> -> memref<1x128x128xf32, #tpu.memory_space<hbm>>
      %dma_wait3A_155 = tpu.memref_squeeze %dma_wait3A_154 : memref<1x128x128xf32, #tpu.memory_space<hbm>> -> memref<128x128xf32, #tpu.memory_space<hbm>>
      %dma_wait3A_156 = arith.constant 0 : i32
      %dma_wait3A_157 = tpu.memref_slice %arg8[%arg0, %add3A_140, %dma_wait3A_156] : memref<2x10240x128xf32, #tpu.memory_space<hbm>> -> memref<1x128x128xf32, #tpu.memory_space<hbm>>
      %dma_wait3A_158 = tpu.memref_squeeze %dma_wait3A_157 : memref<1x128x128xf32, #tpu.memory_space<hbm>> -> memref<128x128xf32, #tpu.memory_space<hbm>>
      tpu.wait_dma2 semaphore(%run_scoped3A : memref<!tpu.dma_semaphore, #tpu.memory_space<semaphore_mem>>) src(%arg10 : memref<128x128xf32, #tpu.memory_space<vmem>>) dst(%dma_wait3A_158 : memref<128x128xf32, #tpu.memory_space<hbm>>)
      tpu.yield
    }) : () -> ()
    %add3A_141 = arith.constant 384 : i32
    %add3A_142 = arith.addi %mul3A_4, %add3A_141 : i32
    "tpu.region"() ({
      %run_scoped3A = tpu.sem_alloc : memref<!tpu.dma_semaphore, #tpu.memory_space<semaphore_mem>>
      %dma_start3A = arith.constant 0 : i32
      %dma_start3A_149 = tpu.memref_slice %arg9[%add3A_142, %dma_start3A] : memref<10240x128xf32, #tpu.memory_space<vmem_shared>> -> memref<128x128xf32, #tpu.memory_space<vmem_shared>>
      %dma_start3A_150 = arith.constant 0 : i32
      %dma_start3A_151 = tpu.memref_slice %arg9[%add3A_142, %dma_start3A_150] : memref<10240x128xf32, #tpu.memory_space<vmem_shared>> -> memref<128x128xf32, #tpu.memory_space<vmem_shared>>
      tpu.enqueue_dma source(%dma_start3A_151 : memref<128x128xf32, #tpu.memory_space<vmem_shared>>) target(%arg10 : memref<128x128xf32, #tpu.memory_space<vmem>>) target_semaphore(%run_scoped3A : memref<!tpu.dma_semaphore, #tpu.memory_space<semaphore_mem>>)
      %dma_wait3A = arith.constant 0 : i32
      %dma_wait3A_152 = tpu.memref_slice %arg9[%add3A_142, %dma_wait3A] : memref<10240x128xf32, #tpu.memory_space<vmem_shared>> -> memref<128x128xf32, #tpu.memory_space<vmem_shared>>
      %dma_wait3A_153 = arith.constant 0 : i32
      %dma_wait3A_154 = tpu.memref_slice %arg9[%add3A_142, %dma_wait3A_153] : memref<10240x128xf32, #tpu.memory_space<vmem_shared>> -> memref<128x128xf32, #tpu.memory_space<vmem_shared>>
      tpu.wait_dma2 semaphore(%run_scoped3A : memref<!tpu.dma_semaphore, #tpu.memory_space<semaphore_mem>>) src(%dma_wait3A_154 : memref<128x128xf32, #tpu.memory_space<vmem_shared>>) dst(%arg10 : memref<128x128xf32, #tpu.memory_space<vmem>>)
      tpu.yield
    }) : () -> ()
    %add3A_143 = arith.constant 384 : i32
    %add3A_144 = arith.addi %mul3A_4, %add3A_143 : i32
    "tpu.region"() ({
      %run_scoped3A = tpu.sem_alloc : memref<!tpu.dma_semaphore, #tpu.memory_space<semaphore_mem>>
      %dma_start3A = arith.constant 0 : i32
      %dma_start3A_149 = tpu.memref_slice %arg8[%arg0, %add3A_144, %dma_start3A] : memref<2x10240x128xf32, #tpu.memory_space<hbm>> -> memref<1x128x128xf32, #tpu.memory_space<hbm>>
      %dma_start3A_150 = tpu.memref_squeeze %dma_start3A_149 : memref<1x128x128xf32, #tpu.memory_space<hbm>> -> memref<128x128xf32, #tpu.memory_space<hbm>>
      %dma_start3A_151 = arith.constant 0 : i32
      %dma_start3A_152 = tpu.memref_slice %arg8[%arg0, %add3A_144, %dma_start3A_151] : memref<2x10240x128xf32, #tpu.memory_space<hbm>> -> memref<1x128x128xf32, #tpu.memory_space<hbm>>
      %dma_start3A_153 = tpu.memref_squeeze %dma_start3A_152 : memref<1x128x128xf32, #tpu.memory_space<hbm>> -> memref<128x128xf32, #tpu.memory_space<hbm>>
      tpu.enqueue_dma source(%arg10 : memref<128x128xf32, #tpu.memory_space<vmem>>) target(%dma_start3A_153 : memref<128x128xf32, #tpu.memory_space<hbm>>) target_semaphore(%run_scoped3A : memref<!tpu.dma_semaphore, #tpu.memory_space<semaphore_mem>>)
      %dma_wait3A = arith.constant 0 : i32
      %dma_wait3A_154 = tpu.memref_slice %arg8[%arg0, %add3A_144, %dma_wait3A] : memref<2x10240x128xf32, #tpu.memory_space<hbm>> -> memref<1x128x128xf32, #tpu.memory_space<hbm>>
      %dma_wait3A_155 = tpu.memref_squeeze %dma_wait3A_154 : memref<1x128x128xf32, #tpu.memory_space<hbm>> -> memref<128x128xf32, #tpu.memory_space<hbm>>
      %dma_wait3A_156 = arith.constant 0 : i32
      %dma_wait3A_157 = tpu.memref_slice %arg8[%arg0, %add3A_144, %dma_wait3A_156] : memref<2x10240x128xf32, #tpu.memory_space<hbm>> -> memref<1x128x128xf32, #tpu.memory_space<hbm>>
      %dma_wait3A_158 = tpu.memref_squeeze %dma_wait3A_157 : memref<1x128x128xf32, #tpu.memory_space<hbm>> -> memref<128x128xf32, #tpu.memory_space<hbm>>
      tpu.wait_dma2 semaphore(%run_scoped3A : memref<!tpu.dma_semaphore, #tpu.memory_space<semaphore_mem>>) src(%arg10 : memref<128x128xf32, #tpu.memory_space<vmem>>) dst(%dma_wait3A_158 : memref<128x128xf32, #tpu.memory_space<hbm>>)
      tpu.yield
    }) : () -> ()
    %add3A_145 = arith.constant 512 : i32
    %add3A_146 = arith.addi %mul3A_4, %add3A_145 : i32
    "tpu.region"() ({
      %run_scoped3A = tpu.sem_alloc : memref<!tpu.dma_semaphore, #tpu.memory_space<semaphore_mem>>
      %dma_start3A = arith.constant 0 : i32
      %dma_start3A_149 = tpu.memref_slice %arg9[%add3A_146, %dma_start3A] : memref<10240x128xf32, #tpu.memory_space<vmem_shared>> -> memref<128x128xf32, #tpu.memory_space<vmem_shared>>
      %dma_start3A_150 = arith.constant 0 : i32
      %dma_start3A_151 = tpu.memref_slice %arg9[%add3A_146, %dma_start3A_150] : memref<10240x128xf32, #tpu.memory_space<vmem_shared>> -> memref<128x128xf32, #tpu.memory_space<vmem_shared>>
      tpu.enqueue_dma source(%dma_start3A_151 : memref<128x128xf32, #tpu.memory_space<vmem_shared>>) target(%arg10 : memref<128x128xf32, #tpu.memory_space<vmem>>) target_semaphore(%run_scoped3A : memref<!tpu.dma_semaphore, #tpu.memory_space<semaphore_mem>>)
      %dma_wait3A = arith.constant 0 : i32
      %dma_wait3A_152 = tpu.memref_slice %arg9[%add3A_146, %dma_wait3A] : memref<10240x128xf32, #tpu.memory_space<vmem_shared>> -> memref<128x128xf32, #tpu.memory_space<vmem_shared>>
      %dma_wait3A_153 = arith.constant 0 : i32
      %dma_wait3A_154 = tpu.memref_slice %arg9[%add3A_146, %dma_wait3A_153] : memref<10240x128xf32, #tpu.memory_space<vmem_shared>> -> memref<128x128xf32, #tpu.memory_space<vmem_shared>>
      tpu.wait_dma2 semaphore(%run_scoped3A : memref<!tpu.dma_semaphore, #tpu.memory_space<semaphore_mem>>) src(%dma_wait3A_154 : memref<128x128xf32, #tpu.memory_space<vmem_shared>>) dst(%arg10 : memref<128x128xf32, #tpu.memory_space<vmem>>)
      tpu.yield
    }) : () -> ()
    %add3A_147 = arith.constant 512 : i32
    %add3A_148 = arith.addi %mul3A_4, %add3A_147 : i32
    "tpu.region"() ({
      %run_scoped3A = tpu.sem_alloc : memref<!tpu.dma_semaphore, #tpu.memory_space<semaphore_mem>>
      %dma_start3A = arith.constant 0 : i32
      %dma_start3A_149 = tpu.memref_slice %arg8[%arg0, %add3A_148, %dma_start3A] : memref<2x10240x128xf32, #tpu.memory_space<hbm>> -> memref<1x128x128xf32, #tpu.memory_space<hbm>>
      %dma_start3A_150 = tpu.memref_squeeze %dma_start3A_149 : memref<1x128x128xf32, #tpu.memory_space<hbm>> -> memref<128x128xf32, #tpu.memory_space<hbm>>
      %dma_start3A_151 = arith.constant 0 : i32
      %dma_start3A_152 = tpu.memref_slice %arg8[%arg0, %add3A_148, %dma_start3A_151] : memref<2x10240x128xf32, #tpu.memory_space<hbm>> -> memref<1x128x128xf32, #tpu.memory_space<hbm>>
      %dma_start3A_153 = tpu.memref_squeeze %dma_start3A_152 : memref<1x128x128xf32, #tpu.memory_space<hbm>> -> memref<128x128xf32, #tpu.memory_space<hbm>>
      tpu.enqueue_dma source(%arg10 : memref<128x128xf32, #tpu.memory_space<vmem>>) target(%dma_start3A_153 : memref<128x128xf32, #tpu.memory_space<hbm>>) target_semaphore(%run_scoped3A : memref<!tpu.dma_semaphore, #tpu.memory_space<semaphore_mem>>)
      %dma_wait3A = arith.constant 0 : i32
      %dma_wait3A_154 = tpu.memref_slice %arg8[%arg0, %add3A_148, %dma_wait3A] : memref<2x10240x128xf32, #tpu.memory_space<hbm>> -> memref<1x128x128xf32, #tpu.memory_space<hbm>>
      %dma_wait3A_155 = tpu.memref_squeeze %dma_wait3A_154 : memref<1x128x128xf32, #tpu.memory_space<hbm>> -> memref<128x128xf32, #tpu.memory_space<hbm>>
      %dma_wait3A_156 = arith.constant 0 : i32
      %dma_wait3A_157 = tpu.memref_slice %arg8[%arg0, %add3A_148, %dma_wait3A_156] : memref<2x10240x128xf32, #tpu.memory_space<hbm>> -> memref<1x128x128xf32, #tpu.memory_space<hbm>>
      %dma_wait3A_158 = tpu.memref_squeeze %dma_wait3A_157 : memref<1x128x128xf32, #tpu.memory_space<hbm>> -> memref<128x128xf32, #tpu.memory_space<hbm>>
      tpu.wait_dma2 semaphore(%run_scoped3A : memref<!tpu.dma_semaphore, #tpu.memory_space<semaphore_mem>>) src(%arg10 : memref<128x128xf32, #tpu.memory_space<vmem>>) dst(%dma_wait3A_158 : memref<128x128xf32, #tpu.memory_space<hbm>>)
      tpu.yield
    }) : () -> ()
    return
  }
}

#map = affine_map<(d0, d1) -> (0)>
#map1 = affine_map<(d0, d1) -> (0, 0)>
#map2 = affine_map<(d0, d1) -> (0, 0, 0)>
module attributes {stable_mosaic.version = 14 : i64} {
  func.func @k(%arg0: i32, %arg1: i32, %arg2: memref<320000xi32, #tpu.memory_space<hbm>>, %arg3: memref<320000xi32, #tpu.memory_space<hbm>>, %arg4: memref<10000x128xf32, #tpu.memory_space<hbm>>, %arg5: memref<2x10240x128xf32, #tpu.memory_space<hbm>>, %arg6: memref<10240x128xf32, #tpu.memory_space<vmem_shared>>, %arg7: memref<128x128xf32, #tpu.memory_space<vmem>>, %arg8: memref<80x128xf32, #tpu.memory_space<vmem>>, %arg9: memref<80xi32, #tpu.memory_space<vmem>>, %arg10: memref<80xi32, #tpu.memory_space<vmem>>, %arg11: memref<!tpu.dma_semaphore, #tpu.memory_space<semaphore_mem>>) attributes {dimension_semantics = [#tpu.dimension_semantics<core_parallel>, #tpu.dimension_semantics<subcore_parallel>], iteration_bounds = array<i64: 2, 16>, scalar_prefetch = 0 : i64, scratch_operands = 6 : i64, tpu.core_type = #tpu.core_type<sc_vector_subcore>, window_params = [{transform_indices = #map}, {transform_indices = #map}, {transform_indices = #map1}, {transform_indices = #map2}]} {
    %mul3A = arith.constant 16 : i32
    %mul3A_0 = arith.muli %arg0, %mul3A : i32
    %add3A = arith.addi %mul3A_0, %arg1 : i32
    %mul3A_1 = arith.constant 10000 : i32
    %mul3A_2 = arith.muli %add3A, %mul3A_1 : i32
    %mul3A_3 = arith.constant 640 : i32
    %mul3A_4 = arith.muli %arg1, %mul3A_3 : i32
    %broadcast_in_dim3A = arith.constant 0.000000e+00 : f32
    %broadcast_in_dim3A_5 = vector.broadcast %broadcast_in_dim3A : f32 to vector<16xf32>
    %scan3A = arith.constant 0 : i32
    %scan3A_6 = arith.constant 0 : i32
    %scan3A_7 = arith.constant 128 : i32
    %scan3A_8 = arith.addi %scan3A_6, %scan3A_7 : i32
    %scan3A_9 = arith.constant 1 : i32
    %scan3A_10 = scf.for %scan3A_50 = %scan3A_6 to %scan3A_8 step %scan3A_9 iter_args(%scan3A_51 = %scan3A) -> (i32)  : i32 {
      %swap3A = arith.index_cast %scan3A_50 : i32 to index
      %swap3A_52 = arith.constant 0 : index
      %swap3A_53 = tpu.vector_load %arg7[%swap3A, %swap3A_52] {strides = array<i32>} : memref<128x128xf32, #tpu.memory_space<vmem>>, vector<1x16xf32>,
      %swap3A_54 = vector.shape_cast %swap3A_53 : vector<1x16xf32> to vector<16xf32>
      %swap3A_55 = vector.shape_cast %broadcast_in_dim3A_5 : vector<16xf32> to vector<1x16xf32>
      tpu.vector_store %arg7[%swap3A, %swap3A_52], %swap3A_55 {strides = array<i32>} : memref<128x128xf32, #tpu.memory_space<vmem>>, vector<1x16xf32>,
      %swap3A_56 = arith.index_cast %scan3A_50 : i32 to index
      %swap3A_57 = arith.constant 16 : index
      %swap3A_58 = tpu.vector_load %arg7[%swap3A_56, %swap3A_57] {strides = array<i32>} : memref<128x128xf32, #tpu.memory_space<vmem>>, vector<1x16xf32>,
      %swap3A_59 = vector.shape_cast %swap3A_58 : vector<1x16xf32> to vector<16xf32>
      %swap3A_60 = vector.shape_cast %broadcast_in_dim3A_5 : vector<16xf32> to vector<1x16xf32>
      tpu.vector_store %arg7[%swap3A_56, %swap3A_57], %swap3A_60 {strides = array<i32>} : memref<128x128xf32, #tpu.memory_space<vmem>>, vector<1x16xf32>,
      %swap3A_61 = arith.index_cast %scan3A_50 : i32 to index
      %swap3A_62 = arith.constant 32 : index
      %swap3A_63 = tpu.vector_load %arg7[%swap3A_61, %swap3A_62] {strides = array<i32>} : memref<128x128xf32, #tpu.memory_space<vmem>>, vector<1x16xf32>,
      %swap3A_64 = vector.shape_cast %swap3A_63 : vector<1x16xf32> to vector<16xf32>
      %swap3A_65 = vector.shape_cast %broadcast_in_dim3A_5 : vector<16xf32> to vector<1x16xf32>
      tpu.vector_store %arg7[%swap3A_61, %swap3A_62], %swap3A_65 {strides = array<i32>} : memref<128x128xf32, #tpu.memory_space<vmem>>, vector<1x16xf32>,
      %swap3A_66 = arith.index_cast %scan3A_50 : i32 to index
      %swap3A_67 = arith.constant 48 : index
      %swap3A_68 = tpu.vector_load %arg7[%swap3A_66, %swap3A_67] {strides = array<i32>} : memref<128x128xf32, #tpu.memory_space<vmem>>, vector<1x16xf32>,
      %swap3A_69 = vector.shape_cast %swap3A_68 : vector<1x16xf32> to vector<16xf32>
      %swap3A_70 = vector.shape_cast %broadcast_in_dim3A_5 : vector<16xf32> to vector<1x16xf32>
      tpu.vector_store %arg7[%swap3A_66, %swap3A_67], %swap3A_70 {strides = array<i32>} : memref<128x128xf32, #tpu.memory_space<vmem>>, vector<1x16xf32>,
      %swap3A_71 = arith.index_cast %scan3A_50 : i32 to index
      %swap3A_72 = arith.constant 64 : index
      %swap3A_73 = tpu.vector_load %arg7[%swap3A_71, %swap3A_72] {strides = array<i32>} : memref<128x128xf32, #tpu.memory_space<vmem>>, vector<1x16xf32>,
      %swap3A_74 = vector.shape_cast %swap3A_73 : vector<1x16xf32> to vector<16xf32>
      %swap3A_75 = vector.shape_cast %broadcast_in_dim3A_5 : vector<16xf32> to vector<1x16xf32>
      tpu.vector_store %arg7[%swap3A_71, %swap3A_72], %swap3A_75 {strides = array<i32>} : memref<128x128xf32, #tpu.memory_space<vmem>>, vector<1x16xf32>,
      %swap3A_76 = arith.index_cast %scan3A_50 : i32 to index
      %swap3A_77 = arith.constant 80 : index
      %swap3A_78 = tpu.vector_load %arg7[%swap3A_76, %swap3A_77] {strides = array<i32>} : memref<128x128xf32, #tpu.memory_space<vmem>>, vector<1x16xf32>,
      %swap3A_79 = vector.shape_cast %swap3A_78 : vector<1x16xf32> to vector<16xf32>
      %swap3A_80 = vector.shape_cast %broadcast_in_dim3A_5 : vector<16xf32> to vector<1x16xf32>
      tpu.vector_store %arg7[%swap3A_76, %swap3A_77], %swap3A_80 {strides = array<i32>} : memref<128x128xf32, #tpu.memory_space<vmem>>, vector<1x16xf32>,
      %swap3A_81 = arith.index_cast %scan3A_50 : i32 to index
      %swap3A_82 = arith.constant 96 : index
      %swap3A_83 = tpu.vector_load %arg7[%swap3A_81, %swap3A_82] {strides = array<i32>} : memref<128x128xf32, #tpu.memory_space<vmem>>, vector<1x16xf32>,
      %swap3A_84 = vector.shape_cast %swap3A_83 : vector<1x16xf32> to vector<16xf32>
      %swap3A_85 = vector.shape_cast %broadcast_in_dim3A_5 : vector<16xf32> to vector<1x16xf32>
      tpu.vector_store %arg7[%swap3A_81, %swap3A_82], %swap3A_85 {strides = array<i32>} : memref<128x128xf32, #tpu.memory_space<vmem>>, vector<1x16xf32>,
      %swap3A_86 = arith.index_cast %scan3A_50 : i32 to index
      %swap3A_87 = arith.constant 112 : index
      %swap3A_88 = tpu.vector_load %arg7[%swap3A_86, %swap3A_87] {strides = array<i32>} : memref<128x128xf32, #tpu.memory_space<vmem>>, vector<1x16xf32>,
      %swap3A_89 = vector.shape_cast %swap3A_88 : vector<1x16xf32> to vector<16xf32>
      %swap3A_90 = vector.shape_cast %broadcast_in_dim3A_5 : vector<16xf32> to vector<1x16xf32>
      tpu.vector_store %arg7[%swap3A_86, %swap3A_87], %swap3A_90 {strides = array<i32>} : memref<128x128xf32, #tpu.memory_space<vmem>>, vector<1x16xf32>,
      %scan3A_91 = arith.constant 0 : i32
      scf.yield %scan3A_91 : i32
    }
    %scan3A_11 = arith.constant 128 : i32
    %add3A_12 = arith.constant 0 : i32
    %add3A_13 = arith.addi %mul3A_4, %add3A_12 : i32
    "tpu.region"() ({
      %run_scoped3A = tpu.sem_alloc : memref<!tpu.dma_semaphore, #tpu.memory_space<semaphore_mem>>
      %dma_start3A = arith.constant 0 : i32
      %dma_start3A_50 = tpu.memref_slice %arg6[%add3A_13, %dma_start3A] : memref<10240x128xf32, #tpu.memory_space<vmem_shared>> -> memref<128x128xf32, #tpu.memory_space<vmem_shared>>
      %dma_start3A_51 = arith.constant 0 : i32
      %dma_start3A_52 = tpu.memref_slice %arg6[%add3A_13, %dma_start3A_51] : memref<10240x128xf32, #tpu.memory_space<vmem_shared>> -> memref<128x128xf32, #tpu.memory_space<vmem_shared>>
      tpu.enqueue_dma source(%arg7 : memref<128x128xf32, #tpu.memory_space<vmem>>) target(%dma_start3A_52 : memref<128x128xf32, #tpu.memory_space<vmem_shared>>) target_semaphore(%run_scoped3A : memref<!tpu.dma_semaphore, #tpu.memory_space<semaphore_mem>>)
      %dma_wait3A = arith.constant 0 : i32
      %dma_wait3A_53 = tpu.memref_slice %arg6[%add3A_13, %dma_wait3A] : memref<10240x128xf32, #tpu.memory_space<vmem_shared>> -> memref<128x128xf32, #tpu.memory_space<vmem_shared>>
      %dma_wait3A_54 = arith.constant 0 : i32
      %dma_wait3A_55 = tpu.memref_slice %arg6[%add3A_13, %dma_wait3A_54] : memref<10240x128xf32, #tpu.memory_space<vmem_shared>> -> memref<128x128xf32, #tpu.memory_space<vmem_shared>>
      tpu.wait_dma2 semaphore(%run_scoped3A : memref<!tpu.dma_semaphore, #tpu.memory_space<semaphore_mem>>) src(%arg7 : memref<128x128xf32, #tpu.memory_space<vmem>>) dst(%dma_wait3A_55 : memref<128x128xf32, #tpu.memory_space<vmem_shared>>)
      tpu.yield
    }) : () -> ()
    %add3A_14 = arith.constant 128 : i32
    %add3A_15 = arith.addi %mul3A_4, %add3A_14 : i32
    "tpu.region"() ({
      %run_scoped3A = tpu.sem_alloc : memref<!tpu.dma_semaphore, #tpu.memory_space<semaphore_mem>>
      %dma_start3A = arith.constant 0 : i32
      %dma_start3A_50 = tpu.memref_slice %arg6[%add3A_15, %dma_start3A] : memref<10240x128xf32, #tpu.memory_space<vmem_shared>> -> memref<128x128xf32, #tpu.memory_space<vmem_shared>>
      %dma_start3A_51 = arith.constant 0 : i32
      %dma_start3A_52 = tpu.memref_slice %arg6[%add3A_15, %dma_start3A_51] : memref<10240x128xf32, #tpu.memory_space<vmem_shared>> -> memref<128x128xf32, #tpu.memory_space<vmem_shared>>
      tpu.enqueue_dma source(%arg7 : memref<128x128xf32, #tpu.memory_space<vmem>>) target(%dma_start3A_52 : memref<128x128xf32, #tpu.memory_space<vmem_shared>>) target_semaphore(%run_scoped3A : memref<!tpu.dma_semaphore, #tpu.memory_space<semaphore_mem>>)
      %dma_wait3A = arith.constant 0 : i32
      %dma_wait3A_53 = tpu.memref_slice %arg6[%add3A_15, %dma_wait3A] : memref<10240x128xf32, #tpu.memory_space<vmem_shared>> -> memref<128x128xf32, #tpu.memory_space<vmem_shared>>
      %dma_wait3A_54 = arith.constant 0 : i32
      %dma_wait3A_55 = tpu.memref_slice %arg6[%add3A_15, %dma_wait3A_54] : memref<10240x128xf32, #tpu.memory_space<vmem_shared>> -> memref<128x128xf32, #tpu.memory_space<vmem_shared>>
      tpu.wait_dma2 semaphore(%run_scoped3A : memref<!tpu.dma_semaphore, #tpu.memory_space<semaphore_mem>>) src(%arg7 : memref<128x128xf32, #tpu.memory_space<vmem>>) dst(%dma_wait3A_55 : memref<128x128xf32, #tpu.memory_space<vmem_shared>>)
      tpu.yield
    }) : () -> ()
    %add3A_16 = arith.constant 256 : i32
    %add3A_17 = arith.addi %mul3A_4, %add3A_16 : i32
    "tpu.region"() ({
      %run_scoped3A = tpu.sem_alloc : memref<!tpu.dma_semaphore, #tpu.memory_space<semaphore_mem>>
      %dma_start3A = arith.constant 0 : i32
      %dma_start3A_50 = tpu.memref_slice %arg6[%add3A_17, %dma_start3A] : memref<10240x128xf32, #tpu.memory_space<vmem_shared>> -> memref<128x128xf32, #tpu.memory_space<vmem_shared>>
      %dma_start3A_51 = arith.constant 0 : i32
      %dma_start3A_52 = tpu.memref_slice %arg6[%add3A_17, %dma_start3A_51] : memref<10240x128xf32, #tpu.memory_space<vmem_shared>> -> memref<128x128xf32, #tpu.memory_space<vmem_shared>>
      tpu.enqueue_dma source(%arg7 : memref<128x128xf32, #tpu.memory_space<vmem>>) target(%dma_start3A_52 : memref<128x128xf32, #tpu.memory_space<vmem_shared>>) target_semaphore(%run_scoped3A : memref<!tpu.dma_semaphore, #tpu.memory_space<semaphore_mem>>)
      %dma_wait3A = arith.constant 0 : i32
      %dma_wait3A_53 = tpu.memref_slice %arg6[%add3A_17, %dma_wait3A] : memref<10240x128xf32, #tpu.memory_space<vmem_shared>> -> memref<128x128xf32, #tpu.memory_space<vmem_shared>>
      %dma_wait3A_54 = arith.constant 0 : i32
      %dma_wait3A_55 = tpu.memref_slice %arg6[%add3A_17, %dma_wait3A_54] : memref<10240x128xf32, #tpu.memory_space<vmem_shared>> -> memref<128x128xf32, #tpu.memory_space<vmem_shared>>
      tpu.wait_dma2 semaphore(%run_scoped3A : memref<!tpu.dma_semaphore, #tpu.memory_space<semaphore_mem>>) src(%arg7 : memref<128x128xf32, #tpu.memory_space<vmem>>) dst(%dma_wait3A_55 : memref<128x128xf32, #tpu.memory_space<vmem_shared>>)
      tpu.yield
    }) : () -> ()
    %add3A_18 = arith.constant 384 : i32
    %add3A_19 = arith.addi %mul3A_4, %add3A_18 : i32
    "tpu.region"() ({
      %run_scoped3A = tpu.sem_alloc : memref<!tpu.dma_semaphore, #tpu.memory_space<semaphore_mem>>
      %dma_start3A = arith.constant 0 : i32
      %dma_start3A_50 = tpu.memref_slice %arg6[%add3A_19, %dma_start3A] : memref<10240x128xf32, #tpu.memory_space<vmem_shared>> -> memref<128x128xf32, #tpu.memory_space<vmem_shared>>
      %dma_start3A_51 = arith.constant 0 : i32
      %dma_start3A_52 = tpu.memref_slice %arg6[%add3A_19, %dma_start3A_51] : memref<10240x128xf32, #tpu.memory_space<vmem_shared>> -> memref<128x128xf32, #tpu.memory_space<vmem_shared>>
      tpu.enqueue_dma source(%arg7 : memref<128x128xf32, #tpu.memory_space<vmem>>) target(%dma_start3A_52 : memref<128x128xf32, #tpu.memory_space<vmem_shared>>) target_semaphore(%run_scoped3A : memref<!tpu.dma_semaphore, #tpu.memory_space<semaphore_mem>>)
      %dma_wait3A = arith.constant 0 : i32
      %dma_wait3A_53 = tpu.memref_slice %arg6[%add3A_19, %dma_wait3A] : memref<10240x128xf32, #tpu.memory_space<vmem_shared>> -> memref<128x128xf32, #tpu.memory_space<vmem_shared>>
      %dma_wait3A_54 = arith.constant 0 : i32
      %dma_wait3A_55 = tpu.memref_slice %arg6[%add3A_19, %dma_wait3A_54] : memref<10240x128xf32, #tpu.memory_space<vmem_shared>> -> memref<128x128xf32, #tpu.memory_space<vmem_shared>>
      tpu.wait_dma2 semaphore(%run_scoped3A : memref<!tpu.dma_semaphore, #tpu.memory_space<semaphore_mem>>) src(%arg7 : memref<128x128xf32, #tpu.memory_space<vmem>>) dst(%dma_wait3A_55 : memref<128x128xf32, #tpu.memory_space<vmem_shared>>)
      tpu.yield
    }) : () -> ()
    %add3A_20 = arith.constant 512 : i32
    %add3A_21 = arith.addi %mul3A_4, %add3A_20 : i32
    "tpu.region"() ({
      %run_scoped3A = tpu.sem_alloc : memref<!tpu.dma_semaphore, #tpu.memory_space<semaphore_mem>>
      %dma_start3A = arith.constant 0 : i32
      %dma_start3A_50 = tpu.memref_slice %arg6[%add3A_21, %dma_start3A] : memref<10240x128xf32, #tpu.memory_space<vmem_shared>> -> memref<128x128xf32, #tpu.memory_space<vmem_shared>>
      %dma_start3A_51 = arith.constant 0 : i32
      %dma_start3A_52 = tpu.memref_slice %arg6[%add3A_21, %dma_start3A_51] : memref<10240x128xf32, #tpu.memory_space<vmem_shared>> -> memref<128x128xf32, #tpu.memory_space<vmem_shared>>
      tpu.enqueue_dma source(%arg7 : memref<128x128xf32, #tpu.memory_space<vmem>>) target(%dma_start3A_52 : memref<128x128xf32, #tpu.memory_space<vmem_shared>>) target_semaphore(%run_scoped3A : memref<!tpu.dma_semaphore, #tpu.memory_space<semaphore_mem>>)
      %dma_wait3A = arith.constant 0 : i32
      %dma_wait3A_53 = tpu.memref_slice %arg6[%add3A_21, %dma_wait3A] : memref<10240x128xf32, #tpu.memory_space<vmem_shared>> -> memref<128x128xf32, #tpu.memory_space<vmem_shared>>
      %dma_wait3A_54 = arith.constant 0 : i32
      %dma_wait3A_55 = tpu.memref_slice %arg6[%add3A_21, %dma_wait3A_54] : memref<10240x128xf32, #tpu.memory_space<vmem_shared>> -> memref<128x128xf32, #tpu.memory_space<vmem_shared>>
      tpu.wait_dma2 semaphore(%run_scoped3A : memref<!tpu.dma_semaphore, #tpu.memory_space<semaphore_mem>>) src(%arg7 : memref<128x128xf32, #tpu.memory_space<vmem>>) dst(%dma_wait3A_55 : memref<128x128xf32, #tpu.memory_space<vmem_shared>>)
      tpu.yield
    }) : () -> ()
    %barrier3A = arith.constant 0 : index
    tpu.barrier barrier_id(%barrier3A)
    %scan3A_22 = arith.constant 0 : i32
    %scan3A_23 = arith.constant 0 : i32
    %scan3A_24 = arith.constant 125 : i32
    %scan3A_25 = arith.addi %scan3A_23, %scan3A_24 : i32
    %scan3A_26 = arith.constant 1 : i32
    %scan3A_27 = scf.for %scan3A_50 = %scan3A_23 to %scan3A_25 step %scan3A_26 iter_args(%scan3A_51 = %scan3A_22) -> (i32)  : i32 {
      %mul3A_52 = arith.constant 80 : i32
      %mul3A_53 = arith.muli %scan3A_50, %mul3A_52 : i32
      %add3A_54 = arith.addi %mul3A_2, %mul3A_53 : i32
      "tpu.region"() ({
        %run_scoped3A = tpu.sem_alloc : memref<!tpu.dma_semaphore, #tpu.memory_space<semaphore_mem>>
        %dma_start3A_60 = tpu.memref_slice %arg2[%add3A_54] : memref<320000xi32, #tpu.memory_space<hbm>> -> memref<80xi32, #tpu.memory_space<hbm>>
        %dma_start3A_61 = tpu.memref_slice %arg2[%add3A_54] : memref<320000xi32, #tpu.memory_space<hbm>> -> memref<80xi32, #tpu.memory_space<hbm>>
        tpu.enqueue_dma source(%dma_start3A_61 : memref<80xi32, #tpu.memory_space<hbm>>) target(%arg9 : memref<80xi32, #tpu.memory_space<vmem>>) target_semaphore(%run_scoped3A : memref<!tpu.dma_semaphore, #tpu.memory_space<semaphore_mem>>)
        %dma_wait3A_62 = tpu.memref_slice %arg2[%add3A_54] : memref<320000xi32, #tpu.memory_space<hbm>> -> memref<80xi32, #tpu.memory_space<hbm>>
        %dma_wait3A_63 = tpu.memref_slice %arg2[%add3A_54] : memref<320000xi32, #tpu.memory_space<hbm>> -> memref<80xi32, #tpu.memory_space<hbm>>
        tpu.wait_dma2 semaphore(%run_scoped3A : memref<!tpu.dma_semaphore, #tpu.memory_space<semaphore_mem>>) src(%dma_wait3A_63 : memref<80xi32, #tpu.memory_space<hbm>>) dst(%arg9 : memref<80xi32, #tpu.memory_space<vmem>>)
        tpu.yield
      }) : () -> ()
      "tpu.region"() ({
        %run_scoped3A = tpu.sem_alloc : memref<!tpu.dma_semaphore, #tpu.memory_space<semaphore_mem>>
        %dma_start3A_60 = tpu.memref_slice %arg3[%add3A_54] : memref<320000xi32, #tpu.memory_space<hbm>> -> memref<80xi32, #tpu.memory_space<hbm>>
        %dma_start3A_61 = tpu.memref_slice %arg3[%add3A_54] : memref<320000xi32, #tpu.memory_space<hbm>> -> memref<80xi32, #tpu.memory_space<hbm>>
        tpu.enqueue_dma source(%dma_start3A_61 : memref<80xi32, #tpu.memory_space<hbm>>) target(%arg10 : memref<80xi32, #tpu.memory_space<vmem>>) target_semaphore(%run_scoped3A : memref<!tpu.dma_semaphore, #tpu.memory_space<semaphore_mem>>)
        %dma_wait3A_62 = tpu.memref_slice %arg3[%add3A_54] : memref<320000xi32, #tpu.memory_space<hbm>> -> memref<80xi32, #tpu.memory_space<hbm>>
        %dma_wait3A_63 = tpu.memref_slice %arg3[%add3A_54] : memref<320000xi32, #tpu.memory_space<hbm>> -> memref<80xi32, #tpu.memory_space<hbm>>
        tpu.wait_dma2 semaphore(%run_scoped3A : memref<!tpu.dma_semaphore, #tpu.memory_space<semaphore_mem>>) src(%dma_wait3A_63 : memref<80xi32, #tpu.memory_space<hbm>>) dst(%arg10 : memref<80xi32, #tpu.memory_space<vmem>>)
        tpu.yield
      }) : () -> ()
      %dma_start3A = arith.constant 0 : i32
      %dma_start3A_55 = arith.constant 0 : i32
      %dma_start3A_56 = tpu.memref_slice %arg4[%dma_start3A, %dma_start3A_55] : memref<10000x128xf32, #tpu.memory_space<hbm>> -> memref<10000x128xf32, #tpu.memory_space<hbm>>
      tpu.enqueue_indirect_dma source(%dma_start3A_56 : memref<10000x128xf32, #tpu.memory_space<hbm>>) target(%arg8 : memref<80x128xf32, #tpu.memory_space<vmem>>) offsets(%arg9 : memref<80xi32, #tpu.memory_space<vmem>>) semaphore(%arg11 : memref<!tpu.dma_semaphore, #tpu.memory_space<semaphore_mem>>)
      %dma_wait3A = arith.constant 0 : i32
      %dma_wait3A_57 = arith.constant 0 : i32
      %dma_wait3A_58 = tpu.memref_slice %arg4[%dma_wait3A, %dma_wait3A_57] : memref<10000x128xf32, #tpu.memory_space<hbm>> -> memref<10000x128xf32, #tpu.memory_space<hbm>>
      tpu.wait_indirect_dma semaphore(%arg11 : memref<!tpu.dma_semaphore, #tpu.memory_space<semaphore_mem>>) src(%dma_wait3A_58 : memref<10000x128xf32, #tpu.memory_space<hbm>>) dst(%arg8 : memref<80x128xf32, #tpu.memory_space<vmem>>)
      "tpu.region"() ({
        %run_scoped3A = tpu.sem_alloc : memref<!tpu.dma_semaphore, #tpu.memory_space<semaphore_mem>>
        %dma_start3A_60 = arith.constant 0 : i32
        %dma_start3A_61 = arith.constant 0 : i32
        %dma_start3A_62 = tpu.memref_slice %arg6[%dma_start3A_60, %dma_start3A_61] : memref<10240x128xf32, #tpu.memory_space<vmem_shared>> -> memref<10240x128xf32, #tpu.memory_space<vmem_shared>>
        tpu.enqueue_indirect_dma source(%arg8 : memref<80x128xf32, #tpu.memory_space<vmem>>) target(%dma_start3A_62 : memref<10240x128xf32, #tpu.memory_space<vmem_shared>>) offsets(%arg10 : memref<80xi32, #tpu.memory_space<vmem>>) semaphore(%run_scoped3A : memref<!tpu.dma_semaphore, #tpu.memory_space<semaphore_mem>>) {add = true}
        %dma_wait3A_63 = arith.constant 0 : i32
        %dma_wait3A_64 = arith.constant 0 : i32
        %dma_wait3A_65 = tpu.memref_slice %arg6[%dma_wait3A_63, %dma_wait3A_64] : memref<10240x128xf32, #tpu.memory_space<vmem_shared>> -> memref<10240x128xf32, #tpu.memory_space<vmem_shared>>
        tpu.wait_indirect_dma semaphore(%run_scoped3A : memref<!tpu.dma_semaphore, #tpu.memory_space<semaphore_mem>>) src(%arg8 : memref<80x128xf32, #tpu.memory_space<vmem>>) dst(%dma_wait3A_65 : memref<10240x128xf32, #tpu.memory_space<vmem_shared>>)
        tpu.yield
      }) : () -> ()
      %scan3A_59 = arith.constant 0 : i32
      scf.yield %scan3A_59 : i32
    }
    %scan3A_28 = arith.constant 125 : i32
    %barrier3A_29 = arith.constant 0 : index
    tpu.barrier barrier_id(%barrier3A_29)
    %add3A_30 = arith.constant 0 : i32
    %add3A_31 = arith.addi %mul3A_4, %add3A_30 : i32
    "tpu.region"() ({
      %run_scoped3A = tpu.sem_alloc : memref<!tpu.dma_semaphore, #tpu.memory_space<semaphore_mem>>
      %dma_start3A = arith.constant 0 : i32
      %dma_start3A_50 = tpu.memref_slice %arg6[%add3A_31, %dma_start3A] : memref<10240x128xf32, #tpu.memory_space<vmem_shared>> -> memref<128x128xf32, #tpu.memory_space<vmem_shared>>
      %dma_start3A_51 = arith.constant 0 : i32
      %dma_start3A_52 = tpu.memref_slice %arg6[%add3A_31, %dma_start3A_51] : memref<10240x128xf32, #tpu.memory_space<vmem_shared>> -> memref<128x128xf32, #tpu.memory_space<vmem_shared>>
      tpu.enqueue_dma source(%dma_start3A_52 : memref<128x128xf32, #tpu.memory_space<vmem_shared>>) target(%arg7 : memref<128x128xf32, #tpu.memory_space<vmem>>) target_semaphore(%run_scoped3A : memref<!tpu.dma_semaphore, #tpu.memory_space<semaphore_mem>>)
      %dma_wait3A = arith.constant 0 : i32
      %dma_wait3A_53 = tpu.memref_slice %arg6[%add3A_31, %dma_wait3A] : memref<10240x128xf32, #tpu.memory_space<vmem_shared>> -> memref<128x128xf32, #tpu.memory_space<vmem_shared>>
      %dma_wait3A_54 = arith.constant 0 : i32
      %dma_wait3A_55 = tpu.memref_slice %arg6[%add3A_31, %dma_wait3A_54] : memref<10240x128xf32, #tpu.memory_space<vmem_shared>> -> memref<128x128xf32, #tpu.memory_space<vmem_shared>>
      tpu.wait_dma2 semaphore(%run_scoped3A : memref<!tpu.dma_semaphore, #tpu.memory_space<semaphore_mem>>) src(%dma_wait3A_55 : memref<128x128xf32, #tpu.memory_space<vmem_shared>>) dst(%arg7 : memref<128x128xf32, #tpu.memory_space<vmem>>)
      tpu.yield
    }) : () -> ()
    %add3A_32 = arith.constant 0 : i32
    %add3A_33 = arith.addi %mul3A_4, %add3A_32 : i32
    "tpu.region"() ({
      %run_scoped3A = tpu.sem_alloc : memref<!tpu.dma_semaphore, #tpu.memory_space<semaphore_mem>>
      %dma_start3A = arith.constant 0 : i32
      %dma_start3A_50 = tpu.memref_slice %arg5[%arg0, %add3A_33, %dma_start3A] : memref<2x10240x128xf32, #tpu.memory_space<hbm>> -> memref<1x128x128xf32, #tpu.memory_space<hbm>>
      %dma_start3A_51 = tpu.memref_squeeze %dma_start3A_50 : memref<1x128x128xf32, #tpu.memory_space<hbm>> -> memref<128x128xf32, #tpu.memory_space<hbm>>
      %dma_start3A_52 = arith.constant 0 : i32
      %dma_start3A_53 = tpu.memref_slice %arg5[%arg0, %add3A_33, %dma_start3A_52] : memref<2x10240x128xf32, #tpu.memory_space<hbm>> -> memref<1x128x128xf32, #tpu.memory_space<hbm>>
      %dma_start3A_54 = tpu.memref_squeeze %dma_start3A_53 : memref<1x128x128xf32, #tpu.memory_space<hbm>> -> memref<128x128xf32, #tpu.memory_space<hbm>>
      tpu.enqueue_dma source(%arg7 : memref<128x128xf32, #tpu.memory_space<vmem>>) target(%dma_start3A_54 : memref<128x128xf32, #tpu.memory_space<hbm>>) target_semaphore(%run_scoped3A : memref<!tpu.dma_semaphore, #tpu.memory_space<semaphore_mem>>)
      %dma_wait3A = arith.constant 0 : i32
      %dma_wait3A_55 = tpu.memref_slice %arg5[%arg0, %add3A_33, %dma_wait3A] : memref<2x10240x128xf32, #tpu.memory_space<hbm>> -> memref<1x128x128xf32, #tpu.memory_space<hbm>>
      %dma_wait3A_56 = tpu.memref_squeeze %dma_wait3A_55 : memref<1x128x128xf32, #tpu.memory_space<hbm>> -> memref<128x128xf32, #tpu.memory_space<hbm>>
      %dma_wait3A_57 = arith.constant 0 : i32
      %dma_wait3A_58 = tpu.memref_slice %arg5[%arg0, %add3A_33, %dma_wait3A_57] : memref<2x10240x128xf32, #tpu.memory_space<hbm>> -> memref<1x128x128xf32, #tpu.memory_space<hbm>>
      %dma_wait3A_59 = tpu.memref_squeeze %dma_wait3A_58 : memref<1x128x128xf32, #tpu.memory_space<hbm>> -> memref<128x128xf32, #tpu.memory_space<hbm>>
      tpu.wait_dma2 semaphore(%run_scoped3A : memref<!tpu.dma_semaphore, #tpu.memory_space<semaphore_mem>>) src(%arg7 : memref<128x128xf32, #tpu.memory_space<vmem>>) dst(%dma_wait3A_59 : memref<128x128xf32, #tpu.memory_space<hbm>>)
      tpu.yield
    }) : () -> ()
    %add3A_34 = arith.constant 128 : i32
    %add3A_35 = arith.addi %mul3A_4, %add3A_34 : i32
    "tpu.region"() ({
      %run_scoped3A = tpu.sem_alloc : memref<!tpu.dma_semaphore, #tpu.memory_space<semaphore_mem>>
      %dma_start3A = arith.constant 0 : i32
      %dma_start3A_50 = tpu.memref_slice %arg6[%add3A_35, %dma_start3A] : memref<10240x128xf32, #tpu.memory_space<vmem_shared>> -> memref<128x128xf32, #tpu.memory_space<vmem_shared>>
      %dma_start3A_51 = arith.constant 0 : i32
      %dma_start3A_52 = tpu.memref_slice %arg6[%add3A_35, %dma_start3A_51] : memref<10240x128xf32, #tpu.memory_space<vmem_shared>> -> memref<128x128xf32, #tpu.memory_space<vmem_shared>>
      tpu.enqueue_dma source(%dma_start3A_52 : memref<128x128xf32, #tpu.memory_space<vmem_shared>>) target(%arg7 : memref<128x128xf32, #tpu.memory_space<vmem>>) target_semaphore(%run_scoped3A : memref<!tpu.dma_semaphore, #tpu.memory_space<semaphore_mem>>)
      %dma_wait3A = arith.constant 0 : i32
      %dma_wait3A_53 = tpu.memref_slice %arg6[%add3A_35, %dma_wait3A] : memref<10240x128xf32, #tpu.memory_space<vmem_shared>> -> memref<128x128xf32, #tpu.memory_space<vmem_shared>>
      %dma_wait3A_54 = arith.constant 0 : i32
      %dma_wait3A_55 = tpu.memref_slice %arg6[%add3A_35, %dma_wait3A_54] : memref<10240x128xf32, #tpu.memory_space<vmem_shared>> -> memref<128x128xf32, #tpu.memory_space<vmem_shared>>
      tpu.wait_dma2 semaphore(%run_scoped3A : memref<!tpu.dma_semaphore, #tpu.memory_space<semaphore_mem>>) src(%dma_wait3A_55 : memref<128x128xf32, #tpu.memory_space<vmem_shared>>) dst(%arg7 : memref<128x128xf32, #tpu.memory_space<vmem>>)
      tpu.yield
    }) : () -> ()
    %add3A_36 = arith.constant 128 : i32
    %add3A_37 = arith.addi %mul3A_4, %add3A_36 : i32
    "tpu.region"() ({
      %run_scoped3A = tpu.sem_alloc : memref<!tpu.dma_semaphore, #tpu.memory_space<semaphore_mem>>
      %dma_start3A = arith.constant 0 : i32
      %dma_start3A_50 = tpu.memref_slice %arg5[%arg0, %add3A_37, %dma_start3A] : memref<2x10240x128xf32, #tpu.memory_space<hbm>> -> memref<1x128x128xf32, #tpu.memory_space<hbm>>
      %dma_start3A_51 = tpu.memref_squeeze %dma_start3A_50 : memref<1x128x128xf32, #tpu.memory_space<hbm>> -> memref<128x128xf32, #tpu.memory_space<hbm>>
      %dma_start3A_52 = arith.constant 0 : i32
      %dma_start3A_53 = tpu.memref_slice %arg5[%arg0, %add3A_37, %dma_start3A_52] : memref<2x10240x128xf32, #tpu.memory_space<hbm>> -> memref<1x128x128xf32, #tpu.memory_space<hbm>>
      %dma_start3A_54 = tpu.memref_squeeze %dma_start3A_53 : memref<1x128x128xf32, #tpu.memory_space<hbm>> -> memref<128x128xf32, #tpu.memory_space<hbm>>
      tpu.enqueue_dma source(%arg7 : memref<128x128xf32, #tpu.memory_space<vmem>>) target(%dma_start3A_54 : memref<128x128xf32, #tpu.memory_space<hbm>>) target_semaphore(%run_scoped3A : memref<!tpu.dma_semaphore, #tpu.memory_space<semaphore_mem>>)
      %dma_wait3A = arith.constant 0 : i32
      %dma_wait3A_55 = tpu.memref_slice %arg5[%arg0, %add3A_37, %dma_wait3A] : memref<2x10240x128xf32, #tpu.memory_space<hbm>> -> memref<1x128x128xf32, #tpu.memory_space<hbm>>
      %dma_wait3A_56 = tpu.memref_squeeze %dma_wait3A_55 : memref<1x128x128xf32, #tpu.memory_space<hbm>> -> memref<128x128xf32, #tpu.memory_space<hbm>>
      %dma_wait3A_57 = arith.constant 0 : i32
      %dma_wait3A_58 = tpu.memref_slice %arg5[%arg0, %add3A_37, %dma_wait3A_57] : memref<2x10240x128xf32, #tpu.memory_space<hbm>> -> memref<1x128x128xf32, #tpu.memory_space<hbm>>
      %dma_wait3A_59 = tpu.memref_squeeze %dma_wait3A_58 : memref<1x128x128xf32, #tpu.memory_space<hbm>> -> memref<128x128xf32, #tpu.memory_space<hbm>>
      tpu.wait_dma2 semaphore(%run_scoped3A : memref<!tpu.dma_semaphore, #tpu.memory_space<semaphore_mem>>) src(%arg7 : memref<128x128xf32, #tpu.memory_space<vmem>>) dst(%dma_wait3A_59 : memref<128x128xf32, #tpu.memory_space<hbm>>)
      tpu.yield
    }) : () -> ()
    %add3A_38 = arith.constant 256 : i32
    %add3A_39 = arith.addi %mul3A_4, %add3A_38 : i32
    "tpu.region"() ({
      %run_scoped3A = tpu.sem_alloc : memref<!tpu.dma_semaphore, #tpu.memory_space<semaphore_mem>>
      %dma_start3A = arith.constant 0 : i32
      %dma_start3A_50 = tpu.memref_slice %arg6[%add3A_39, %dma_start3A] : memref<10240x128xf32, #tpu.memory_space<vmem_shared>> -> memref<128x128xf32, #tpu.memory_space<vmem_shared>>
      %dma_start3A_51 = arith.constant 0 : i32
      %dma_start3A_52 = tpu.memref_slice %arg6[%add3A_39, %dma_start3A_51] : memref<10240x128xf32, #tpu.memory_space<vmem_shared>> -> memref<128x128xf32, #tpu.memory_space<vmem_shared>>
      tpu.enqueue_dma source(%dma_start3A_52 : memref<128x128xf32, #tpu.memory_space<vmem_shared>>) target(%arg7 : memref<128x128xf32, #tpu.memory_space<vmem>>) target_semaphore(%run_scoped3A : memref<!tpu.dma_semaphore, #tpu.memory_space<semaphore_mem>>)
      %dma_wait3A = arith.constant 0 : i32
      %dma_wait3A_53 = tpu.memref_slice %arg6[%add3A_39, %dma_wait3A] : memref<10240x128xf32, #tpu.memory_space<vmem_shared>> -> memref<128x128xf32, #tpu.memory_space<vmem_shared>>
      %dma_wait3A_54 = arith.constant 0 : i32
      %dma_wait3A_55 = tpu.memref_slice %arg6[%add3A_39, %dma_wait3A_54] : memref<10240x128xf32, #tpu.memory_space<vmem_shared>> -> memref<128x128xf32, #tpu.memory_space<vmem_shared>>
      tpu.wait_dma2 semaphore(%run_scoped3A : memref<!tpu.dma_semaphore, #tpu.memory_space<semaphore_mem>>) src(%dma_wait3A_55 : memref<128x128xf32, #tpu.memory_space<vmem_shared>>) dst(%arg7 : memref<128x128xf32, #tpu.memory_space<vmem>>)
      tpu.yield
    }) : () -> ()
    %add3A_40 = arith.constant 256 : i32
    %add3A_41 = arith.addi %mul3A_4, %add3A_40 : i32
    "tpu.region"() ({
      %run_scoped3A = tpu.sem_alloc : memref<!tpu.dma_semaphore, #tpu.memory_space<semaphore_mem>>
      %dma_start3A = arith.constant 0 : i32
      %dma_start3A_50 = tpu.memref_slice %arg5[%arg0, %add3A_41, %dma_start3A] : memref<2x10240x128xf32, #tpu.memory_space<hbm>> -> memref<1x128x128xf32, #tpu.memory_space<hbm>>
      %dma_start3A_51 = tpu.memref_squeeze %dma_start3A_50 : memref<1x128x128xf32, #tpu.memory_space<hbm>> -> memref<128x128xf32, #tpu.memory_space<hbm>>
      %dma_start3A_52 = arith.constant 0 : i32
      %dma_start3A_53 = tpu.memref_slice %arg5[%arg0, %add3A_41, %dma_start3A_52] : memref<2x10240x128xf32, #tpu.memory_space<hbm>> -> memref<1x128x128xf32, #tpu.memory_space<hbm>>
      %dma_start3A_54 = tpu.memref_squeeze %dma_start3A_53 : memref<1x128x128xf32, #tpu.memory_space<hbm>> -> memref<128x128xf32, #tpu.memory_space<hbm>>
      tpu.enqueue_dma source(%arg7 : memref<128x128xf32, #tpu.memory_space<vmem>>) target(%dma_start3A_54 : memref<128x128xf32, #tpu.memory_space<hbm>>) target_semaphore(%run_scoped3A : memref<!tpu.dma_semaphore, #tpu.memory_space<semaphore_mem>>)
      %dma_wait3A = arith.constant 0 : i32
      %dma_wait3A_55 = tpu.memref_slice %arg5[%arg0, %add3A_41, %dma_wait3A] : memref<2x10240x128xf32, #tpu.memory_space<hbm>> -> memref<1x128x128xf32, #tpu.memory_space<hbm>>
      %dma_wait3A_56 = tpu.memref_squeeze %dma_wait3A_55 : memref<1x128x128xf32, #tpu.memory_space<hbm>> -> memref<128x128xf32, #tpu.memory_space<hbm>>
      %dma_wait3A_57 = arith.constant 0 : i32
      %dma_wait3A_58 = tpu.memref_slice %arg5[%arg0, %add3A_41, %dma_wait3A_57] : memref<2x10240x128xf32, #tpu.memory_space<hbm>> -> memref<1x128x128xf32, #tpu.memory_space<hbm>>
      %dma_wait3A_59 = tpu.memref_squeeze %dma_wait3A_58 : memref<1x128x128xf32, #tpu.memory_space<hbm>> -> memref<128x128xf32, #tpu.memory_space<hbm>>
      tpu.wait_dma2 semaphore(%run_scoped3A : memref<!tpu.dma_semaphore, #tpu.memory_space<semaphore_mem>>) src(%arg7 : memref<128x128xf32, #tpu.memory_space<vmem>>) dst(%dma_wait3A_59 : memref<128x128xf32, #tpu.memory_space<hbm>>)
      tpu.yield
    }) : () -> ()
    %add3A_42 = arith.constant 384 : i32
    %add3A_43 = arith.addi %mul3A_4, %add3A_42 : i32
    "tpu.region"() ({
      %run_scoped3A = tpu.sem_alloc : memref<!tpu.dma_semaphore, #tpu.memory_space<semaphore_mem>>
      %dma_start3A = arith.constant 0 : i32
      %dma_start3A_50 = tpu.memref_slice %arg6[%add3A_43, %dma_start3A] : memref<10240x128xf32, #tpu.memory_space<vmem_shared>> -> memref<128x128xf32, #tpu.memory_space<vmem_shared>>
      %dma_start3A_51 = arith.constant 0 : i32
      %dma_start3A_52 = tpu.memref_slice %arg6[%add3A_43, %dma_start3A_51] : memref<10240x128xf32, #tpu.memory_space<vmem_shared>> -> memref<128x128xf32, #tpu.memory_space<vmem_shared>>
      tpu.enqueue_dma source(%dma_start3A_52 : memref<128x128xf32, #tpu.memory_space<vmem_shared>>) target(%arg7 : memref<128x128xf32, #tpu.memory_space<vmem>>) target_semaphore(%run_scoped3A : memref<!tpu.dma_semaphore, #tpu.memory_space<semaphore_mem>>)
      %dma_wait3A = arith.constant 0 : i32
      %dma_wait3A_53 = tpu.memref_slice %arg6[%add3A_43, %dma_wait3A] : memref<10240x128xf32, #tpu.memory_space<vmem_shared>> -> memref<128x128xf32, #tpu.memory_space<vmem_shared>>
      %dma_wait3A_54 = arith.constant 0 : i32
      %dma_wait3A_55 = tpu.memref_slice %arg6[%add3A_43, %dma_wait3A_54] : memref<10240x128xf32, #tpu.memory_space<vmem_shared>> -> memref<128x128xf32, #tpu.memory_space<vmem_shared>>
      tpu.wait_dma2 semaphore(%run_scoped3A : memref<!tpu.dma_semaphore, #tpu.memory_space<semaphore_mem>>) src(%dma_wait3A_55 : memref<128x128xf32, #tpu.memory_space<vmem_shared>>) dst(%arg7 : memref<128x128xf32, #tpu.memory_space<vmem>>)
      tpu.yield
    }) : () -> ()
    %add3A_44 = arith.constant 384 : i32
    %add3A_45 = arith.addi %mul3A_4, %add3A_44 : i32
    "tpu.region"() ({
      %run_scoped3A = tpu.sem_alloc : memref<!tpu.dma_semaphore, #tpu.memory_space<semaphore_mem>>
      %dma_start3A = arith.constant 0 : i32
      %dma_start3A_50 = tpu.memref_slice %arg5[%arg0, %add3A_45, %dma_start3A] : memref<2x10240x128xf32, #tpu.memory_space<hbm>> -> memref<1x128x128xf32, #tpu.memory_space<hbm>>
      %dma_start3A_51 = tpu.memref_squeeze %dma_start3A_50 : memref<1x128x128xf32, #tpu.memory_space<hbm>> -> memref<128x128xf32, #tpu.memory_space<hbm>>
      %dma_start3A_52 = arith.constant 0 : i32
      %dma_start3A_53 = tpu.memref_slice %arg5[%arg0, %add3A_45, %dma_start3A_52] : memref<2x10240x128xf32, #tpu.memory_space<hbm>> -> memref<1x128x128xf32, #tpu.memory_space<hbm>>
      %dma_start3A_54 = tpu.memref_squeeze %dma_start3A_53 : memref<1x128x128xf32, #tpu.memory_space<hbm>> -> memref<128x128xf32, #tpu.memory_space<hbm>>
      tpu.enqueue_dma source(%arg7 : memref<128x128xf32, #tpu.memory_space<vmem>>) target(%dma_start3A_54 : memref<128x128xf32, #tpu.memory_space<hbm>>) target_semaphore(%run_scoped3A : memref<!tpu.dma_semaphore, #tpu.memory_space<semaphore_mem>>)
      %dma_wait3A = arith.constant 0 : i32
      %dma_wait3A_55 = tpu.memref_slice %arg5[%arg0, %add3A_45, %dma_wait3A] : memref<2x10240x128xf32, #tpu.memory_space<hbm>> -> memref<1x128x128xf32, #tpu.memory_space<hbm>>
      %dma_wait3A_56 = tpu.memref_squeeze %dma_wait3A_55 : memref<1x128x128xf32, #tpu.memory_space<hbm>> -> memref<128x128xf32, #tpu.memory_space<hbm>>
      %dma_wait3A_57 = arith.constant 0 : i32
      %dma_wait3A_58 = tpu.memref_slice %arg5[%arg0, %add3A_45, %dma_wait3A_57] : memref<2x10240x128xf32, #tpu.memory_space<hbm>> -> memref<1x128x128xf32, #tpu.memory_space<hbm>>
      %dma_wait3A_59 = tpu.memref_squeeze %dma_wait3A_58 : memref<1x128x128xf32, #tpu.memory_space<hbm>> -> memref<128x128xf32, #tpu.memory_space<hbm>>
      tpu.wait_dma2 semaphore(%run_scoped3A : memref<!tpu.dma_semaphore, #tpu.memory_space<semaphore_mem>>) src(%arg7 : memref<128x128xf32, #tpu.memory_space<vmem>>) dst(%dma_wait3A_59 : memref<128x128xf32, #tpu.memory_space<hbm>>)
      tpu.yield
    }) : () -> ()
    %add3A_46 = arith.constant 512 : i32
    %add3A_47 = arith.addi %mul3A_4, %add3A_46 : i32
    "tpu.region"() ({
      %run_scoped3A = tpu.sem_alloc : memref<!tpu.dma_semaphore, #tpu.memory_space<semaphore_mem>>
      %dma_start3A = arith.constant 0 : i32
      %dma_start3A_50 = tpu.memref_slice %arg6[%add3A_47, %dma_start3A] : memref<10240x128xf32, #tpu.memory_space<vmem_shared>> -> memref<128x128xf32, #tpu.memory_space<vmem_shared>>
      %dma_start3A_51 = arith.constant 0 : i32
      %dma_start3A_52 = tpu.memref_slice %arg6[%add3A_47, %dma_start3A_51] : memref<10240x128xf32, #tpu.memory_space<vmem_shared>> -> memref<128x128xf32, #tpu.memory_space<vmem_shared>>
      tpu.enqueue_dma source(%dma_start3A_52 : memref<128x128xf32, #tpu.memory_space<vmem_shared>>) target(%arg7 : memref<128x128xf32, #tpu.memory_space<vmem>>) target_semaphore(%run_scoped3A : memref<!tpu.dma_semaphore, #tpu.memory_space<semaphore_mem>>)
      %dma_wait3A = arith.constant 0 : i32
      %dma_wait3A_53 = tpu.memref_slice %arg6[%add3A_47, %dma_wait3A] : memref<10240x128xf32, #tpu.memory_space<vmem_shared>> -> memref<128x128xf32, #tpu.memory_space<vmem_shared>>
      %dma_wait3A_54 = arith.constant 0 : i32
      %dma_wait3A_55 = tpu.memref_slice %arg6[%add3A_47, %dma_wait3A_54] : memref<10240x128xf32, #tpu.memory_space<vmem_shared>> -> memref<128x128xf32, #tpu.memory_space<vmem_shared>>
      tpu.wait_dma2 semaphore(%run_scoped3A : memref<!tpu.dma_semaphore, #tpu.memory_space<semaphore_mem>>) src(%dma_wait3A_55 : memref<128x128xf32, #tpu.memory_space<vmem_shared>>) dst(%arg7 : memref<128x128xf32, #tpu.memory_space<vmem>>)
      tpu.yield
    }) : () -> ()
    %add3A_48 = arith.constant 512 : i32
    %add3A_49 = arith.addi %mul3A_4, %add3A_48 : i32
    "tpu.region"() ({
      %run_scoped3A = tpu.sem_alloc : memref<!tpu.dma_semaphore, #tpu.memory_space<semaphore_mem>>
      %dma_start3A = arith.constant 0 : i32
      %dma_start3A_50 = tpu.memref_slice %arg5[%arg0, %add3A_49, %dma_start3A] : memref<2x10240x128xf32, #tpu.memory_space<hbm>> -> memref<1x128x128xf32, #tpu.memory_space<hbm>>
      %dma_start3A_51 = tpu.memref_squeeze %dma_start3A_50 : memref<1x128x128xf32, #tpu.memory_space<hbm>> -> memref<128x128xf32, #tpu.memory_space<hbm>>
      %dma_start3A_52 = arith.constant 0 : i32
      %dma_start3A_53 = tpu.memref_slice %arg5[%arg0, %add3A_49, %dma_start3A_52] : memref<2x10240x128xf32, #tpu.memory_space<hbm>> -> memref<1x128x128xf32, #tpu.memory_space<hbm>>
      %dma_start3A_54 = tpu.memref_squeeze %dma_start3A_53 : memref<1x128x128xf32, #tpu.memory_space<hbm>> -> memref<128x128xf32, #tpu.memory_space<hbm>>
      tpu.enqueue_dma source(%arg7 : memref<128x128xf32, #tpu.memory_space<vmem>>) target(%dma_start3A_54 : memref<128x128xf32, #tpu.memory_space<hbm>>) target_semaphore(%run_scoped3A : memref<!tpu.dma_semaphore, #tpu.memory_space<semaphore_mem>>)
      %dma_wait3A = arith.constant 0 : i32
      %dma_wait3A_55 = tpu.memref_slice %arg5[%arg0, %add3A_49, %dma_wait3A] : memref<2x10240x128xf32, #tpu.memory_space<hbm>> -> memref<1x128x128xf32, #tpu.memory_space<hbm>>
      %dma_wait3A_56 = tpu.memref_squeeze %dma_wait3A_55 : memref<1x128x128xf32, #tpu.memory_space<hbm>> -> memref<128x128xf32, #tpu.memory_space<hbm>>
      %dma_wait3A_57 = arith.constant 0 : i32
      %dma_wait3A_58 = tpu.memref_slice %arg5[%arg0, %add3A_49, %dma_wait3A_57] : memref<2x10240x128xf32, #tpu.memory_space<hbm>> -> memref<1x128x128xf32, #tpu.memory_space<hbm>>
      %dma_wait3A_59 = tpu.memref_squeeze %dma_wait3A_58 : memref<1x128x128xf32, #tpu.memory_space<hbm>> -> memref<128x128xf32, #tpu.memory_space<hbm>>
      tpu.wait_dma2 semaphore(%run_scoped3A : memref<!tpu.dma_semaphore, #tpu.memory_space<semaphore_mem>>) src(%arg7 : memref<128x128xf32, #tpu.memory_space<vmem>>) dst(%dma_wait3A_59 : memref<128x128xf32, #tpu.memory_space<hbm>>)
      tpu.yield
    }) : () -> ()
    return
  }
}

module attributes {stable_mosaic.version = 14 : i64} {
  func.func @_tc2_body(%arg0: i32, %arg1: memref<2x1000x128xf32, #tpu.memory_space<vmem>>, %arg2: memref<1000x128xf32, #tpu.memory_space<vmem>>, %arg3: memref<1000x128xf32, #tpu.memory_space<vmem>>) attributes {dimension_semantics = [#tpu.dimension_semantics<arbitrary>], iteration_bounds = array<i64: 10>, scalar_prefetch = 0 : i64, scratch_operands = 0 : i64, tpu.core_type = #tpu.core_type<tc>, window_params = [{transform_indices = @transform_0, window_bounds = array<i64: 2, 1000, 128>}, {transform_indices = @transform_1, window_bounds = array<i64: 1000, 128>}, {transform_indices = @transform_2, window_bounds = array<i64: 1000, 128>}]} {
    %get3A = arith.constant 0 : index
    %get3A_0 = arith.constant 0 : index
    %get3A_1 = arith.constant 0 : index
    %get3A_2 = vector.load %arg1[%get3A, %get3A_0, %get3A_1] : memref<2x1000x128xf32, #tpu.memory_space<vmem>>, vector<1x1000x128xf32>
    %get3A_3 = vector.shape_cast %get3A_2 : vector<1x1000x128xf32> to vector<1000x128xf32>
    %get3A_4 = arith.constant 1 : index
    %get3A_5 = arith.constant 0 : index
    %get3A_6 = arith.constant 0 : index
    %get3A_7 = vector.load %arg1[%get3A_4, %get3A_5, %get3A_6] : memref<2x1000x128xf32, #tpu.memory_space<vmem>>, vector<1x1000x128xf32>
    %get3A_8 = vector.shape_cast %get3A_7 : vector<1x1000x128xf32> to vector<1000x128xf32>
    %add3A = arith.addf %get3A_3, %get3A_8 : vector<1000x128xf32>
    %get3A_9 = arith.constant 0 : index
    %get3A_10 = arith.constant 0 : index
    %get3A_11 = vector.load %arg2[%get3A_9, %get3A_10] : memref<1000x128xf32, #tpu.memory_space<vmem>>, vector<1000x128xf32>
    %add3A_12 = arith.addf %add3A, %get3A_11 : vector<1000x128xf32>
    %max3A = arith.constant 0.000000e+00 : f32
    %max3A_13 = vector.broadcast %max3A : f32 to vector<1000x128xf32>
    %max3A_14 = arith.maximumf %add3A_12, %max3A_13 : vector<1000x128xf32>
    %swap3A = arith.constant 0 : index
    %swap3A_15 = arith.constant 0 : index
    %swap3A_16 = vector.load %arg3[%swap3A, %swap3A_15] : memref<1000x128xf32, #tpu.memory_space<vmem>>, vector<1000x128xf32>
    tpu.vector_store %arg3[%swap3A, %swap3A_15], %max3A_14 {strides = array<i32>} : memref<1000x128xf32, #tpu.memory_space<vmem>>, vector<1000x128xf32>,
    return
  }
  func.func @transform_0(%arg0: i32) -> (i32, i32, i32) {
    %c0_i32 = arith.constant 0 : i32
    %c0_i32_0 = arith.constant 0 : i32
    %c0_i32_1 = arith.constant 0 : i32
    return %c0_i32, %arg0, %c0_i32_0 : i32, i32, i32
  }
  func.func @transform_1(%arg0: i32) -> (i32, i32) {
    %c0_i32 = arith.constant 0 : i32
    %c0_i32_0 = arith.constant 0 : i32
    return %arg0, %c0_i32 : i32, i32
  }
  func.func @transform_2(%arg0: i32) -> (i32, i32) {
    %c0_i32 = arith.constant 0 : i32
    %c0_i32_0 = arith.constant 0 : i32
    return %arg0, %c0_i32 : i32, i32
  }
}

module attributes {stable_mosaic.version = 14 : i64} {
  func.func @_tc1_body(%arg0: i32, %arg1: memref<1000x128xf32, #tpu.memory_space<vmem>>, %arg2: memref<2x1000x128xf32, #tpu.memory_space<vmem>>, %arg3: memref<2x1000x128xf32, #tpu.memory_space<vmem>>, %arg4: memref<2x1000x128xf32, #tpu.memory_space<vmem>>, %arg5: memref<128x256xf32, #tpu.memory_space<vmem>>, %arg6: memref<128x256xf32, #tpu.memory_space<vmem>>, %arg7: memref<128x256xf32, #tpu.memory_space<vmem>>, %arg8: memref<1x256xf32, #tpu.memory_space<vmem>>, %arg9: memref<1x256xf32, #tpu.memory_space<vmem>>, %arg10: memref<1x256xf32, #tpu.memory_space<vmem>>, %arg11: memref<256x128xf32, #tpu.memory_space<vmem>>, %arg12: memref<128x128xf32, #tpu.memory_space<vmem>>, %arg13: memref<256x128xf32, #tpu.memory_space<vmem>>, %arg14: memref<1x128xf32, #tpu.memory_space<vmem>>, %arg15: memref<1x128xf32, #tpu.memory_space<vmem>>, %arg16: memref<1x128xf32, #tpu.memory_space<vmem>>, %arg17: memref<1000x128xf32, #tpu.memory_space<vmem>>, %arg18: memref<1000x128xf32, #tpu.memory_space<vmem>>) attributes {dimension_semantics = [#tpu.dimension_semantics<arbitrary>], iteration_bounds = array<i64: 10>, scalar_prefetch = 0 : i64, scratch_operands = 0 : i64, tpu.core_type = #tpu.core_type<tc>, window_params = [{transform_indices = @transform_0, window_bounds = array<i64: 1000, 128>}, {transform_indices = @transform_1, window_bounds = array<i64: 2, 1000, 128>}, {transform_indices = @transform_2, window_bounds = array<i64: 2, 1000, 128>}, {transform_indices = @transform_3, window_bounds = array<i64: 2, 1000, 128>}, {pipeline_mode = #tpu.pipeline_mode<synchronous>, transform_indices = @transform_4, window_bounds = array<i64: 128, 256>}, {pipeline_mode = #tpu.pipeline_mode<synchronous>, transform_indices = @transform_5, window_bounds = array<i64: 128, 256>}, {pipeline_mode = #tpu.pipeline_mode<synchronous>, transform_indices = @transform_6, window_bounds = array<i64: 128, 256>}, {pipeline_mode = #tpu.pipeline_mode<synchronous>, transform_indices = @transform_7, window_bounds = array<i64: 1, 256>}, {pipeline_mode = #tpu.pipeline_mode<synchronous>, transform_indices = @transform_8, window_bounds = array<i64: 1, 256>}, {pipeline_mode = #tpu.pipeline_mode<synchronous>, transform_indices = @transform_9, window_bounds = array<i64: 1, 256>}, {pipeline_mode = #tpu.pipeline_mode<synchronous>, transform_indices = @transform_10, window_bounds = array<i64: 256, 128>}, {pipeline_mode = #tpu.pipeline_mode<synchronous>, transform_indices = @transform_11, window_bounds = array<i64: 128, 128>}, {pipeline_mode = #tpu.pipeline_mode<synchronous>, transform_indices = @transform_12, window_bounds = array<i64: 256, 128>}, {pipeline_mode = #tpu.pipeline_mode<synchronous>, transform_indices = @transform_13, window_bounds = array<i64: 1, 128>}, {pipeline_mode = #tpu.pipeline_mode<synchronous>, transform_indices = @transform_14, window_bounds = array<i64: 1, 128>}, {pipeline_mode = #tpu.pipeline_mode<synchronous>, transform_indices = @transform_15, window_bounds = array<i64: 1, 128>}, {transform_indices = @transform_16, window_bounds = array<i64: 1000, 128>}, {transform_indices = @transform_17, window_bounds = array<i64: 1000, 128>}]} {
    %get3A = arith.constant 0 : index
    %get3A_0 = arith.constant 0 : index
    %get3A_1 = arith.constant 0 : index
    %get3A_2 = vector.load %arg2[%get3A, %get3A_0, %get3A_1] : memref<2x1000x128xf32, #tpu.memory_space<vmem>>, vector<1x1000x128xf32>
    %get3A_3 = vector.shape_cast %get3A_2 : vector<1x1000x128xf32> to vector<1000x128xf32>
    %get3A_4 = arith.constant 1 : index
    %get3A_5 = arith.constant 0 : index
    %get3A_6 = arith.constant 0 : index
    %get3A_7 = vector.load %arg2[%get3A_4, %get3A_5, %get3A_6] : memref<2x1000x128xf32, #tpu.memory_space<vmem>>, vector<1x1000x128xf32>
    %get3A_8 = vector.shape_cast %get3A_7 : vector<1x1000x128xf32> to vector<1000x128xf32>
    %add3A = arith.addf %get3A_3, %get3A_8 : vector<1000x128xf32>
    %get3A_9 = arith.constant 0 : index
    %get3A_10 = arith.constant 0 : index
    %get3A_11 = arith.constant 0 : index
    %get3A_12 = vector.load %arg3[%get3A_9, %get3A_10, %get3A_11] : memref<2x1000x128xf32, #tpu.memory_space<vmem>>, vector<1x1000x128xf32>
    %get3A_13 = vector.shape_cast %get3A_12 : vector<1x1000x128xf32> to vector<1000x128xf32>
    %get3A_14 = arith.constant 1 : index
    %get3A_15 = arith.constant 0 : index
    %get3A_16 = arith.constant 0 : index
    %get3A_17 = vector.load %arg3[%get3A_14, %get3A_15, %get3A_16] : memref<2x1000x128xf32, #tpu.memory_space<vmem>>, vector<1x1000x128xf32>
    %get3A_18 = vector.shape_cast %get3A_17 : vector<1x1000x128xf32> to vector<1000x128xf32>
    %add3A_19 = arith.addf %get3A_13, %get3A_18 : vector<1000x128xf32>
    %get3A_20 = arith.constant 0 : index
    %get3A_21 = arith.constant 0 : index
    %get3A_22 = arith.constant 0 : index
    %get3A_23 = vector.load %arg4[%get3A_20, %get3A_21, %get3A_22] : memref<2x1000x128xf32, #tpu.memory_space<vmem>>, vector<1x1000x1xf32>
    %get3A_24 = vector.shape_cast %get3A_23 : vector<1x1000x1xf32> to vector<1000x1xf32>
    %get3A_25 = arith.constant 1 : index
    %get3A_26 = arith.constant 0 : index
    %get3A_27 = arith.constant 0 : index
    %get3A_28 = vector.load %arg4[%get3A_25, %get3A_26, %get3A_27] : memref<2x1000x128xf32, #tpu.memory_space<vmem>>, vector<1x1000x1xf32>
    %get3A_29 = vector.shape_cast %get3A_28 : vector<1x1000x1xf32> to vector<1000x1xf32>
    %add3A_30 = arith.addf %get3A_24, %get3A_29 : vector<1000x1xf32>
    %get3A_31 = arith.constant 0 : index
    %get3A_32 = arith.constant 0 : index
    %get3A_33 = vector.load %arg5[%get3A_31, %get3A_32] : memref<128x256xf32, #tpu.memory_space<vmem>>, vector<128x256xf32>
    %dot_general3A = arith.constant dense<0.000000e+00> : vector<1000x256xf32>
    %dot_general3A_34 = tpu.matmul %add3A, %get3A_33, %dot_general3A {dimension_numbers = #tpu.dot_dimension_numbers<[1], [0], [0], [1], [0, 0, 1, 1], [], []>, transpose_lhs_hint = false} : vector<1000x128xf32>, vector<128x256xf32>, vector<1000x256xf32> -> vector<1000x256xf32>
    %get3A_35 = arith.constant 0 : index
    %get3A_36 = arith.constant 0 : index
    %get3A_37 = vector.load %arg6[%get3A_35, %get3A_36] : memref<128x256xf32, #tpu.memory_space<vmem>>, vector<128x256xf32>
    %dot_general3A_38 = arith.constant dense<0.000000e+00> : vector<1000x256xf32>
    %dot_general3A_39 = tpu.matmul %add3A_19, %get3A_37, %dot_general3A_38 {dimension_numbers = #tpu.dot_dimension_numbers<[1], [0], [0], [1], [0, 0, 1, 1], [], []>, transpose_lhs_hint = false} : vector<1000x128xf32>, vector<128x256xf32>, vector<1000x256xf32> -> vector<1000x256xf32>
    %add3A_40 = arith.addf %dot_general3A_34, %dot_general3A_39 : vector<1000x256xf32>
    %get3A_41 = arith.constant 0 : index
    %get3A_42 = arith.constant 0 : index
    %get3A_43 = vector.load %arg1[%get3A_41, %get3A_42] : memref<1000x128xf32, #tpu.memory_space<vmem>>, vector<1000x128xf32>
    %get3A_44 = arith.constant 0 : index
    %get3A_45 = arith.constant 0 : index
    %get3A_46 = vector.load %arg7[%get3A_44, %get3A_45] : memref<128x256xf32, #tpu.memory_space<vmem>>, vector<128x256xf32>
    %dot_general3A_47 = arith.constant dense<0.000000e+00> : vector<1000x256xf32>
    %dot_general3A_48 = tpu.matmul %get3A_43, %get3A_46, %dot_general3A_47 {dimension_numbers = #tpu.dot_dimension_numbers<[1], [0], [0], [1], [0, 0, 1, 1], [], []>, transpose_lhs_hint = false} : vector<1000x128xf32>, vector<128x256xf32>, vector<1000x256xf32> -> vector<1000x256xf32>
    %add3A_49 = arith.addf %add3A_40, %dot_general3A_48 : vector<1000x256xf32>
    %get3A_50 = arith.constant 0 : index
    %get3A_51 = arith.constant 0 : index
    %get3A_52 = vector.load %arg8[%get3A_50, %get3A_51] : memref<1x256xf32, #tpu.memory_space<vmem>>, vector<1x256xf32>
    %get3A_53 = arith.constant 0 : index
    %get3A_54 = arith.constant 0 : index
    %get3A_55 = vector.load %arg9[%get3A_53, %get3A_54] : memref<1x256xf32, #tpu.memory_space<vmem>>, vector<1x256xf32>
    %add3A_56 = arith.addf %get3A_52, %get3A_55 : vector<1x256xf32>
    %mul3A = vector.broadcast %add3A_30 : vector<1000x1xf32> to vector<1000x256xf32>
    %mul3A_57 = vector.broadcast %add3A_56 : vector<1x256xf32> to vector<1000x256xf32>
    %mul3A_58 = arith.mulf %mul3A, %mul3A_57 : vector<1000x256xf32>
    %add3A_59 = arith.addf %add3A_49, %mul3A_58 : vector<1000x256xf32>
    %get3A_60 = arith.constant 0 : index
    %get3A_61 = arith.constant 0 : index
    %get3A_62 = vector.load %arg10[%get3A_60, %get3A_61] : memref<1x256xf32, #tpu.memory_space<vmem>>, vector<1x256xf32>
    %add3A_63 = vector.broadcast %get3A_62 : vector<1x256xf32> to vector<1000x256xf32>
    %add3A_64 = arith.addf %add3A_59, %add3A_63 : vector<1000x256xf32>
    %max3A = arith.constant 0.000000e+00 : f32
    %max3A_65 = vector.broadcast %max3A : f32 to vector<1000x256xf32>
    %max3A_66 = arith.maximumf %add3A_64, %max3A_65 : vector<1000x256xf32>
    %get3A_67 = arith.constant 0 : index
    %get3A_68 = arith.constant 0 : index
    %get3A_69 = vector.load %arg11[%get3A_67, %get3A_68] : memref<256x128xf32, #tpu.memory_space<vmem>>, vector<256x128xf32>
    %dot_general3A_70 = arith.constant dense<0.000000e+00> : vector<1000x128xf32>
    %dot_general3A_71 = tpu.matmul %max3A_66, %get3A_69, %dot_general3A_70 {dimension_numbers = #tpu.dot_dimension_numbers<[1], [0], [0], [1], [0, 0, 1, 1], [], []>, transpose_lhs_hint = false} : vector<1000x256xf32>, vector<256x128xf32>, vector<1000x128xf32> -> vector<1000x128xf32>
    %swap3A = arith.constant 0 : index
    %swap3A_72 = arith.constant 0 : index
    %swap3A_73 = vector.load %arg17[%swap3A, %swap3A_72] : memref<1000x128xf32, #tpu.memory_space<vmem>>, vector<1000x128xf32>
    tpu.vector_store %arg17[%swap3A, %swap3A_72], %dot_general3A_71 {strides = array<i32>} : memref<1000x128xf32, #tpu.memory_space<vmem>>, vector<1000x128xf32>,
    %get3A_74 = arith.constant 0 : index
    %get3A_75 = arith.constant 0 : index
    %get3A_76 = vector.load %arg12[%get3A_74, %get3A_75] : memref<128x128xf32, #tpu.memory_space<vmem>>, vector<128x128xf32>
    %dot_general3A_77 = arith.constant dense<0.000000e+00> : vector<1000x128xf32>
    %dot_general3A_78 = tpu.matmul %add3A_19, %get3A_76, %dot_general3A_77 {dimension_numbers = #tpu.dot_dimension_numbers<[1], [0], [0], [1], [0, 0, 1, 1], [], []>, transpose_lhs_hint = false} : vector<1000x128xf32>, vector<128x128xf32>, vector<1000x128xf32> -> vector<1000x128xf32>
    %get3A_79 = arith.constant 0 : index
    %get3A_80 = arith.constant 0 : index
    %get3A_81 = vector.load %arg13[%get3A_79, %get3A_80] : memref<256x128xf32, #tpu.memory_space<vmem>>, vector<256x128xf32>
    %dot_general3A_82 = arith.constant dense<0.000000e+00> : vector<1000x128xf32>
    %dot_general3A_83 = tpu.matmul %max3A_66, %get3A_81, %dot_general3A_82 {dimension_numbers = #tpu.dot_dimension_numbers<[1], [0], [0], [1], [0, 0, 1, 1], [], []>, transpose_lhs_hint = false} : vector<1000x256xf32>, vector<256x128xf32>, vector<1000x128xf32> -> vector<1000x128xf32>
    %add3A_84 = arith.addf %dot_general3A_78, %dot_general3A_83 : vector<1000x128xf32>
    %get3A_85 = arith.constant 0 : index
    %get3A_86 = arith.constant 0 : index
    %get3A_87 = vector.load %arg14[%get3A_85, %get3A_86] : memref<1x128xf32, #tpu.memory_space<vmem>>, vector<1x128xf32>
    %get3A_88 = arith.constant 0 : index
    %get3A_89 = arith.constant 0 : index
    %get3A_90 = vector.load %arg15[%get3A_88, %get3A_89] : memref<1x128xf32, #tpu.memory_space<vmem>>, vector<1x128xf32>
    %add3A_91 = arith.addf %get3A_87, %get3A_90 : vector<1x128xf32>
    %mul3A_92 = vector.broadcast %add3A_30 : vector<1000x1xf32> to vector<1000x128xf32>
    %mul3A_93 = vector.broadcast %add3A_91 : vector<1x128xf32> to vector<1000x128xf32>
    %mul3A_94 = arith.mulf %mul3A_92, %mul3A_93 : vector<1000x128xf32>
    %add3A_95 = arith.addf %add3A_84, %mul3A_94 : vector<1000x128xf32>
    %get3A_96 = arith.constant 0 : index
    %get3A_97 = arith.constant 0 : index
    %get3A_98 = vector.load %arg16[%get3A_96, %get3A_97] : memref<1x128xf32, #tpu.memory_space<vmem>>, vector<1x128xf32>
    %add3A_99 = vector.broadcast %get3A_98 : vector<1x128xf32> to vector<1000x128xf32>
    %add3A_100 = arith.addf %add3A_95, %add3A_99 : vector<1000x128xf32>
    %swap3A_101 = arith.constant 0 : index
    %swap3A_102 = arith.constant 0 : index
    %swap3A_103 = vector.load %arg18[%swap3A_101, %swap3A_102] : memref<1000x128xf32, #tpu.memory_space<vmem>>, vector<1000x128xf32>
    tpu.vector_store %arg18[%swap3A_101, %swap3A_102], %add3A_100 {strides = array<i32>} : memref<1000x128xf32, #tpu.memory_space<vmem>>, vector<1000x128xf32>,
    return
  }
  func.func @transform_0(%arg0: i32) -> (i32, i32) {
    %c0_i32 = arith.constant 0 : i32
    %c0_i32_0 = arith.constant 0 : i32
    return %arg0, %c0_i32 : i32, i32
  }
  func.func @transform_1(%arg0: i32) -> (i32, i32, i32) {
    %c0_i32 = arith.constant 0 : i32
    %c0_i32_0 = arith.constant 0 : i32
    %c0_i32_1 = arith.constant 0 : i32
    return %c0_i32, %arg0, %c0_i32_0 : i32, i32, i32
  }
  func.func @transform_2(%arg0: i32) -> (i32, i32, i32) {
    %c0_i32 = arith.constant 0 : i32
    %c0_i32_0 = arith.constant 0 : i32
    %c0_i32_1 = arith.constant 0 : i32
    return %c0_i32, %arg0, %c0_i32_0 : i32, i32, i32
  }
  func.func @transform_3(%arg0: i32) -> (i32, i32, i32) {
    %c0_i32 = arith.constant 0 : i32
    %c0_i32_0 = arith.constant 0 : i32
    %c0_i32_1 = arith.constant 0 : i32
    return %c0_i32, %arg0, %c0_i32_0 : i32, i32, i32
  }
  func.func @transform_4(%arg0: i32) -> (i32, i32) {
    %c0_i32 = arith.constant 0 : i32
    %c0_i32_0 = arith.constant 0 : i32
    %c0_i32_1 = arith.constant 0 : i32
    return %c0_i32, %c0_i32_0 : i32, i32
  }
  func.func @transform_5(%arg0: i32) -> (i32, i32) {
    %c0_i32 = arith.constant 0 : i32
    %c0_i32_0 = arith.constant 0 : i32
    %c0_i32_1 = arith.constant 0 : i32
    return %c0_i32, %c0_i32_0 : i32, i32
  }
  func.func @transform_6(%arg0: i32) -> (i32, i32) {
    %c0_i32 = arith.constant 0 : i32
    %c0_i32_0 = arith.constant 0 : i32
    %c0_i32_1 = arith.constant 0 : i32
    return %c0_i32, %c0_i32_0 : i32, i32
  }
  func.func @transform_7(%arg0: i32) -> (i32, i32) {
    %c0_i32 = arith.constant 0 : i32
    %c0_i32_0 = arith.constant 0 : i32
    %c0_i32_1 = arith.constant 0 : i32
    return %c0_i32, %c0_i32_0 : i32, i32
  }
  func.func @transform_8(%arg0: i32) -> (i32, i32) {
    %c0_i32 = arith.constant 0 : i32
    %c0_i32_0 = arith.constant 0 : i32
    %c0_i32_1 = arith.constant 0 : i32
    return %c0_i32, %c0_i32_0 : i32, i32
  }
  func.func @transform_9(%arg0: i32) -> (i32, i32) {
    %c0_i32 = arith.constant 0 : i32
    %c0_i32_0 = arith.constant 0 : i32
    %c0_i32_1 = arith.constant 0 : i32
    return %c0_i32, %c0_i32_0 : i32, i32
  }
  func.func @transform_10(%arg0: i32) -> (i32, i32) {
    %c0_i32 = arith.constant 0 : i32
    %c0_i32_0 = arith.constant 0 : i32
    %c0_i32_1 = arith.constant 0 : i32
    return %c0_i32, %c0_i32_0 : i32, i32
  }
  func.func @transform_11(%arg0: i32) -> (i32, i32) {
    %c0_i32 = arith.constant 0 : i32
    %c0_i32_0 = arith.constant 0 : i32
    %c0_i32_1 = arith.constant 0 : i32
    return %c0_i32, %c0_i32_0 : i32, i32
  }
  func.func @transform_12(%arg0: i32) -> (i32, i32) {
    %c0_i32 = arith.constant 0 : i32
    %c0_i32_0 = arith.constant 0 : i32
    %c0_i32_1 = arith.constant 0 : i32
    return %c0_i32, %c0_i32_0 : i32, i32
  }
  func.func @transform_13(%arg0: i32) -> (i32, i32) {
    %c0_i32 = arith.constant 0 : i32
    %c0_i32_0 = arith.constant 0 : i32
    %c0_i32_1 = arith.constant 0 : i32
    return %c0_i32, %c0_i32_0 : i32, i32
  }
  func.func @transform_14(%arg0: i32) -> (i32, i32) {
    %c0_i32 = arith.constant 0 : i32
    %c0_i32_0 = arith.constant 0 : i32
    %c0_i32_1 = arith.constant 0 : i32
    return %c0_i32, %c0_i32_0 : i32, i32
  }
  func.func @transform_15(%arg0: i32) -> (i32, i32) {
    %c0_i32 = arith.constant 0 : i32
    %c0_i32_0 = arith.constant 0 : i32
    %c0_i32_1 = arith.constant 0 : i32
    return %c0_i32, %c0_i32_0 : i32, i32
  }
  func.func @transform_16(%arg0: i32) -> (i32, i32) {
    %c0_i32 = arith.constant 0 : i32
    %c0_i32_0 = arith.constant 0 : i32
    return %arg0, %c0_i32 : i32, i32
  }
  func.func @transform_17(%arg0: i32) -> (i32, i32) {
    %c0_i32 = arith.constant 0 : i32
    %c0_i32_0 = arith.constant 0 : i32
    return %arg0, %c0_i32 : i32, i32
  }
}

</mosaic_0001>

<sc_bundles>
// kernel: kernel.6.cloned.1.call-start
scs
__scs_entry_jumppad:
0x0: {  	(pc) =	sbr.rel $0x88, $3  }
0x1: {  	(tag) =	ssettag $0x0;
	lr =	simm.s32 $0x1  }
0x2: {  	[smem:$0x3F92] =	sst lr;
	_ =	strace $0xD0000000  }
0x3: {  	_ = 	snop  }
0x4: {  	_ = 	snop  }
0x5: {  	_ = 	snop  }
0x6: {  	_ = 	snop  }
0x7: {  	_ = 	snop  }
__scs_overlays_trampoline_lowered:
0x8: {  	[smem:$0x3FA1] =	sst s0  }
0x9: {  	[smem:$0x3FA2] =	sst s1  }
0xa: {  	[smem:$0x3FA3] =	sst s2  }
0xb: {  	[smem:$0x3FA4] =	sst s3  }
0xc: {  	[smem:$0x3FA5] =	sst s4  }
0xd: {  	[smem:$0x3FA6] =	sst s5  }
0xe: {  	[smem:$0x3FA7] =	sst s6  }
0xf: {  	[smem:$0x3FA8] =	sst s7  }
0x10: {  	[smem:$0x3FA9] =	sst s8  }
0x11: {  	[smem:$0x3FAA] =	sst s9;
	s0 =	simm.s32 @!p0 $0x0  }
0x12: {  	s1 =	sld [smem:$0x3F90];
	s0 =	simm.s32 @p0 $0x1  }
0x13: {  	[smem:$0x3FAB] =	sst s0;
	s0 =	simm.s32 @!p1 $0x0  }
0x14: {  	s2 =	sld [smem:$0x3F8F];
	s0 =	simm.s32 @p1 $0x1  }
0x15: {  	[smem:$0x3FAC] =	sst s0;
	s0 =	simm.s32 @!p2 $0x0  }
0x16: {  	s3 =	sld [smem:$0x3FDB];
	s0 =	simm.s32 @p2 $0x1  }
0x17: {  	s4 =	simm.s32 $0x1BF5;
	[smem:$0x3FAE] =	sst s0  }
0x18: {  	s0 =	sld [smem:$0x3F91];
	_ =	swait.ge [sflag:s4], $0x0  }
0x19: {  	s7 =	sld [smem:$0x3F92]  }
0x1a: {  	s8 =	sadd.s32 $0xFFFFE003, lr  }
0x1b: {  	s9 =	sadd.s32 $0xFFFFFEF7, lr;
	s5 =	simm.s32 $0xFFFFFFFF;
	p2 =	slt.u32 s8, $0xFFFFF086  }
0x1c: {  	p1 =	slt.u32 s9, $0xF7A;
	s5 =	simm.s32 @!p2 $0x0  }
0x1d: {  	s5 =	simm.s32 @p1 $0x1;
	p0 =	seq.s32 s7, s2  }
0x1e: {  	s7 =	smul.u32 @!p0 $0xF7A, s2;
	p2 =	seq.s32 @!p0 s5, $0x0  }
0x1f: {  	s9 =	smul.u32 $0xF7A, s1;
	s8 =	simm.s32 @!p0 $0x1BF5;
	p2 =	por !p2, p0  }
0x20: {  	[sflag:s8] =	ssyncset.s32 @!p0 $0xFFFFF086;
	s6 =	sadd.s32 @!p0 s3, s7;
	s7 =	simm.s32 @!p0 $0x108  }
0x21: {  	s3 =	sadd.s32 s3, s9;
	s6 =	sadd.s32 @!p0 $0x88, s6;
	s7 =	simm.s32 @p2 $0x1082  }
0x22: {  	[simem:s7], [sflag:s8] =	dma.local @!p0 [hbm:s6], $0xF7A  }
0x23: {  	s9 =	sor.u32 $0xD0000000, s2;
	s6 =	simm.s32 $0x108;
	_ =	swait.ge @!p0 [sflag:s8], $0x0  }
0x24: {  	s3 =	sadd.s32 $0x88, s3;
	s6 =	simm.s32 @!p1 $0x1082;
	[sflag:s4] =	ssyncset.s32 $0xFFFFF086  }
0x25: {  	[simem:s6], [sflag:s4] =	dma.local [hbm:s3], $0xF7A  }
0x26: {  	[smem:$0x3F92] =	sst s1;
	(tag) =	ssettag s2;
	_ =	strace s9  }
0x27: {  	s1 =	sld [smem:$0x3FA2]  }
0x28: {  	s2 =	sld [smem:$0x3FA3]  }
0x29: {  	s4 =	sld [smem:$0x3FA5]  }
0x2a: {  	p0 =	seq.s32 s5, $0x0;
	s5 =	sld [smem:$0x3FA6]  }
0x2b: {  	s6 =	sld [smem:$0x3FA7]  }
0x2c: {  	s7 =	sld [smem:$0x3FA8]  }
0x2d: {  	s3 =	simm.s32 $0x108;
	s8 =	sld [smem:$0x3FA9]  }
0x2e: {  	s3 =	simm.s32 @!p0 $0x1082;
	s9 =	sld [smem:$0x3FAA]  }
0x2f: {  	lr =	sadd.s32 s0, s3;
	s0 =	sld [smem:$0x3FA1]  }
0x30: {  	s3 =	sld [smem:$0x3FA4]  }
0x31: {  	[smem:$0x3FAD] =	sst s10  }
0x32: {  	s10 =	sld [smem:$0x3FAB];
	_ =	sdelay $0x3  }
0x33: {  	p0 =	seq.s32 s10, $0x1;
	s10 =	sld [smem:$0x3FAD];
	_ =	sdelay $0x3  }
0x34: {  	[smem:$0x3FAD] =	sst s10  }
0x35: {  	s10 =	sld [smem:$0x3FAC];
	_ =	sdelay $0x3  }
0x36: {  	p1 =	seq.s32 s10, $0x1;
	s10 =	sld [smem:$0x3FAD];
	_ =	sdelay $0x3  }
0x37: {  	[smem:$0x3FAD] =	sst s10  }
0x38: {  	s10 =	sld [smem:$0x3FAE]  }
0x39: {  	_ = 	snop;
	(pc) =	sbr.ind lr, $3  }
0x3a: {  	_ = 	snop  }
0x3b: {  	_ = 	snop  }
0x3c: {  	p2 =	seq.s32 s10, $0x1;
	s10 =	sld [smem:$0x3FAD]  }
0x3d: {  	_ =	shalt  }
0x3e: {  	_ =	shalt  }
0x3f: {  	_ =	shalt  }
0x40: {  	_ =	shalt  }
0x41: {  	_ =	shalt  }
0x42: {  	_ =	shalt  }
0x43: {  	_ =	shalt  }
0x44: {  	_ =	shalt  }
0x45: {  	_ =	shalt  }
0x46: {  	_ =	shalt  }
0x47: {  	_ =	shalt  }
0x48: {  	_ =	shalt  }
0x49: {  	_ =	shalt  }
0x4a: {  	_ =	shalt  }
0x4b: {  	_ =	shalt  }
0x4c: {  	_ =	shalt  }
0x4d: {  	_ =	shalt  }
0x4e: {  	_ =	shalt  }
0x4f: {  	_ =	shalt  }
0x50: {  	_ =	shalt  }
0x51: {  	_ =	shalt  }
0x52: {  	_ =	shalt  }
0x53: {  	_ =	shalt  }
0x54: {  	_ =	shalt  }
0x55: {  	_ =	shalt  }
0x56: {  	_ =	shalt  }
0x57: {  	_ =	shalt  }
0x58: {  	_ =	shalt  }
0x59: {  	_ =	shalt  }
0x5a: {  	_ =	shalt  }
0x5b: {  	_ =	shalt  }
0x5c: {  	_ =	shalt  }
0x5d: {  	_ =	shalt  }
0x5e: {  	_ =	shalt  }
0x5f: {  	_ =	shalt  }
0x60: {  	_ =	shalt  }
0x61: {  	_ =	shalt  }
0x62: {  	_ =	shalt  }
0x63: {  	_ =	shalt  }
0x64: {  	_ =	shalt  }
0x65: {  	_ =	shalt  }
0x66: {  	_ =	shalt  }
0x67: {  	_ =	shalt  }
0x68: {  	_ =	shalt  }
0x69: {  	_ =	shalt  }
0x6a: {  	_ =	shalt  }
0x6b: {  	_ =	shalt  }
0x6c: {  	_ =	shalt  }
0x6d: {  	_ =	shalt  }
0x6e: {  	_ =	shalt  }
0x6f: {  	_ =	shalt  }
0x70: {  	_ =	shalt  }
0x71: {  	_ =	shalt  }
0x72: {  	_ =	shalt  }
0x73: {  	_ =	shalt  }
0x74: {  	_ =	shalt  }
0x75: {  	_ =	shalt  }
0x76: {  	_ =	shalt  }
0x77: {  	_ =	shalt  }
0x78: {  	_ =	shalt  }
0x79: {  	_ =	shalt  }
0x7a: {  	_ =	shalt  }
0x7b: {  	_ =	shalt  }
0x7c: {  	_ =	shalt  }
0x7d: {  	_ =	shalt  }
0x7e: {  	_ =	shalt  }
0x7f: {  	_ =	shalt  }
0x80: {  	_ =	shalt  }
0x81: {  	_ =	shalt  }
0x82: {  	_ =	shalt  }
0x83: {  	_ =	shalt  }
0x84: {  	_ =	shalt  }
0x85: {  	_ =	shalt  }
0x86: {  	_ =	shalt  }
0x87: {  	_ =	shalt  }
.Lfunc_end0:
.L_simem_size_0:
called_computation_lowered:
.L_overlay_start_0:
0x88: {  	s2 =	sld [smem:$0x3FD9]  }
0x89: {  	s3 =	sld [smem:$0x3FFE];
	_ =	sdelay $0x1  }
0x8a: {  	s1 =	srdreg.scid  }
0x8b: {  	s0 =	sand.u32 $0x1, s1  }
0x8c: {  	s17 =	sshll.u32 s0, $0xA;
	s2 =	sadd.s32 s3, s2  }
0x8d: {  	s2 =	sadd.s32 s2, s17  }
0x8e: {  	[smem:$0x3FB9] =	sst s2  }
0x8f: {  	_ = 	snop  }
0x90: {  	s2 =	sld [smem:$0x3FC9]  }
0x91: {  	s18 =	sld [smem:$0x3FC7];
	(tm) =	ssettm $0x1  }
0x92: {  	s4 =	sld [smem:$0x3FFB];
	_ =	sdelay $0x3  }
0x93: {  	_ =	strace s4  }
0x94: {  	s4 =	sld [smem:$0x3FFC];
	_ =	sdelay $0x3  }
0x95: {  	_ =	strace s4  }
0x96: {  	s4 =	sld [smem:$0x3FFD];
	_ =	sdelay $0x3  }
0x97: {  	_ =	strace s4  }
0x98: {  	_ =	strace $0x8FFFFFFF  }
0x99: {  	s19 =	sld [smem:$0x3FDB];
	_ =	sdelay $0x1  }
0x9a: {  	s5 =	simm.s32 $_scs_section_size  }
0x9b: {  	s6 =	simm.s32 $_size__tile_overlayer_lowered;
	s7 =	simm.s32 $_tile_overlayer_lowered  }
0x9c: {  	s22 =	simm.s32 $0x1BFF;
	s21 =	sshll.u32 s7, $0x1;
	s4 =	sadd.s32 s5, s19  }
0x9d: {  	s8 =	simm.s32 $0x0;
	s20 =	sshll.u32 s6, $0x1;
	s6 =	sadd.s32 s21, s4  }
0x9e: {  	[timem:s8], [sflag:s22] =	dma.local [hbm:s6], s20  }
0x9f: {  	_ =	swait.ge [sflag:s22], s20  }
0xa0: {  	s5 =	ssub.s32 $0x0, s20;
	[sflag:s22] =	ssyncset.done $0x0  }
0xa1: {  	[sflag:s22] =	ssyncadd.s32 s5;
	_ =	sdelay $0x1  }
0xa2: {  	s23 =	simm.s32 $0x1B8B  }
0xa3: {  	_ =	swait.ge [sflag:s23], $0x1  }
0xa4: {  	[sflag:s23] =	ssyncset.done $0x0  }
0xa5: {  	s25 =	simm.s32 $0x1B8E;
	s24 =	sld [smem:$0x3FFE];
	[sflag:s23] =	ssyncadd.s32 $0xFFFFFFFF  }
0xa6: {  	s26 =	simm.s32 $execute0_lowered;
	[smem:$0x3FD2] =	sst s25  }
0xa7: {  	s6 =	sshll.u32 s26, $0x1;
	_ =	strace $0x80000046;
	[dreg:$0x1] =	wrdreg $0xFFFFFFFF  }
0xa8: {  	s28 =	simm.s32 $_size_execute0_lowered;
	s4 =	sadd.s32 s4, s6;
	[dreg:$0x0] =	wrdreg $0x0  }
0xa9: {  	s6 =	sshll.u32 s28, $0x1;
	[dreg:$0x2] =	wrdreg s4  }
0xaa: {  	[dreg:$0x3] =	wrdreg s6  }
0xab: {  	[dreg:$0x4] =	wrdreg $0xC0  }
0xac: {  	_ =	task [dreg:s8], $0x5FFFF  }
0xad: {  	[dreg:$0x1] =	wrdreg $0xFFFFFFFF  }
0xae: {  	[dreg:$0x0] =	wrdreg $0x60  }
0xaf: {  	[dreg:$0x2] =	wrdreg s24  }
0xb0: {  	[dreg:$0x3] =	wrdreg s2  }
0xb1: {  	[dreg:$0x4] =	wrdreg s18  }
0xb2: {  	[dreg:$0x5] =	wrdreg $0x0  }
0xb3: {  	[dreg:$0x6] =	wrdreg $0x9  }
0xb4: {  	_ =	task.clear_ibuf [dreg:s8], $0x7FFFF;
	_ =	strace $0x90000046  }
0xb5: {  	s29 =	simm.s32 $0x9;
	_ =	strace $0x80000048  }
0xb6: {  	_ =	swait.ge [sflag:s29], $0x1  }
0xb7: {  	[sflag:s29] =	ssyncadd.s32 $0xFFFFFFFF  }
0xb8: {  	_ =	strace $0x90000048  }
0xb9: {  	_ =	sfence  }
0xba: {  	s30 =	sld [smem:$0x0];
	_ =	sdelay $0x2  }
0xbb: {  	s31 =	sshll.u32 s1, $0xD;
	s1 =	sshrl.u32 s1, $0x2  }
0xbc: {  	s3 =	sand.u32 $0x4000, s31;
	s1 =	sadd.s32 s1, s30  }
0xbd: {  	s0 =	sor.u32 s3, s0;
	s1 =	sshll.u32 s1, $0x11  }
0xbe: {  	s0 =	sor.u32 s1, s0  }
0xbf: {  	s0 =	sadd.s32 $0x8F2B, s0  }
0xc0: {  	[sflag:s0] =	ssyncadd.remote.s32 $0x1  }
0xc1: {  	_ =	sfence.sel $0xFFFF  }
0xc2: {  	[dreg:$0x0] =	wrdreg $0xFFFFFFFF;
	(pc) =	sbr.abs _section_cstart, $3  }
0xc3: {  	[dreg:$0x1] =	wrdreg $0xFFFFFFFF  }
0xc4: {  	_ =	task.clear_ibuf [dreg:s8], $0x2FFFF;
	_ =	strace $0x9FFFFFFF  }
0xc5: {  	(tm) =	ssettm $0x7FFFFFFF  }
tec
execute0_lowered:
.L_overlay_start_1:
0x0: {  	(tag) =	ssettag $0x1  }
0x1: {  	s20 =	stileid.u32  }
0x2: {  	s0 =	srdreg.scid;
	s2 =	smul.u32 $0x2710, s20  }
0x3: {  	s0 =	sand.u32 $0x1, s0;
	s7 =	smul.u32 $0x14000, s20  }
0x4: {  	s3 =	rddreg [dreg:$0x0];
	s30 =	simm.s32 $0x14000;
	s1 =	smul.u32 $0x27100, s0  }
0x5: {  	s31 =	simm.s32 $0x2;
	s5 =	sadd.s32 $0x16000, s3;
	s10 =	smul.u32 $0x140000, s0  }
0x6: {  	s8 =	sadd.s32 $0x66000, s3;
	s6 =	ssub.s32 $0x2, s0;
	s0 =	smul.u32 $0x271000, s0  }
0x7: {  	s9 =	sshrl.u32 s6, $0x1;
	s17 =	sadd.s32 $0x8000, s7;
	s24 =	sadd.s32 $0xC000, s7  }
0x8: {  	s4 =	sadd.s32 s2, s1;
	s1 =	rddreg [dreg:$0x1];
	s2 =	simm.s32 $0x0  }
0x9: {  	s6 =	ssub.s32 s6, s9;
	s9 =	sadd.s32 $0x4000, s7;
	s11 =	sadd.s32 s7, s10  }
0xa: {  	s7 =	sadd.s32 $0x10000, s7;
	s22 =	sadd.s32 s10, s17;
	s23 =	sadd.s32 s10, s24  }
0xb: {  	s4 =	sshrl.u32 s4, $0x3;
	[smem:$0x7FF] =	sst s2;
	s12 =	sadd.s32 s10, s9  }
0xc: {  	s13 =	sshrl.u32 s11, $0x3;
	s10 =	sadd.s32 s10, s7;
	s15 =	sshrl.u32 s22, $0x3  }
0xd: {  	s16 =	sshrl.u32 s23, $0x3;
	s22 =	rddreg [dreg:$0x2];
	s23 =	smul.u32 $0x50000, s20  }
0xe: {  	s4 =	sadd.s32 s4, s3;
	s3 =	sadd.s32 $0xB6000, s3;
	s11 =	sadd.s32 s5, s13  }
0xf: {  	s14 =	sshrl.u32 s12, $0x3;
	s25 =	sadd.s32 s5, s15;
	[dreg:$0x5] =	wrdreg s11  }
0x10: {  	s18 =	sshrl.u32 s10, $0x3;
	s26 =	sadd.s32 s5, s16;
	[dreg:$0x7] =	wrdreg s25  }
0x11: {  	s19 =	sadd.s32 s8, s15;
	s0 =	sadd.s32 s0, s22;
	[dreg:$0x8] =	wrdreg s26  }
0x12: {  	s21 =	sadd.s32 s5, s14;
	s5 =	sadd.s32 s5, s18;
	[dreg:$0xc] =	wrdreg s19  }
0x13: {  	s11 =	sadd.s32 s8, s13;
	s12 =	sadd.s32 s8, s14;
	s19 =	rddreg [dreg:$0x3]  }
0x14: {  	s13 =	sadd.s32 s3, s13;
	s14 =	sadd.s32 s3, s14;
	[dreg:$0x6] =	wrdreg s21  }
0x15: {  	s15 =	sadd.s32 s3, s15;
	s25 =	smul.u32 $0x27100, s20;
	[dreg:$0x9] =	wrdreg s5  }
0x16: {  	s26 =	sshrl.u32 s23, $0x2;
	s28 =	sadd.s32 $0x2400, s4;
	[dreg:$0xa] =	wrdreg s11  }
0x17: {  	s29 =	sadd.s32 $0xC200, s4;
	s4 =	simm.s32 $0x18000;
	[dreg:$0xb] =	wrdreg s12  }
0x18: {  	s21 =	sadd.s32 s8, s16;
	s12 =	sadd.s32 s8, s18;
	s16 =	sadd.s32 s3, s16  }
0x19: {  	s18 =	sadd.s32 s3, s18;
	s22 =	sadd.s32 s9, s19;
	s23 =	sadd.s32 s17, s19  }
0x1a: {  	s24 =	sadd.s32 s24, s19;
	s17 =	simm.s32 $0x1A800;
	s3 =	simm.s32 $0x50  }
0x1b: {  	s5 =	simm.s32 $0x1;
	[dreg:$0xd] =	wrdreg s21;
	s20 =	sadd.s32 s25, s0  }
0x1c: {  	s21 =	sadd.s32 s26, s19;
	s25 =	sadd.s32 s7, s19;
	s26 =	smax.u32 s6, $0x1  }
0x1d: {  	v0 =	vimm.f32 $0.0e+00;
	v1 =	vimm.f32 $1.000000000e+00;
	s0 =	simm.s32 $0x1A880;
	s6 =	simm.s32 $0x0;
	_ =	strace $0x80000047  }
.LBB2_1:
0x1e: {  	s7 =	simm.s32 $0x0;
	s8 =	simm.s32 $0x200  }
.LBB2_2:
0x1f: {  	p0 =	sne.s32 s8, $0xFE00;
	[tilespmem:s7+$0x14070] =	vst v0  }
0x20: {  	[tilespmem:s7+$0x14000] =	vst v0  }
0x21: {  	[tilespmem:s7+$0x14010] =	vst v0  }
.Ltmp0:
0x22: {  	[tilespmem:s7+$0x14020] =	vst v0;
	(pc) =	sbr.rel @p0 .LBB2_2-.Ltmp0, $4  }
0x23: {  	[tilespmem:s7+$0x14030] =	vst v0  }
0x24: {  	[tilespmem:s7+$0x14040] =	vst v0  }
0x25: {  	[tilespmem:s7+$0x14050] =	vst v0  }
0x26: {  	[tilespmem:s7+$0x14060] =	vst v0;
	s7 =	sshra.s32 s8, $0x2;
	s8 =	sadd.s32 $0x200, s8  }
0x27: {  	[tilespmem:s7+$0x14070] =	vst v0  }
0x28: {  	[tilespmem:s7+$0x14000] =	vst v0  }
0x29: {  	[tilespmem:s7+$0x14010] =	vst v0  }
0x2a: {  	[tilespmem:s7+$0x14020] =	vst v0  }
0x2b: {  	[tilespmem:s7+$0x14030] =	vst v0  }
0x2c: {  	[tilespmem:s7+$0x14040] =	vst v0  }
0x2d: {  	[tilespmem:s7+$0x14050] =	vst v0  }
0x2e: {  	[tilespmem:s7+$0x14060] =	vst v0  }
0x2f: {  	[spmem:s21] =	stream.linear.scatter [tilespmem:s30], [sflag:$0x2], $0x4000, $0x38;
	[tilespmem:$0x1A900] =	vst v63  }
0x30: {  	_ =	swait.ge [sflag:s31], $0x4000  }
0x31: {  	[sflag:s31] =	ssyncset.done $0x0  }
0x32: {  	[sflag:s31] =	ssyncadd.s32 $0xFFFFC000  }
0x33: {  	[spmem:s22] =	stream.linear.scatter [tilespmem:s30], [sflag:$0x2], $0x4000, $0x38;
	[tilespmem:$0x1A900] =	vst v63  }
0x34: {  	_ =	swait.ge [sflag:s31], $0x4000  }
0x35: {  	[sflag:s31] =	ssyncset.done $0x0  }
0x36: {  	[sflag:s31] =	ssyncadd.s32 $0xFFFFC000  }
0x37: {  	[spmem:s23] =	stream.linear.scatter [tilespmem:s30], [sflag:$0x2], $0x4000, $0x38;
	[tilespmem:$0x1A900] =	vst v63  }
0x38: {  	_ =	swait.ge [sflag:s31], $0x4000  }
0x39: {  	[sflag:s31] =	ssyncset.done $0x0  }
0x3a: {  	[sflag:s31] =	ssyncadd.s32 $0xFFFFC000  }
0x3b: {  	[spmem:s24] =	stream.linear.scatter [tilespmem:s30], [sflag:$0x2], $0x4000, $0x38;
	[tilespmem:$0x1A900] =	vst v63  }
0x3c: {  	_ =	swait.ge [sflag:s31], $0x4000  }
0x3d: {  	[sflag:s31] =	ssyncset.done $0x0  }
0x3e: {  	[sflag:s31] =	ssyncadd.s32 $0xFFFFC000  }
0x3f: {  	[spmem:s25] =	stream.linear.scatter [tilespmem:s30], [sflag:$0x2], $0x4000, $0x38;
	[tilespmem:$0x1A900] =	vst v63  }
0x40: {  	_ =	swait.ge [sflag:s31], $0x4000  }
0x41: {  	[sflag:s31] =	ssyncset.done $0x0  }
0x42: {  	[sflag:s31] =	ssyncadd.s32 $0xFFFFC000  }
0x43: {  	s10 =	sadd.s32 $0x0, s29;
	[bflag:$0x0] =	sbarrier.arrive $0xFFFF  }
0x44: {  	[tilespmem:s17], [sflag:$0x2] =	stream.linear.gather [hbm4b:s10+s2], $0x50, $0x38;
	[tilespmem:$0x1A900] =	vst v63  }
0x45: {  	_ =	swait.ge [sflag:s31], $0x50  }
0x46: {  	[sflag:s31] =	ssyncset.done $0x0  }
0x47: {  	s11 =	sadd.s32 $0x0, s28;
	[sflag:s31] =	ssyncadd.s32 $0xFFFFFFB0  }
0x48: {  	[tilespmem:s0], [sflag:$0x2] =	stream.linear.gather [hbm4b:s11+s2], $0x50, $0x38;
	[tilespmem:$0x1A900] =	vst v63  }
0x49: {  	_ =	swait.ge [sflag:s31], $0x50  }
0x4a: {  	[sflag:s31] =	ssyncset.done $0x0  }
0x4b: {  	[sflag:s31] =	ssyncadd.s32 $0xFFFFFFB0  }
0x4c: {  	[tilespmem:s4], [sflag:$0x1] =	stream.indirect.gather [hbm4b:s1+s3], $0x80, s17, s3, $0xb8;
	[tilespmem:$0x1A900] =	vst v63  }
0x4d: {  	_ =	swait.ge [sflag:s5], $0x2800  }
0x4e: {  	[sflag:s5] =	ssyncset.done $0x0  }
0x4f: {  	[sflag:s5] =	ssyncadd.s32 $0xFFFFD800  }
0x50: {  	[spmem:s19] =	stream.indirect.scatter.add.f32 [tilespmem:s4], [sflag:$0x2], $0x80, s0, s3, $0xb8;
	[tilespmem:$0x1A900] =	vst v63  }
0x51: {  	_ =	swait.ge [sflag:s31], $0x2800  }
0x52: {  	s7 =	simm.s32 $0xA;
	s8 =	simm.s32 $0x14;
	[sflag:s31] =	ssyncset.done $0x0  }
.LBB2_4:
0x53: {  	s9 =	sadd.s32 s7, s29  }
0x54: {  	[sflag:s31] =	ssyncadd.s32 $0xFFFFD800;
	s10 =	smov.u32 s8;
	s11 =	sadd.s32 $0xA, s8  }
0x55: {  	[tilespmem:s17], [sflag:$0x2] =	stream.linear.gather [hbm4b:s9+s2], $0x50, $0x38;
	[tilespmem:$0x1A900] =	vst v63  }
0x56: {  	p0 =	sne.s32 s8, $0x4D8;
	_ =	swait.ge [sflag:s31], $0x50  }
0x57: {  	[sflag:s31] =	ssyncset.done $0x0  }
0x58: {  	s8 =	sadd.s32 s7, s28;
	s7 =	smov.u32 s10;
	[sflag:s31] =	ssyncadd.s32 $0xFFFFFFB0  }
0x59: {  	[tilespmem:s0], [sflag:$0x2] =	stream.linear.gather [hbm4b:s8+s2], $0x50, $0x38;
	[tilespmem:$0x1A900] =	vst v63  }
0x5a: {  	_ =	swait.ge [sflag:s31], $0x50  }
0x5b: {  	[sflag:s31] =	ssyncset.done $0x0  }
0x5c: {  	[sflag:s31] =	ssyncadd.s32 $0xFFFFFFB0  }
0x5d: {  	[tilespmem:s4], [sflag:$0x1] =	stream.indirect.gather [hbm4b:s1+s3], $0x80, s17, s3, $0xb8;
	[tilespmem:$0x1A900] =	vst v63  }
0x5e: {  	_ =	swait.ge [sflag:s5], $0x2800  }
.Ltmp1:
0x5f: {  	[sflag:s5] =	ssyncset.done $0x0;
	(pc) =	sbr.rel @p0 .LBB2_4-.Ltmp1, $4  }
0x60: {  	[sflag:s5] =	ssyncadd.s32 $0xFFFFD800  }
0x61: {  	[spmem:s19] =	stream.indirect.scatter.add.f32 [tilespmem:s4], [sflag:$0x2], $0x80, s0, s3, $0xb8;
	[tilespmem:$0x1A900] =	vst v63  }
0x62: {  	_ =	swait.ge [sflag:s31], $0x2800  }
0x63: {  	s8 =	smov.u32 s11;
	[sflag:s31] =	ssyncset.done $0x0  }
0x64: {  	s8 =	sadd.s32 s7, s29;
	[sflag:s31] =	ssyncadd.s32 $0xFFFFD800  }
0x65: {  	[tilespmem:s17], [sflag:$0x2] =	stream.linear.gather [hbm4b:s8+s2], $0x50, $0x38;
	[tilespmem:$0x1A900] =	vst v63  }
0x66: {  	_ =	swait.ge [sflag:s31], $0x50  }
0x67: {  	[sflag:s31] =	ssyncset.done $0x0  }
0x68: {  	s9 =	sadd.s32 s7, s28;
	[sflag:s31] =	ssyncadd.s32 $0xFFFFFFB0  }
0x69: {  	[tilespmem:s0], [sflag:$0x2] =	stream.linear.gather [hbm4b:s9+s2], $0x50, $0x38;
	[tilespmem:$0x1A900] =	vst v63  }
0x6a: {  	_ =	swait.ge [sflag:s31], $0x50  }
0x6b: {  	[sflag:s31] =	ssyncset.done $0x0  }
0x6c: {  	[sflag:s31] =	ssyncadd.s32 $0xFFFFFFB0  }
0x6d: {  	[tilespmem:s4], [sflag:$0x1] =	stream.indirect.gather [hbm4b:s1+s3], $0x80, s17, s3, $0xb8;
	[tilespmem:$0x1A900] =	vst v63  }
0x6e: {  	_ =	swait.ge [sflag:s5], $0x2800  }
0x6f: {  	[sflag:s5] =	ssyncset.done $0x0  }
0x70: {  	[sflag:s5] =	ssyncadd.s32 $0xFFFFD800  }
0x71: {  	[spmem:s19] =	stream.indirect.scatter.add.f32 [tilespmem:s4], [sflag:$0x2], $0x80, s0, s3, $0xb8;
	[tilespmem:$0x1A900] =	vst v63  }
0x72: {  	_ =	swait.ge [sflag:s31], $0x2800  }
0x73: {  	[sflag:s31] =	ssyncset.done $0x0  }
0x74: {  	[sflag:s31] =	ssyncadd.s32 $0xFFFFD800  }
0x75: {  	[bflag:$0x0] =	sbarrier.arrive $0xFFFF  }
0x76: {  	[tilespmem:s30], [sflag:$0x2] =	stream.linear.gather [spmem:s21], $0x4000, $0x38;
	[tilespmem:$0x1A900] =	vst v63  }
0x77: {  	_ =	swait.ge [sflag:s31], $0x4000  }
0x78: {  	[sflag:s31] =	ssyncset.done $0x0  }
0x79: {  	s7 =	simm.s32 $0x0;
	s10 =	rddreg [dreg:$0x5];
	[sflag:s31] =	ssyncadd.s32 $0xFFFFC000  }
0x7a: {  	[hbm4b:s10+s7] =	stream.linear.scatter [tilespmem:s30], [sflag:$0x2], $0x4000, $0x38;
	[tilespmem:$0x1A900] =	vst v63  }
0x7b: {  	_ =	swait.ge [sflag:s31], $0x4000  }
0x7c: {  	[sflag:s31] =	ssyncset.done $0x0  }
0x7d: {  	[sflag:s31] =	ssyncadd.s32 $0xFFFFC000  }
0x7e: {  	[tilespmem:s30], [sflag:$0x2] =	stream.linear.gather [spmem:s22], $0x4000, $0x38;
	[tilespmem:$0x1A900] =	vst v63  }
0x7f: {  	_ =	swait.ge [sflag:s31], $0x4000  }
0x80: {  	[sflag:s31] =	ssyncset.done $0x0  }
0x81: {  	s11 =	rddreg [dreg:$0x6];
	[sflag:s31] =	ssyncadd.s32 $0xFFFFC000  }
0x82: {  	[hbm4b:s11+s7] =	stream.linear.scatter [tilespmem:s30], [sflag:$0x2], $0x4000, $0x38;
	[tilespmem:$0x1A900] =	vst v63  }
0x83: {  	_ =	swait.ge [sflag:s31], $0x4000  }
0x84: {  	[sflag:s31] =	ssyncset.done $0x0  }
0x85: {  	[sflag:s31] =	ssyncadd.s32 $0xFFFFC000  }
0x86: {  	[tilespmem:s30], [sflag:$0x2] =	stream.linear.gather [spmem:s23], $0x4000, $0x38;
	[tilespmem:$0x1A900] =	vst v63  }
0x87: {  	_ =	swait.ge [sflag:s31], $0x4000  }
0x88: {  	[sflag:s31] =	ssyncset.done $0x0  }
0x89: {  	s9 =	rddreg [dreg:$0x7];
	[sflag:s31] =	ssyncadd.s32 $0xFFFFC000  }
0x8a: {  	[hbm4b:s9+s7] =	stream.linear.scatter [tilespmem:s30], [sflag:$0x2], $0x4000, $0x38;
	[tilespmem:$0x1A900] =	vst v63  }
0x8b: {  	_ =	swait.ge [sflag:s31], $0x4000  }
0x8c: {  	[sflag:s31] =	ssyncset.done $0x0  }
0x8d: {  	[sflag:s31] =	ssyncadd.s32 $0xFFFFC000  }
0x8e: {  	[tilespmem:s30], [sflag:$0x2] =	stream.linear.gather [spmem:s24], $0x4000, $0x38;
	[tilespmem:$0x1A900] =	vst v63  }
0x8f: {  	_ =	swait.ge [sflag:s31], $0x4000  }
0x90: {  	[sflag:s31] =	ssyncset.done $0x0  }
0x91: {  	s10 =	rddreg [dreg:$0x8];
	[sflag:s31] =	ssyncadd.s32 $0xFFFFC000  }
0x92: {  	[hbm4b:s10+s7] =	stream.linear.scatter [tilespmem:s30], [sflag:$0x2], $0x4000, $0x38;
	[tilespmem:$0x1A900] =	vst v63  }
0x93: {  	_ =	swait.ge [sflag:s31], $0x4000  }
0x94: {  	[sflag:s31] =	ssyncset.done $0x0  }
0x95: {  	[sflag:s31] =	ssyncadd.s32 $0xFFFFC000  }
0x96: {  	[tilespmem:s30], [sflag:$0x2] =	stream.linear.gather [spmem:s25], $0x4000, $0x38;
	[tilespmem:$0x1A900] =	vst v63  }
0x97: {  	_ =	swait.ge [sflag:s31], $0x4000  }
0x98: {  	[sflag:s31] =	ssyncset.done $0x0  }
0x99: {  	s11 =	rddreg [dreg:$0x9];
	[sflag:s31] =	ssyncadd.s32 $0xFFFFC000  }
0x9a: {  	[hbm4b:s11+s7] =	stream.linear.scatter [tilespmem:s30], [sflag:$0x2], $0x4000, $0x38;
	[tilespmem:$0x1A900] =	vst v63  }
0x9b: {  	_ =	swait.ge [sflag:s31], $0x4000  }
0x9c: {  	[sflag:s31] =	ssyncset.done $0x0  }
0x9d: {  	s8 =	simm.s32 $0x200;
	s7 =	simm.s32 $0x0;
	[sflag:s31] =	ssyncadd.s32 $0xFFFFC000  }
.LBB2_6:
0x9e: {  	p0 =	sne.s32 s8, $0xFE00;
	[tilespmem:s7+$0x14070] =	vst v0  }
0x9f: {  	[tilespmem:s7+$0x14000] =	vst v0  }
0xa0: {  	[tilespmem:s7+$0x14010] =	vst v0  }
.Ltmp2:
0xa1: {  	[tilespmem:s7+$0x14020] =	vst v0;
	(pc) =	sbr.rel @p0 .LBB2_6-.Ltmp2, $4  }
0xa2: {  	[tilespmem:s7+$0x14030] =	vst v0  }
0xa3: {  	[tilespmem:s7+$0x14040] =	vst v0  }
0xa4: {  	[tilespmem:s7+$0x14050] =	vst v0  }
0xa5: {  	[tilespmem:s7+$0x14060] =	vst v0;
	s7 =	sshra.s32 s8, $0x2;
	s8 =	sadd.s32 $0x200, s8  }
0xa6: {  	[tilespmem:s7+$0x14070] =	vst v0  }
0xa7: {  	[tilespmem:s7+$0x14000] =	vst v0  }
0xa8: {  	[tilespmem:s7+$0x14010] =	vst v0  }
0xa9: {  	[tilespmem:s7+$0x14020] =	vst v0  }
0xaa: {  	[tilespmem:s7+$0x14030] =	vst v0  }
0xab: {  	[tilespmem:s7+$0x14040] =	vst v0  }
0xac: {  	[tilespmem:s7+$0x14050] =	vst v0  }
0xad: {  	[tilespmem:s7+$0x14060] =	vst v0  }
0xae: {  	[spmem:s21] =	stream.linear.scatter [tilespmem:s30], [sflag:$0x2], $0x4000, $0x38;
	[tilespmem:$0x1A900] =	vst v63  }
0xaf: {  	_ =	swait.ge [sflag:s31], $0x4000  }
0xb0: {  	[sflag:s31] =	ssyncset.done $0x0  }
0xb1: {  	[sflag:s31] =	ssyncadd.s32 $0xFFFFC000  }
0xb2: {  	[spmem:s22] =	stream.linear.scatter [tilespmem:s30], [sflag:$0x2], $0x4000, $0x38;
	[tilespmem:$0x1A900] =	vst v63  }
0xb3: {  	_ =	swait.ge [sflag:s31], $0x4000  }
0xb4: {  	[sflag:s31] =	ssyncset.done $0x0  }
0xb5: {  	[sflag:s31] =	ssyncadd.s32 $0xFFFFC000  }
0xb6: {  	[spmem:s23] =	stream.linear.scatter [tilespmem:s30], [sflag:$0x2], $0x4000, $0x38;
	[tilespmem:$0x1A900] =	vst v63  }
0xb7: {  	_ =	swait.ge [sflag:s31], $0x4000  }
0xb8: {  	[sflag:s31] =	ssyncset.done $0x0  }
0xb9: {  	[sflag:s31] =	ssyncadd.s32 $0xFFFFC000  }
0xba: {  	[spmem:s24] =	stream.linear.scatter [tilespmem:s30], [sflag:$0x2], $0x4000, $0x38;
	[tilespmem:$0x1A900] =	vst v63  }
0xbb: {  	_ =	swait.ge [sflag:s31], $0x4000  }
0xbc: {  	[sflag:s31] =	ssyncset.done $0x0  }
0xbd: {  	[sflag:s31] =	ssyncadd.s32 $0xFFFFC000  }
0xbe: {  	[spmem:s25] =	stream.linear.scatter [tilespmem:s30], [sflag:$0x2], $0x4000, $0x38;
	[tilespmem:$0x1A900] =	vst v63  }
0xbf: {  	_ =	swait.ge [sflag:s31], $0x4000  }
0xc0: {  	[sflag:s31] =	ssyncset.done $0x0  }
0xc1: {  	[sflag:s31] =	ssyncadd.s32 $0xFFFFC000  }
0xc2: {  	s11 =	sadd.s32 $0x0, s28;
	[bflag:$0x0] =	sbarrier.arrive $0xFFFF  }
0xc3: {  	[tilespmem:s0], [sflag:$0x2] =	stream.linear.gather [hbm4b:s11+s2], $0x50, $0x38;
	[tilespmem:$0x1A900] =	vst v63  }
0xc4: {  	_ =	swait.ge [sflag:s31], $0x50  }
0xc5: {  	[sflag:s31] =	ssyncset.done $0x0  }
0xc6: {  	[sflag:s31] =	ssyncadd.s32 $0xFFFFFFB0  }
0xc7: {  	[tilespmem:s4], [sflag:$0x2] =	stream.linear.gather [hbm4b:s20+s2], $0x2800, $0x38;
	[tilespmem:$0x1A900] =	vst v63  }
0xc8: {  	_ =	swait.ge [sflag:s31], $0x2800  }
0xc9: {  	[sflag:s31] =	ssyncset.done $0x0  }
0xca: {  	[sflag:s31] =	ssyncadd.s32 $0xFFFFD800  }
0xcb: {  	[spmem:s19] =	stream.indirect.scatter.add.f32 [tilespmem:s4], [sflag:$0x2], $0x80, s0, s3, $0xb8;
	[tilespmem:$0x1A900] =	vst v63  }
0xcc: {  	s8 =	simm.s32 $0xA;
	_ =	swait.ge [sflag:s31], $0x2800  }
0xcd: {  	s9 =	simm.s32 $0x14;
	s7 =	sadd.s32 $0x500, s20;
	[sflag:s31] =	ssyncset.done $0x0  }
.LBB2_8:
0xce: {  	s10 =	sadd.s32 s8, s28  }
0xcf: {  	[sflag:s31] =	ssyncadd.s32 $0xFFFFD800;
	s8 =	smov.u32 s9;
	s11 =	sadd.s32 $0xA, s9  }
0xd0: {  	[tilespmem:s0], [sflag:$0x2] =	stream.linear.gather [hbm4b:s10+s2], $0x50, $0x38;
	[tilespmem:$0x1A900] =	vst v63  }
0xd1: {  	p0 =	sne.s32 s9, $0x4D8;
	_ =	swait.ge [sflag:s31], $0x50  }
0xd2: {  	[sflag:s31] =	ssyncset.done $0x0  }
0xd3: {  	[sflag:s31] =	ssyncadd.s32 $0xFFFFFFB0  }
0xd4: {  	[tilespmem:s4], [sflag:$0x2] =	stream.linear.gather [hbm4b:s7+s2], $0x2800, $0x38;
	[tilespmem:$0x1A900] =	vst v63  }
0xd5: {  	_ =	swait.ge [sflag:s31], $0x2800  }
.Ltmp3:
0xd6: {  	[sflag:s31] =	ssyncset.done $0x0;
	(pc) =	sbr.rel @p0 .LBB2_8-.Ltmp3, $4  }
0xd7: {  	[sflag:s31] =	ssyncadd.s32 $0xFFFFD800  }
0xd8: {  	[spmem:s19] =	stream.indirect.scatter.add.f32 [tilespmem:s4], [sflag:$0x2], $0x80, s0, s3, $0xb8;
	[tilespmem:$0x1A900] =	vst v63  }
0xd9: {  	_ =	swait.ge [sflag:s31], $0x2800  }
0xda: {  	s9 =	smov.u32 s11;
	s7 =	sadd.s32 $0x500, s7;
	[sflag:s31] =	ssyncset.done $0x0  }
0xdb: {  	s8 =	sadd.s32 s8, s28;
	[sflag:s31] =	ssyncadd.s32 $0xFFFFD800  }
0xdc: {  	[tilespmem:s0], [sflag:$0x2] =	stream.linear.gather [hbm4b:s8+s2], $0x50, $0x38;
	[tilespmem:$0x1A900] =	vst v63  }
0xdd: {  	_ =	swait.ge [sflag:s31], $0x50  }
0xde: {  	[sflag:s31] =	ssyncset.done $0x0  }
0xdf: {  	[sflag:s31] =	ssyncadd.s32 $0xFFFFFFB0  }
0xe0: {  	[tilespmem:s4], [sflag:$0x2] =	stream.linear.gather [hbm4b:s7+s2], $0x2800, $0x38;
	[tilespmem:$0x1A900] =	vst v63  }
0xe1: {  	_ =	swait.ge [sflag:s31], $0x2800  }
0xe2: {  	[sflag:s31] =	ssyncset.done $0x0  }
0xe3: {  	[sflag:s31] =	ssyncadd.s32 $0xFFFFD800  }
0xe4: {  	[spmem:s19] =	stream.indirect.scatter.add.f32 [tilespmem:s4], [sflag:$0x2], $0x80, s0, s3, $0xb8;
	[tilespmem:$0x1A900] =	vst v63  }
0xe5: {  	_ =	swait.ge [sflag:s31], $0x2800  }
0xe6: {  	[sflag:s31] =	ssyncset.done $0x0  }
0xe7: {  	[sflag:s31] =	ssyncadd.s32 $0xFFFFD800  }
0xe8: {  	[bflag:$0x0] =	sbarrier.arrive $0xFFFF  }
0xe9: {  	[tilespmem:s30], [sflag:$0x2] =	stream.linear.gather [spmem:s21], $0x4000, $0x38;
	[tilespmem:$0x1A900] =	vst v63  }
0xea: {  	_ =	swait.ge [sflag:s31], $0x4000  }
0xeb: {  	[sflag:s31] =	ssyncset.done $0x0  }
0xec: {  	s7 =	simm.s32 $0x0;
	s11 =	rddreg [dreg:$0xa];
	[sflag:s31] =	ssyncadd.s32 $0xFFFFC000  }
0xed: {  	[hbm4b:s11+s7] =	stream.linear.scatter [tilespmem:s30], [sflag:$0x2], $0x4000, $0x38;
	[tilespmem:$0x1A900] =	vst v63  }
0xee: {  	_ =	swait.ge [sflag:s31], $0x4000  }
0xef: {  	[sflag:s31] =	ssyncset.done $0x0  }
0xf0: {  	[sflag:s31] =	ssyncadd.s32 $0xFFFFC000  }
0xf1: {  	[tilespmem:s30], [sflag:$0x2] =	stream.linear.gather [spmem:s22], $0x4000, $0x38;
	[tilespmem:$0x1A900] =	vst v63  }
0xf2: {  	_ =	swait.ge [sflag:s31], $0x4000  }
0xf3: {  	[sflag:s31] =	ssyncset.done $0x0  }
0xf4: {  	s9 =	rddreg [dreg:$0xb];
	[sflag:s31] =	ssyncadd.s32 $0xFFFFC000  }
0xf5: {  	[hbm4b:s9+s7] =	stream.linear.scatter [tilespmem:s30], [sflag:$0x2], $0x4000, $0x38;
	[tilespmem:$0x1A900] =	vst v63  }
0xf6: {  	_ =	swait.ge [sflag:s31], $0x4000  }
0xf7: {  	[sflag:s31] =	ssyncset.done $0x0  }
0xf8: {  	[sflag:s31] =	ssyncadd.s32 $0xFFFFC000  }
0xf9: {  	[tilespmem:s30], [sflag:$0x2] =	stream.linear.gather [spmem:s23], $0x4000, $0x38;
	[tilespmem:$0x1A900] =	vst v63  }
0xfa: {  	_ =	swait.ge [sflag:s31], $0x4000  }
0xfb: {  	[sflag:s31] =	ssyncset.done $0x0  }
0xfc: {  	s10 =	rddreg [dreg:$0xc];
	[sflag:s31] =	ssyncadd.s32 $0xFFFFC000  }
0xfd: {  	[hbm4b:s10+s7] =	stream.linear.scatter [tilespmem:s30], [sflag:$0x2], $0x4000, $0x38;
	[tilespmem:$0x1A900] =	vst v63  }
0xfe: {  	_ =	swait.ge [sflag:s31], $0x4000  }
0xff: {  	[sflag:s31] =	ssyncset.done $0x0  }
0x100: {  	[sflag:s31] =	ssyncadd.s32 $0xFFFFC000  }
0x101: {  	[tilespmem:s30], [sflag:$0x2] =	stream.linear.gather [spmem:s24], $0x4000, $0x38;
	[tilespmem:$0x1A900] =	vst v63  }
0x102: {  	_ =	swait.ge [sflag:s31], $0x4000  }
0x103: {  	[sflag:s31] =	ssyncset.done $0x0  }
0x104: {  	s11 =	rddreg [dreg:$0xd];
	[sflag:s31] =	ssyncadd.s32 $0xFFFFC000  }
0x105: {  	[hbm4b:s11+s7] =	stream.linear.scatter [tilespmem:s30], [sflag:$0x2], $0x4000, $0x38;
	[tilespmem:$0x1A900] =	vst v63  }
0x106: {  	_ =	swait.ge [sflag:s31], $0x4000  }
0x107: {  	[sflag:s31] =	ssyncset.done $0x0  }
0x108: {  	[sflag:s31] =	ssyncadd.s32 $0xFFFFC000  }
0x109: {  	[tilespmem:s30], [sflag:$0x2] =	stream.linear.gather [spmem:s25], $0x4000, $0x38;
	[tilespmem:$0x1A900] =	vst v63  }
0x10a: {  	_ =	swait.ge [sflag:s31], $0x4000  }
0x10b: {  	[sflag:s31] =	ssyncset.done $0x0  }
0x10c: {  	[sflag:s31] =	ssyncadd.s32 $0xFFFFC000  }
0x10d: {  	[hbm4b:s12+s7] =	stream.linear.scatter [tilespmem:s30], [sflag:$0x2], $0x4000, $0x38;
	[tilespmem:$0x1A900] =	vst v63  }
0x10e: {  	_ =	swait.ge [sflag:s31], $0x4000  }
0x10f: {  	[sflag:s31] =	ssyncset.done $0x0  }
0x110: {  	s8 =	simm.s32 $0x200;
	s7 =	simm.s32 $0x0;
	[sflag:s31] =	ssyncadd.s32 $0xFFFFC000  }
.LBB2_10:
0x111: {  	p0 =	sne.s32 s8, $0xFE00;
	[tilespmem:s7+$0x14070] =	vst v0  }
0x112: {  	[tilespmem:s7+$0x14000] =	vst v0  }
0x113: {  	[tilespmem:s7+$0x14010] =	vst v0  }
.Ltmp4:
0x114: {  	[tilespmem:s7+$0x14020] =	vst v0;
	(pc) =	sbr.rel @p0 .LBB2_10-.Ltmp4, $4  }
0x115: {  	[tilespmem:s7+$0x14030] =	vst v0  }
0x116: {  	[tilespmem:s7+$0x14040] =	vst v0  }
0x117: {  	[tilespmem:s7+$0x14050] =	vst v0  }
0x118: {  	[tilespmem:s7+$0x14060] =	vst v0;
	s7 =	sshra.s32 s8, $0x2;
	s8 =	sadd.s32 $0x200, s8  }
0x119: {  	[tilespmem:s7+$0x14070] =	vst v0  }
0x11a: {  	[tilespmem:s7+$0x14000] =	vst v0  }
0x11b: {  	[tilespmem:s7+$0x14010] =	vst v0  }
0x11c: {  	[tilespmem:s7+$0x14020] =	vst v0  }
0x11d: {  	[tilespmem:s7+$0x14030] =	vst v0  }
0x11e: {  	[tilespmem:s7+$0x14040] =	vst v0  }
0x11f: {  	[tilespmem:s7+$0x14050] =	vst v0  }
0x120: {  	[tilespmem:s7+$0x14060] =	vst v0  }
0x121: {  	[spmem:s21] =	stream.linear.scatter [tilespmem:s30], [sflag:$0x2], $0x4000, $0x38;
	[tilespmem:$0x1A900] =	vst v63  }
0x122: {  	_ =	swait.ge [sflag:s31], $0x4000  }
0x123: {  	[sflag:s31] =	ssyncset.done $0x0  }
0x124: {  	[sflag:s31] =	ssyncadd.s32 $0xFFFFC000  }
0x125: {  	[spmem:s22] =	stream.linear.scatter [tilespmem:s30], [sflag:$0x2], $0x4000, $0x38;
	[tilespmem:$0x1A900] =	vst v63  }
0x126: {  	_ =	swait.ge [sflag:s31], $0x4000  }
0x127: {  	[sflag:s31] =	ssyncset.done $0x0  }
0x128: {  	[sflag:s31] =	ssyncadd.s32 $0xFFFFC000  }
0x129: {  	[spmem:s23] =	stream.linear.scatter [tilespmem:s30], [sflag:$0x2], $0x4000, $0x38;
	[tilespmem:$0x1A900] =	vst v63  }
0x12a: {  	_ =	swait.ge [sflag:s31], $0x4000  }
0x12b: {  	[sflag:s31] =	ssyncset.done $0x0  }
0x12c: {  	[sflag:s31] =	ssyncadd.s32 $0xFFFFC000  }
0x12d: {  	[spmem:s24] =	stream.linear.scatter [tilespmem:s30], [sflag:$0x2], $0x4000, $0x38;
	[tilespmem:$0x1A900] =	vst v63  }
0x12e: {  	_ =	swait.ge [sflag:s31], $0x4000  }
0x12f: {  	[sflag:s31] =	ssyncset.done $0x0  }
0x130: {  	[sflag:s31] =	ssyncadd.s32 $0xFFFFC000  }
0x131: {  	[spmem:s25] =	stream.linear.scatter [tilespmem:s30], [sflag:$0x2], $0x4000, $0x38;
	[tilespmem:$0x1A900] =	vst v63  }
0x132: {  	_ =	swait.ge [sflag:s31], $0x4000  }
0x133: {  	[sflag:s31] =	ssyncset.done $0x0  }
0x134: {  	[sflag:s31] =	ssyncadd.s32 $0xFFFFC000  }
0x135: {  	s7 =	simm.s32 $0x0;
	s8 =	simm.s32 $0x200;
	[bflag:$0x0] =	sbarrier.arrive $0xFFFF  }
.LBB2_12:
0x136: {  	p0 =	sne.s32 s8, $0x9E00;
	[tilespmem:s7+$0x18070] =	vst v1  }
0x137: {  	[tilespmem:s7+$0x18000] =	vst v1  }
0x138: {  	[tilespmem:s7+$0x18010] =	vst v1  }
.Ltmp5:
0x139: {  	[tilespmem:s7+$0x18020] =	vst v1;
	(pc) =	sbr.rel @p0 .LBB2_12-.Ltmp5, $4  }
0x13a: {  	[tilespmem:s7+$0x18030] =	vst v1  }
0x13b: {  	[tilespmem:s7+$0x18040] =	vst v1  }
0x13c: {  	[tilespmem:s7+$0x18050] =	vst v1  }
0x13d: {  	[tilespmem:s7+$0x18060] =	vst v1;
	s7 =	sshra.s32 s8, $0x2;
	s8 =	sadd.s32 $0x200, s8  }
0x13e: {  	[tilespmem:s7+$0x18070] =	vst v1  }
0x13f: {  	[tilespmem:s7+$0x18000] =	vst v1  }
0x140: {  	[tilespmem:s7+$0x18010] =	vst v1  }
0x141: {  	[tilespmem:s7+$0x18020] =	vst v1  }
0x142: {  	[tilespmem:s7+$0x18030] =	vst v1  }
0x143: {  	[tilespmem:s7+$0x18040] =	vst v1  }
0x144: {  	[tilespmem:s7+$0x18050] =	vst v1  }
0x145: {  	[tilespmem:s7+$0x18060] =	vst v1;
	s11 =	sadd.s32 $0x0, s28  }
0x146: {  	[tilespmem:s0], [sflag:$0x2] =	stream.linear.gather [hbm4b:s11+s2], $0x50, $0x38;
	[tilespmem:$0x1A900] =	vst v63  }
0x147: {  	_ =	swait.ge [sflag:s31], $0x50  }
0x148: {  	[sflag:s31] =	ssyncset.done $0x0  }
0x149: {  	[sflag:s31] =	ssyncadd.s32 $0xFFFFFFB0  }
0x14a: {  	[spmem:s19] =	stream.indirect.scatter.add.f32 [tilespmem:s4], [sflag:$0x2], $0x80, s0, s3, $0xb8;
	[tilespmem:$0x1A900] =	vst v63  }
0x14b: {  	_ =	swait.ge [sflag:s31], $0x2800  }
0x14c: {  	s7 =	simm.s32 $0xA;
	s8 =	simm.s32 $0x14;
	[sflag:s31] =	ssyncset.done $0x0  }
.LBB2_14:
0x14d: {  	s9 =	sadd.s32 s7, s28  }
0x14e: {  	[sflag:s31] =	ssyncadd.s32 $0xFFFFD800;
	s7 =	smov.u32 s8;
	s10 =	sadd.s32 $0xA, s8  }
0x14f: {  	[tilespmem:s0], [sflag:$0x2] =	stream.linear.gather [hbm4b:s9+s2], $0x50, $0x38;
	[tilespmem:$0x1A900] =	vst v63  }
0x150: {  	p0 =	sne.s32 s8, $0x4D8;
	_ =	swait.ge [sflag:s31], $0x50  }
.Ltmp6:
0x151: {  	[sflag:s31] =	ssyncset.done $0x0;
	(pc) =	sbr.rel @p0 .LBB2_14-.Ltmp6, $4  }
0x152: {  	[sflag:s31] =	ssyncadd.s32 $0xFFFFFFB0  }
0x153: {  	[spmem:s19] =	stream.indirect.scatter.add.f32 [tilespmem:s4], [sflag:$0x2], $0x80, s0, s3, $0xb8;
	[tilespmem:$0x1A900] =	vst v63  }
0x154: {  	_ =	swait.ge [sflag:s31], $0x2800  }
0x155: {  	s8 =	smov.u32 s10;
	[sflag:s31] =	ssyncset.done $0x0  }
0x156: {  	s7 =	sadd.s32 s7, s28;
	[sflag:s31] =	ssyncadd.s32 $0xFFFFD800  }
0x157: {  	[tilespmem:s0], [sflag:$0x2] =	stream.linear.gather [hbm4b:s7+s2], $0x50, $0x38;
	[tilespmem:$0x1A900] =	vst v63  }
0x158: {  	_ =	swait.ge [sflag:s31], $0x50  }
0x159: {  	[sflag:s31] =	ssyncset.done $0x0  }
0x15a: {  	[sflag:s31] =	ssyncadd.s32 $0xFFFFFFB0  }
0x15b: {  	[spmem:s19] =	stream.indirect.scatter.add.f32 [tilespmem:s4], [sflag:$0x2], $0x80, s0, s3, $0xb8;
	[tilespmem:$0x1A900] =	vst v63  }
0x15c: {  	_ =	swait.ge [sflag:s31], $0x2800  }
0x15d: {  	[sflag:s31] =	ssyncset.done $0x0  }
0x15e: {  	[sflag:s31] =	ssyncadd.s32 $0xFFFFD800  }
0x15f: {  	[bflag:$0x0] =	sbarrier.arrive $0xFFFF  }
0x160: {  	[tilespmem:s30], [sflag:$0x2] =	stream.linear.gather [spmem:s21], $0x4000, $0x38;
	[tilespmem:$0x1A900] =	vst v63  }
0x161: {  	_ =	swait.ge [sflag:s31], $0x4000  }
0x162: {  	[sflag:s31] =	ssyncset.done $0x0  }
0x163: {  	[sflag:s31] =	ssyncadd.s32 $0xFFFFC000  }
0x164: {  	[hbm4b:s13+s2] =	stream.linear.scatter [tilespmem:s30], [sflag:$0x2], $0x4000, $0x38;
	[tilespmem:$0x1A900] =	vst v63  }
0x165: {  	_ =	swait.ge [sflag:s31], $0x4000  }
0x166: {  	[sflag:s31] =	ssyncset.done $0x0  }
0x167: {  	[sflag:s31] =	ssyncadd.s32 $0xFFFFC000  }
0x168: {  	[tilespmem:s30], [sflag:$0x2] =	stream.linear.gather [spmem:s22], $0x4000, $0x38;
	[tilespmem:$0x1A900] =	vst v63  }
0x169: {  	_ =	swait.ge [sflag:s31], $0x4000  }
0x16a: {  	[sflag:s31] =	ssyncset.done $0x0  }
0x16b: {  	[sflag:s31] =	ssyncadd.s32 $0xFFFFC000  }
0x16c: {  	[hbm4b:s14+s2] =	stream.linear.scatter [tilespmem:s30], [sflag:$0x2], $0x4000, $0x38;
	[tilespmem:$0x1A900] =	vst v63  }
0x16d: {  	_ =	swait.ge [sflag:s31], $0x4000  }
0x16e: {  	[sflag:s31] =	ssyncset.done $0x0  }
0x16f: {  	[sflag:s31] =	ssyncadd.s32 $0xFFFFC000  }
0x170: {  	[tilespmem:s30], [sflag:$0x2] =	stream.linear.gather [spmem:s23], $0x4000, $0x38;
	[tilespmem:$0x1A900] =	vst v63  }
0x171: {  	_ =	swait.ge [sflag:s31], $0x4000  }
0x172: {  	[sflag:s31] =	ssyncset.done $0x0  }
0x173: {  	[sflag:s31] =	ssyncadd.s32 $0xFFFFC000  }
0x174: {  	[hbm4b:s15+s2] =	stream.linear.scatter [tilespmem:s30], [sflag:$0x2], $0x4000, $0x38;
	[tilespmem:$0x1A900] =	vst v63  }
0x175: {  	_ =	swait.ge [sflag:s31], $0x4000  }
0x176: {  	[sflag:s31] =	ssyncset.done $0x0  }
0x177: {  	[sflag:s31] =	ssyncadd.s32 $0xFFFFC000  }
0x178: {  	[tilespmem:s30], [sflag:$0x2] =	stream.linear.gather [spmem:s24], $0x4000, $0x38;
	[tilespmem:$0x1A900] =	vst v63  }
0x179: {  	_ =	swait.ge [sflag:s31], $0x4000  }
0x17a: {  	[sflag:s31] =	ssyncset.done $0x0  }
0x17b: {  	[sflag:s31] =	ssyncadd.s32 $0xFFFFC000  }
0x17c: {  	[hbm4b:s16+s2] =	stream.linear.scatter [tilespmem:s30], [sflag:$0x2], $0x4000, $0x38;
	[tilespmem:$0x1A900] =	vst v63  }
0x17d: {  	_ =	swait.ge [sflag:s31], $0x4000  }
0x17e: {  	[sflag:s31] =	ssyncset.done $0x0  }
0x17f: {  	[sflag:s31] =	ssyncadd.s32 $0xFFFFC000  }
0x180: {  	[tilespmem:s30], [sflag:$0x2] =	stream.linear.gather [spmem:s25], $0x4000, $0x38;
	[tilespmem:$0x1A900] =	vst v63  }
0x181: {  	s6 =	sadd.s32 $0x1, s6;
	_ =	swait.ge [sflag:s31], $0x4000  }
0x182: {  	p0 =	sne.s32 s6, s26;
	[sflag:s31] =	ssyncset.done $0x0  }
.Ltmp7:
0x183: {  	[sflag:s31] =	ssyncadd.s32 $0xFFFFC000;
	(pc) =	sbr.rel @p0 .LBB2_1-.Ltmp7, $4  }
0x184: {  	[hbm4b:s18+s2] =	stream.linear.scatter [tilespmem:s30], [sflag:$0x2], $0x4000, $0x38;
	[tilespmem:$0x1A900] =	vst v63  }
0x185: {  	_ =	swait.ge [sflag:s31], $0x4000  }
0x186: {  	[sflag:s31] =	ssyncset.done $0x0  }
0x187: {  	[sflag:s31] =	ssyncadd.s32 $0xFFFFC000  }
0x188: {  	_ =	sfence.sel $0x180000  }
0x189: {  	[bflag:$0x0] =	sbarrier.arrive $0xFFFF  }
0x18a: {  	_ =	strace $0x90000047  }
0x18b: {  	s0 =	stileid.u32;
	[bflag:$0x2] =	sbarrier.arrive $0xFFFF  }
0x18c: {  	p0 =	sne.s32 s0, $0x0;
	s0 =	rddreg [dreg:$0x4]  }
0x18d: {  	s0 =	sadd.s32 @!p0 $0x100000, s0  }
0x18e: {  	[sflag:s0] =	ssyncadd.tile.s32 @!p0 $0x1;
	_ =	shalt  }
.Lfunc_end2:
_tile_overlayer_lowered:
.L_overlay_start_2:
0x18f: {  	(tag) =	ssettag $0x2  }
0x190: {  	s0 =	rddreg [dreg:$0x0];
	s2 =	stileid.u32  }
0x191: {  	s1 =	rddreg [dreg:$0x1];
	p0 =	sne.s32 s2, $0x0  }
0x192: {  	s3 =	rddreg [dreg:$0x2];
	[bflag:$0x3] =	sbarrier.arrive $0xFFFF;
	s2 =	simm.s32 @!p0 $0x1C02  }
0x193: {  	[timem:s3], [sflag:s2] =	dma.local @!p0 [hbm:s0], s1  }
0x194: {  	s0 =	simm.s32 @!p0 $0x2  }
0x195: {  	_ =	swait.ge @!p0 [sflag:s0], s1  }
0x196: {  	s1 =	ssub.s32 @!p0 $0x0, s1;
	[sflag:s0] =	ssyncset.done @!p0 $0x0  }
0x197: {  	[sflag:s0] =	ssyncadd.s32 @!p0 s1  }
0x198: {  	[bflag:$0x3] =	sbarrier.arrive $0xFFFF  }
0x199: {  	_ =	shalt  }

// kernel: kernel.9.cloned.1.call-start
scs
__scs_entry_jumppad:
0x0: {  	(pc) =	sbr.rel $0x88, $3  }
0x1: {  	(tag) =	ssettag $0x0;
	lr =	simm.s32 $0x1  }
0x2: {  	[smem:$0x3F92] =	sst lr;
	_ =	strace $0xD0000000  }
0x3: {  	_ = 	snop  }
0x4: {  	_ = 	snop  }
0x5: {  	_ = 	snop  }
0x6: {  	_ = 	snop  }
0x7: {  	_ = 	snop  }
__scs_overlays_trampoline_lowered:
0x8: {  	[smem:$0x3FA1] =	sst s0  }
0x9: {  	[smem:$0x3FA2] =	sst s1  }
0xa: {  	[smem:$0x3FA3] =	sst s2  }
0xb: {  	[smem:$0x3FA4] =	sst s3  }
0xc: {  	[smem:$0x3FA5] =	sst s4  }
0xd: {  	[smem:$0x3FA6] =	sst s5  }
0xe: {  	[smem:$0x3FA7] =	sst s6  }
0xf: {  	[smem:$0x3FA8] =	sst s7  }
0x10: {  	[smem:$0x3FA9] =	sst s8  }
0x11: {  	[smem:$0x3FAA] =	sst s9;
	s0 =	simm.s32 @!p0 $0x0  }
0x12: {  	s1 =	sld [smem:$0x3F90];
	s0 =	simm.s32 @p0 $0x1  }
0x13: {  	[smem:$0x3FAB] =	sst s0;
	s0 =	simm.s32 @!p1 $0x0  }
0x14: {  	s2 =	sld [smem:$0x3F8F];
	s0 =	simm.s32 @p1 $0x1  }
0x15: {  	[smem:$0x3FAC] =	sst s0;
	s0 =	simm.s32 @!p2 $0x0  }
0x16: {  	s3 =	sld [smem:$0x3FDB];
	s0 =	simm.s32 @p2 $0x1  }
0x17: {  	s4 =	simm.s32 $0x1BF5;
	[smem:$0x3FAE] =	sst s0  }
0x18: {  	s0 =	sld [smem:$0x3F91];
	_ =	swait.ge [sflag:s4], $0x0  }
0x19: {  	s7 =	sld [smem:$0x3F92]  }
0x1a: {  	s8 =	sadd.s32 $0xFFFFE003, lr  }
0x1b: {  	s9 =	sadd.s32 $0xFFFFFEF7, lr;
	s5 =	simm.s32 $0xFFFFFFFF;
	p2 =	slt.u32 s8, $0xFFFFF086  }
0x1c: {  	p1 =	slt.u32 s9, $0xF7A;
	s5 =	simm.s32 @!p2 $0x0  }
0x1d: {  	s5 =	simm.s32 @p1 $0x1;
	p0 =	seq.s32 s7, s2  }
0x1e: {  	s7 =	smul.u32 @!p0 $0xF7A, s2;
	p2 =	seq.s32 @!p0 s5, $0x0  }
0x1f: {  	s9 =	smul.u32 $0xF7A, s1;
	s8 =	simm.s32 @!p0 $0x1BF5;
	p2 =	por !p2, p0  }
0x20: {  	[sflag:s8] =	ssyncset.s32 @!p0 $0xFFFFF086;
	s6 =	sadd.s32 @!p0 s3, s7;
	s7 =	simm.s32 @!p0 $0x108  }
0x21: {  	s3 =	sadd.s32 s3, s9;
	s6 =	sadd.s32 @!p0 $0x88, s6;
	s7 =	simm.s32 @p2 $0x1082  }
0x22: {  	[simem:s7], [sflag:s8] =	dma.local @!p0 [hbm:s6], $0xF7A  }
0x23: {  	s9 =	sor.u32 $0xD0000000, s2;
	s6 =	simm.s32 $0x108;
	_ =	swait.ge @!p0 [sflag:s8], $0x0  }
0x24: {  	s3 =	sadd.s32 $0x88, s3;
	s6 =	simm.s32 @!p1 $0x1082;
	[sflag:s4] =	ssyncset.s32 $0xFFFFF086  }
0x25: {  	[simem:s6], [sflag:s4] =	dma.local [hbm:s3], $0xF7A  }
0x26: {  	[smem:$0x3F92] =	sst s1;
	(tag) =	ssettag s2;
	_ =	strace s9  }
0x27: {  	s1 =	sld [smem:$0x3FA2]  }
0x28: {  	s2 =	sld [smem:$0x3FA3]  }
0x29: {  	s4 =	sld [smem:$0x3FA5]  }
0x2a: {  	p0 =	seq.s32 s5, $0x0;
	s5 =	sld [smem:$0x3FA6]  }
0x2b: {  	s6 =	sld [smem:$0x3FA7]  }
0x2c: {  	s7 =	sld [smem:$0x3FA8]  }
0x2d: {  	s3 =	simm.s32 $0x108;
	s8 =	sld [smem:$0x3FA9]  }
0x2e: {  	s3 =	simm.s32 @!p0 $0x1082;
	s9 =	sld [smem:$0x3FAA]  }
0x2f: {  	lr =	sadd.s32 s0, s3;
	s0 =	sld [smem:$0x3FA1]  }
0x30: {  	s3 =	sld [smem:$0x3FA4]  }
0x31: {  	[smem:$0x3FAD] =	sst s10  }
0x32: {  	s10 =	sld [smem:$0x3FAB];
	_ =	sdelay $0x3  }
0x33: {  	p0 =	seq.s32 s10, $0x1;
	s10 =	sld [smem:$0x3FAD];
	_ =	sdelay $0x3  }
0x34: {  	[smem:$0x3FAD] =	sst s10  }
0x35: {  	s10 =	sld [smem:$0x3FAC];
	_ =	sdelay $0x3  }
0x36: {  	p1 =	seq.s32 s10, $0x1;
	s10 =	sld [smem:$0x3FAD];
	_ =	sdelay $0x3  }
0x37: {  	[smem:$0x3FAD] =	sst s10  }
0x38: {  	s10 =	sld [smem:$0x3FAE]  }
0x39: {  	_ = 	snop;
	(pc) =	sbr.ind lr, $3  }
0x3a: {  	_ = 	snop  }
0x3b: {  	_ = 	snop  }
0x3c: {  	p2 =	seq.s32 s10, $0x1;
	s10 =	sld [smem:$0x3FAD]  }
0x3d: {  	_ =	shalt  }
0x3e: {  	_ =	shalt  }
0x3f: {  	_ =	shalt  }
0x40: {  	_ =	shalt  }
0x41: {  	_ =	shalt  }
0x42: {  	_ =	shalt  }
0x43: {  	_ =	shalt  }
0x44: {  	_ =	shalt  }
0x45: {  	_ =	shalt  }
0x46: {  	_ =	shalt  }
0x47: {  	_ =	shalt  }
0x48: {  	_ =	shalt  }
0x49: {  	_ =	shalt  }
0x4a: {  	_ =	shalt  }
0x4b: {  	_ =	shalt  }
0x4c: {  	_ =	shalt  }
0x4d: {  	_ =	shalt  }
0x4e: {  	_ =	shalt  }
0x4f: {  	_ =	shalt  }
0x50: {  	_ =	shalt  }
0x51: {  	_ =	shalt  }
0x52: {  	_ =	shalt  }
0x53: {  	_ =	shalt  }
0x54: {  	_ =	shalt  }
0x55: {  	_ =	shalt  }
0x56: {  	_ =	shalt  }
0x57: {  	_ =	shalt  }
0x58: {  	_ =	shalt  }
0x59: {  	_ =	shalt  }
0x5a: {  	_ =	shalt  }
0x5b: {  	_ =	shalt  }
0x5c: {  	_ =	shalt  }
0x5d: {  	_ =	shalt  }
0x5e: {  	_ =	shalt  }
0x5f: {  	_ =	shalt  }
0x60: {  	_ =	shalt  }
0x61: {  	_ =	shalt  }
0x62: {  	_ =	shalt  }
0x63: {  	_ =	shalt  }
0x64: {  	_ =	shalt  }
0x65: {  	_ =	shalt  }
0x66: {  	_ =	shalt  }
0x67: {  	_ =	shalt  }
0x68: {  	_ =	shalt  }
0x69: {  	_ =	shalt  }
0x6a: {  	_ =	shalt  }
0x6b: {  	_ =	shalt  }
0x6c: {  	_ =	shalt  }
0x6d: {  	_ =	shalt  }
0x6e: {  	_ =	shalt  }
0x6f: {  	_ =	shalt  }
0x70: {  	_ =	shalt  }
0x71: {  	_ =	shalt  }
0x72: {  	_ =	shalt  }
0x73: {  	_ =	shalt  }
0x74: {  	_ =	shalt  }
0x75: {  	_ =	shalt  }
0x76: {  	_ =	shalt  }
0x77: {  	_ =	shalt  }
0x78: {  	_ =	shalt  }
0x79: {  	_ =	shalt  }
0x7a: {  	_ =	shalt  }
0x7b: {  	_ =	shalt  }
0x7c: {  	_ =	shalt  }
0x7d: {  	_ =	shalt  }
0x7e: {  	_ =	shalt  }
0x7f: {  	_ =	shalt  }
0x80: {  	_ =	shalt  }
0x81: {  	_ =	shalt  }
0x82: {  	_ =	shalt  }
0x83: {  	_ =	shalt  }
0x84: {  	_ =	shalt  }
0x85: {  	_ =	shalt  }
0x86: {  	_ =	shalt  }
0x87: {  	_ =	shalt  }
.Lfunc_end0:
.L_simem_size_0:
called_computation.1_lowered:
.L_overlay_start_0:
0x88: {  	s2 =	sld [smem:$0x3FD9]  }
0x89: {  	s3 =	sld [smem:$0x3FFE];
	_ =	sdelay $0x1  }
0x8a: {  	s1 =	srdreg.scid  }
0x8b: {  	s0 =	sand.u32 $0x1, s1  }
0x8c: {  	s17 =	sshll.u32 s0, $0xA;
	s2 =	sadd.s32 s3, s2  }
0x8d: {  	s2 =	sadd.s32 s2, s17  }
0x8e: {  	[smem:$0x3FB9] =	sst s2  }
0x8f: {  	_ = 	snop  }
0x90: {  	s2 =	sld [smem:$0x3FD0];
	(tm) =	ssettm $0x1  }
0x91: {  	s18 =	sld [smem:$0x3FFB];
	_ =	sdelay $0x3  }
0x92: {  	_ =	strace s18  }
0x93: {  	s3 =	sld [smem:$0x3FFC];
	_ =	sdelay $0x3  }
0x94: {  	_ =	strace s3  }
0x95: {  	s3 =	sld [smem:$0x3FFD];
	_ =	sdelay $0x3  }
0x96: {  	_ =	strace s3  }
0x97: {  	_ =	strace $0x8FFFFFFF  }
0x98: {  	s19 =	sld [smem:$0x3FDB];
	_ =	sdelay $0x1  }
0x99: {  	s4 =	simm.s32 $_scs_section_size  }
0x9a: {  	s5 =	simm.s32 $_size__tile_overlayer_lowered;
	s6 =	simm.s32 $_tile_overlayer_lowered  }
0x9b: {  	s22 =	simm.s32 $0x1BFF;
	s21 =	sshll.u32 s6, $0x1;
	s3 =	sadd.s32 s4, s19  }
0x9c: {  	s7 =	simm.s32 $0x0;
	s20 =	sshll.u32 s5, $0x1;
	s5 =	sadd.s32 s21, s3  }
0x9d: {  	[timem:s7], [sflag:s22] =	dma.local [hbm:s5], s20  }
0x9e: {  	_ =	swait.ge [sflag:s22], s20  }
0x9f: {  	s4 =	ssub.s32 $0x0, s20;
	[sflag:s22] =	ssyncset.done $0x0  }
0xa0: {  	[sflag:s22] =	ssyncadd.s32 s4;
	_ =	sdelay $0x1  }
0xa1: {  	s23 =	simm.s32 $0x1B8B  }
0xa2: {  	_ =	swait.ge [sflag:s23], $0x1  }
0xa3: {  	[sflag:s23] =	ssyncset.done $0x0  }
0xa4: {  	s25 =	simm.s32 $0x1B8E;
	s24 =	sld [smem:$0x3FFE];
	[sflag:s23] =	ssyncadd.s32 $0xFFFFFFFF  }
0xa5: {  	s26 =	simm.s32 $execute0_lowered;
	[smem:$0x3FD2] =	sst s25  }
0xa6: {  	s5 =	sshll.u32 s26, $0x1;
	_ =	strace $0x80000049;
	[dreg:$0x1] =	wrdreg $0xFFFFFFFF  }
0xa7: {  	s28 =	simm.s32 $_size_execute0_lowered;
	s3 =	sadd.s32 s3, s5;
	[dreg:$0x0] =	wrdreg $0x0  }
0xa8: {  	s5 =	sshll.u32 s28, $0x1;
	[dreg:$0x2] =	wrdreg s3  }
0xa9: {  	[dreg:$0x3] =	wrdreg s5  }
0xaa: {  	[dreg:$0x4] =	wrdreg $0xC0  }
0xab: {  	_ =	task [dreg:s7], $0x5FFFF  }
0xac: {  	[dreg:$0x1] =	wrdreg $0xFFFFFFFF  }
0xad: {  	[dreg:$0x0] =	wrdreg $0x60  }
0xae: {  	[dreg:$0x2] =	wrdreg s24  }
0xaf: {  	[dreg:$0x3] =	wrdreg s2  }
0xb0: {  	[dreg:$0x4] =	wrdreg $0x0  }
0xb1: {  	[dreg:$0x5] =	wrdreg $0x9  }
0xb2: {  	_ =	task.clear_ibuf [dreg:s7], $0x6FFFF;
	_ =	strace $0x90000049  }
0xb3: {  	s29 =	simm.s32 $0x9;
	_ =	strace $0x8000004B  }
0xb4: {  	_ =	swait.ge [sflag:s29], $0x1  }
0xb5: {  	[sflag:s29] =	ssyncadd.s32 $0xFFFFFFFF  }
0xb6: {  	_ =	strace $0x9000004B  }
0xb7: {  	_ =	sfence  }
0xb8: {  	s30 =	sld [smem:$0x0];
	_ =	sdelay $0x2  }
0xb9: {  	s31 =	sshll.u32 s1, $0xD;
	s1 =	sshrl.u32 s1, $0x2  }
0xba: {  	s3 =	sand.u32 $0x4000, s31;
	s1 =	sadd.s32 s1, s30  }
0xbb: {  	s0 =	sor.u32 s3, s0;
	s1 =	sshll.u32 s1, $0x11  }
0xbc: {  	s0 =	sor.u32 s1, s0  }
0xbd: {  	s0 =	sadd.s32 $0x8F2B, s0  }
0xbe: {  	[sflag:s0] =	ssyncadd.remote.s32 $0x1  }
0xbf: {  	_ =	sfence.sel $0xFFFF  }
0xc0: {  	[dreg:$0x0] =	wrdreg $0xFFFFFFFF;
	(pc) =	sbr.abs _section_cstart, $3  }
0xc1: {  	[dreg:$0x1] =	wrdreg $0xFFFFFFFF  }
0xc2: {  	_ =	task.clear_ibuf [dreg:s7], $0x2FFFF;
	_ =	strace $0x9FFFFFFF  }
0xc3: {  	(tm) =	ssettm $0x7FFFFFFF  }
tec
execute0_lowered:
.L_overlay_start_1:
0x0: {  	(tag) =	ssettag $0x1  }
0x1: {  	s5 =	rddreg [dreg:$0x0]  }
0x2: {  	s2 =	rddreg [dreg:$0x1]  }
0x3: {  	s0 =	srdreg.scid;
	s3 =	rddreg [dreg:$0x2]  }
0x4: {  	s1 =	stileid.u32;
	s4 =	simm.s32 $0x0;
	s19 =	simm.s32 $0x2  }
0x5: {  	s20 =	simm.s32 $0x1A800;
	s21 =	simm.s32 $0x1A880;
	s8 =	smul.u32 $0x2710, s1  }
0x6: {  	s22 =	simm.s32 $0x50;
	s23 =	simm.s32 $0x18000;
	s9 =	smul.u32 $0x50000, s1  }
0x7: {  	s6 =	sand.u32 $0x1, s0;
	s0 =	rddreg [dreg:$0x3];
	s10 =	smul.u32 $0x14000, s1  }
0x8: {  	[smem:$0x7FF] =	sst s4;
	s14 =	sadd.s32 $0x16000, s5;
	s7 =	smul.u32 $0x27100, s6  }
0x9: {  	_ =	strace $0x8000004A;
	s24 =	ssub.s32 $0x2, s6;
	s12 =	smul.u32 $0x140000, s6  }
0xa: {  	s25 =	sshrl.u32 s24, $0x1;
	s26 =	sshrl.u32 s9, $0x2;
	s28 =	sadd.s32 $0x4000, s10  }
0xb: {  	s13 =	sadd.s32 $0x8000, s10;
	s16 =	sadd.s32 $0xC000, s10;
	s18 =	sadd.s32 $0x10000, s10  }
0xc: {  	s7 =	sadd.s32 s8, s7;
	s15 =	ssub.s32 s24, s25;
	s6 =	sadd.s32 s28, s3  }
0xd: {  	s8 =	sadd.s32 s16, s3;
	s11 =	sadd.s32 s10, s12;
	s30 =	sadd.s32 s12, s28  }
0xe: {  	s9 =	sadd.s32 s18, s3;
	s16 =	sadd.s32 s12, s16;
	s18 =	sadd.s32 s12, s18  }
0xf: {  	s24 =	simm.s32 $0x1;
	s25 =	simm.s32 $0x0;
	s7 =	sshrl.u32 s7, $0x3  }
0x10: {  	s29 =	sshrl.u32 s11, $0x3;
	s11 =	sshrl.u32 s30, $0x3;
	s16 =	sshrl.u32 s16, $0x3  }
0x11: {  	s31 =	sshrl.u32 s18, $0x3;
	s15 =	smax.u32 s15, $0x1;
	s18 =	simm.s32 $0x14000  }
0x12: {  	s17 =	sadd.s32 s7, s5;
	s7 =	sadd.s32 s13, s3;
	s13 =	sadd.s32 s12, s13  }
0x13: {  	s5 =	sadd.s32 s26, s3;
	s10 =	sadd.s32 s14, s29;
	s13 =	sshrl.u32 s13, $0x3  }
0x14: {  	s11 =	sadd.s32 s14, s11;
	s12 =	sadd.s32 s14, s13;
	s13 =	sadd.s32 s14, s16  }
0x15: {  	v0 =	vimm.f32 $0.0e+00;
	s14 =	sadd.s32 s14, s31;
	s16 =	sadd.s32 $0x2400, s17;
	s17 =	sadd.s32 $0xC200, s17  }
.LBB2_1:
0x16: {  	s26 =	simm.s32 $0x0;
	s28 =	simm.s32 $0x200  }
.LBB2_2:
0x17: {  	p0 =	sne.s32 s28, $0xFE00;
	[tilespmem:s26+$0x14070] =	vst v0  }
0x18: {  	[tilespmem:s26+$0x14000] =	vst v0  }
0x19: {  	[tilespmem:s26+$0x14010] =	vst v0  }
.Ltmp0:
0x1a: {  	[tilespmem:s26+$0x14020] =	vst v0;
	(pc) =	sbr.rel @p0 .LBB2_2-.Ltmp0, $4  }
0x1b: {  	[tilespmem:s26+$0x14030] =	vst v0  }
0x1c: {  	[tilespmem:s26+$0x14040] =	vst v0  }
0x1d: {  	[tilespmem:s26+$0x14050] =	vst v0  }
0x1e: {  	[tilespmem:s26+$0x14060] =	vst v0;
	s26 =	sshra.s32 s28, $0x2;
	s28 =	sadd.s32 $0x200, s28  }
0x1f: {  	[tilespmem:s26+$0x14070] =	vst v0  }
0x20: {  	[tilespmem:s26+$0x14000] =	vst v0  }
0x21: {  	[tilespmem:s26+$0x14010] =	vst v0  }
0x22: {  	[tilespmem:s26+$0x14020] =	vst v0  }
0x23: {  	[tilespmem:s26+$0x14030] =	vst v0  }
0x24: {  	[tilespmem:s26+$0x14040] =	vst v0  }
0x25: {  	[tilespmem:s26+$0x14050] =	vst v0  }
0x26: {  	[tilespmem:s26+$0x14060] =	vst v0  }
0x27: {  	[spmem:s5] =	stream.linear.scatter [tilespmem:s18], [sflag:$0x2], $0x4000, $0x38;
	[tilespmem:$0x1A900] =	vst v63  }
0x28: {  	_ =	swait.ge [sflag:s19], $0x4000  }
0x29: {  	[sflag:s19] =	ssyncset.done $0x0  }
0x2a: {  	[sflag:s19] =	ssyncadd.s32 $0xFFFFC000  }
0x2b: {  	[spmem:s6] =	stream.linear.scatter [tilespmem:s18], [sflag:$0x2], $0x4000, $0x38;
	[tilespmem:$0x1A900] =	vst v63  }
0x2c: {  	_ =	swait.ge [sflag:s19], $0x4000  }
0x2d: {  	[sflag:s19] =	ssyncset.done $0x0  }
0x2e: {  	[sflag:s19] =	ssyncadd.s32 $0xFFFFC000  }
0x2f: {  	[spmem:s7] =	stream.linear.scatter [tilespmem:s18], [sflag:$0x2], $0x4000, $0x38;
	[tilespmem:$0x1A900] =	vst v63  }
0x30: {  	_ =	swait.ge [sflag:s19], $0x4000  }
0x31: {  	[sflag:s19] =	ssyncset.done $0x0  }
0x32: {  	[sflag:s19] =	ssyncadd.s32 $0xFFFFC000  }
0x33: {  	[spmem:s8] =	stream.linear.scatter [tilespmem:s18], [sflag:$0x2], $0x4000, $0x38;
	[tilespmem:$0x1A900] =	vst v63  }
0x34: {  	_ =	swait.ge [sflag:s19], $0x4000  }
0x35: {  	[sflag:s19] =	ssyncset.done $0x0  }
0x36: {  	[sflag:s19] =	ssyncadd.s32 $0xFFFFC000  }
0x37: {  	[spmem:s9] =	stream.linear.scatter [tilespmem:s18], [sflag:$0x2], $0x4000, $0x38;
	[tilespmem:$0x1A900] =	vst v63  }
0x38: {  	_ =	swait.ge [sflag:s19], $0x4000  }
0x39: {  	[sflag:s19] =	ssyncset.done $0x0  }
0x3a: {  	[sflag:s19] =	ssyncadd.s32 $0xFFFFC000  }
0x3b: {  	s30 =	sadd.s32 $0x0, s17;
	[bflag:$0x0] =	sbarrier.arrive $0xFFFF  }
0x3c: {  	[tilespmem:s20], [sflag:$0x2] =	stream.linear.gather [hbm4b:s30+s4], $0x50, $0x38;
	[tilespmem:$0x1A900] =	vst v63  }
0x3d: {  	_ =	swait.ge [sflag:s19], $0x50  }
0x3e: {  	[sflag:s19] =	ssyncset.done $0x0  }
0x3f: {  	s31 =	sadd.s32 $0x0, s16;
	[sflag:s19] =	ssyncadd.s32 $0xFFFFFFB0  }
0x40: {  	[tilespmem:s21], [sflag:$0x2] =	stream.linear.gather [hbm4b:s31+s4], $0x50, $0x38;
	[tilespmem:$0x1A900] =	vst v63  }
0x41: {  	_ =	swait.ge [sflag:s19], $0x50  }
0x42: {  	[sflag:s19] =	ssyncset.done $0x0  }
0x43: {  	[sflag:s19] =	ssyncadd.s32 $0xFFFFFFB0  }
0x44: {  	[tilespmem:s23], [sflag:$0x1] =	stream.indirect.gather [hbm4b:s2+s22], $0x80, s20, s22, $0xb8;
	[tilespmem:$0x1A900] =	vst v63  }
0x45: {  	_ =	swait.ge [sflag:s24], $0x2800  }
0x46: {  	[sflag:s24] =	ssyncset.done $0x0  }
0x47: {  	[sflag:s24] =	ssyncadd.s32 $0xFFFFD800  }
0x48: {  	[spmem:s3] =	stream.indirect.scatter.add.f32 [tilespmem:s23], [sflag:$0x2], $0x80, s21, s22, $0xb8;
	[tilespmem:$0x1A900] =	vst v63  }
0x49: {  	_ =	swait.ge [sflag:s19], $0x2800  }
0x4a: {  	s26 =	simm.s32 $0xA;
	s28 =	simm.s32 $0x14;
	[sflag:s19] =	ssyncset.done $0x0  }
.LBB2_4:
0x4b: {  	s29 =	sadd.s32 s26, s17  }
0x4c: {  	[sflag:s19] =	ssyncadd.s32 $0xFFFFD800;
	s30 =	smov.u32 s28;
	s31 =	sadd.s32 $0xA, s28  }
0x4d: {  	[tilespmem:s20], [sflag:$0x2] =	stream.linear.gather [hbm4b:s29+s4], $0x50, $0x38;
	[tilespmem:$0x1A900] =	vst v63  }
0x4e: {  	p0 =	sne.s32 s28, $0x4D8;
	_ =	swait.ge [sflag:s19], $0x50  }
0x4f: {  	[sflag:s19] =	ssyncset.done $0x0  }
0x50: {  	s28 =	sadd.s32 s26, s16;
	s26 =	smov.u32 s30;
	[sflag:s19] =	ssyncadd.s32 $0xFFFFFFB0  }
0x51: {  	[tilespmem:s21], [sflag:$0x2] =	stream.linear.gather [hbm4b:s28+s4], $0x50, $0x38;
	[tilespmem:$0x1A900] =	vst v63  }
0x52: {  	_ =	swait.ge [sflag:s19], $0x50  }
0x53: {  	[sflag:s19] =	ssyncset.done $0x0  }
0x54: {  	[sflag:s19] =	ssyncadd.s32 $0xFFFFFFB0  }
0x55: {  	[tilespmem:s23], [sflag:$0x1] =	stream.indirect.gather [hbm4b:s2+s22], $0x80, s20, s22, $0xb8;
	[tilespmem:$0x1A900] =	vst v63  }
0x56: {  	_ =	swait.ge [sflag:s24], $0x2800  }
.Ltmp1:
0x57: {  	[sflag:s24] =	ssyncset.done $0x0;
	(pc) =	sbr.rel @p0 .LBB2_4-.Ltmp1, $4  }
0x58: {  	[sflag:s24] =	ssyncadd.s32 $0xFFFFD800  }
0x59: {  	[spmem:s3] =	stream.indirect.scatter.add.f32 [tilespmem:s23], [sflag:$0x2], $0x80, s21, s22, $0xb8;
	[tilespmem:$0x1A900] =	vst v63  }
0x5a: {  	_ =	swait.ge [sflag:s19], $0x2800  }
0x5b: {  	s28 =	smov.u32 s31;
	[sflag:s19] =	ssyncset.done $0x0  }
0x5c: {  	s28 =	sadd.s32 s26, s17;
	[sflag:s19] =	ssyncadd.s32 $0xFFFFD800  }
0x5d: {  	[tilespmem:s20], [sflag:$0x2] =	stream.linear.gather [hbm4b:s28+s4], $0x50, $0x38;
	[tilespmem:$0x1A900] =	vst v63  }
0x5e: {  	_ =	swait.ge [sflag:s19], $0x50  }
0x5f: {  	[sflag:s19] =	ssyncset.done $0x0  }
0x60: {  	s31 =	sadd.s32 s26, s16;
	[sflag:s19] =	ssyncadd.s32 $0xFFFFFFB0  }
0x61: {  	[tilespmem:s21], [sflag:$0x2] =	stream.linear.gather [hbm4b:s31+s4], $0x50, $0x38;
	[tilespmem:$0x1A900] =	vst v63  }
0x62: {  	_ =	swait.ge [sflag:s19], $0x50  }
0x63: {  	[sflag:s19] =	ssyncset.done $0x0  }
0x64: {  	[sflag:s19] =	ssyncadd.s32 $0xFFFFFFB0  }
0x65: {  	[tilespmem:s23], [sflag:$0x1] =	stream.indirect.gather [hbm4b:s2+s22], $0x80, s20, s22, $0xb8;
	[tilespmem:$0x1A900] =	vst v63  }
0x66: {  	_ =	swait.ge [sflag:s24], $0x2800  }
0x67: {  	[sflag:s24] =	ssyncset.done $0x0  }
0x68: {  	[sflag:s24] =	ssyncadd.s32 $0xFFFFD800  }
0x69: {  	[spmem:s3] =	stream.indirect.scatter.add.f32 [tilespmem:s23], [sflag:$0x2], $0x80, s21, s22, $0xb8;
	[tilespmem:$0x1A900] =	vst v63  }
0x6a: {  	_ =	swait.ge [sflag:s19], $0x2800  }
0x6b: {  	[sflag:s19] =	ssyncset.done $0x0  }
0x6c: {  	[sflag:s19] =	ssyncadd.s32 $0xFFFFD800  }
0x6d: {  	[bflag:$0x0] =	sbarrier.arrive $0xFFFF  }
0x6e: {  	[tilespmem:s18], [sflag:$0x2] =	stream.linear.gather [spmem:s5], $0x4000, $0x38;
	[tilespmem:$0x1A900] =	vst v63  }
0x6f: {  	_ =	swait.ge [sflag:s19], $0x4000  }
0x70: {  	[sflag:s19] =	ssyncset.done $0x0  }
0x71: {  	[sflag:s19] =	ssyncadd.s32 $0xFFFFC000  }
0x72: {  	[hbm4b:s10+s4] =	stream.linear.scatter [tilespmem:s18], [sflag:$0x2], $0x4000, $0x38;
	[tilespmem:$0x1A900] =	vst v63  }
0x73: {  	_ =	swait.ge [sflag:s19], $0x4000  }
0x74: {  	[sflag:s19] =	ssyncset.done $0x0  }
0x75: {  	[sflag:s19] =	ssyncadd.s32 $0xFFFFC000  }
0x76: {  	[tilespmem:s18], [sflag:$0x2] =	stream.linear.gather [spmem:s6], $0x4000, $0x38;
	[tilespmem:$0x1A900] =	vst v63  }
0x77: {  	_ =	swait.ge [sflag:s19], $0x4000  }
0x78: {  	[sflag:s19] =	ssyncset.done $0x0  }
0x79: {  	[sflag:s19] =	ssyncadd.s32 $0xFFFFC000  }
0x7a: {  	[hbm4b:s11+s4] =	stream.linear.scatter [tilespmem:s18], [sflag:$0x2], $0x4000, $0x38;
	[tilespmem:$0x1A900] =	vst v63  }
0x7b: {  	_ =	swait.ge [sflag:s19], $0x4000  }
0x7c: {  	[sflag:s19] =	ssyncset.done $0x0  }
0x7d: {  	[sflag:s19] =	ssyncadd.s32 $0xFFFFC000  }
0x7e: {  	[tilespmem:s18], [sflag:$0x2] =	stream.linear.gather [spmem:s7], $0x4000, $0x38;
	[tilespmem:$0x1A900] =	vst v63  }
0x7f: {  	_ =	swait.ge [sflag:s19], $0x4000  }
0x80: {  	[sflag:s19] =	ssyncset.done $0x0  }
0x81: {  	[sflag:s19] =	ssyncadd.s32 $0xFFFFC000  }
0x82: {  	[hbm4b:s12+s4] =	stream.linear.scatter [tilespmem:s18], [sflag:$0x2], $0x4000, $0x38;
	[tilespmem:$0x1A900] =	vst v63  }
0x83: {  	_ =	swait.ge [sflag:s19], $0x4000  }
0x84: {  	[sflag:s19] =	ssyncset.done $0x0  }
0x85: {  	[sflag:s19] =	ssyncadd.s32 $0xFFFFC000  }
0x86: {  	[tilespmem:s18], [sflag:$0x2] =	stream.linear.gather [spmem:s8], $0x4000, $0x38;
	[tilespmem:$0x1A900] =	vst v63  }
0x87: {  	_ =	swait.ge [sflag:s19], $0x4000  }
0x88: {  	[sflag:s19] =	ssyncset.done $0x0  }
0x89: {  	[sflag:s19] =	ssyncadd.s32 $0xFFFFC000  }
0x8a: {  	[hbm4b:s13+s4] =	stream.linear.scatter [tilespmem:s18], [sflag:$0x2], $0x4000, $0x38;
	[tilespmem:$0x1A900] =	vst v63  }
0x8b: {  	_ =	swait.ge [sflag:s19], $0x4000  }
0x8c: {  	[sflag:s19] =	ssyncset.done $0x0  }
0x8d: {  	[sflag:s19] =	ssyncadd.s32 $0xFFFFC000  }
0x8e: {  	[tilespmem:s18], [sflag:$0x2] =	stream.linear.gather [spmem:s9], $0x4000, $0x38;
	[tilespmem:$0x1A900] =	vst v63  }
0x8f: {  	s25 =	sadd.s32 $0x1, s25;
	_ =	swait.ge [sflag:s19], $0x4000  }
0x90: {  	p0 =	sne.s32 s25, s15;
	[sflag:s19] =	ssyncset.done $0x0  }
.Ltmp2:
0x91: {  	[sflag:s19] =	ssyncadd.s32 $0xFFFFC000;
	(pc) =	sbr.rel @p0 .LBB2_1-.Ltmp2, $4  }
0x92: {  	[hbm4b:s14+s4] =	stream.linear.scatter [tilespmem:s18], [sflag:$0x2], $0x4000, $0x38;
	[tilespmem:$0x1A900] =	vst v63  }
0x93: {  	_ =	swait.ge [sflag:s19], $0x4000  }
0x94: {  	[sflag:s19] =	ssyncset.done $0x0  }
0x95: {  	[sflag:s19] =	ssyncadd.s32 $0xFFFFC000  }
0x96: {  	_ =	sfence.sel $0x180000  }
0x97: {  	[bflag:$0x0] =	sbarrier.arrive $0xFFFF  }
0x98: {  	p0 =	sne.s32 s1, $0x0;
	_ =	strace $0x9000004A  }
0x99: {  	s0 =	sadd.s32 @!p0 $0x100000, s0;
	[bflag:$0x2] =	sbarrier.arrive $0xFFFF  }
0x9a: {  	[sflag:s0] =	ssyncadd.tile.s32 @!p0 $0x1;
	_ =	shalt  }
.Lfunc_end2:
_tile_overlayer_lowered:
.L_overlay_start_2:
0x9b: {  	(tag) =	ssettag $0x2  }
0x9c: {  	s0 =	rddreg [dreg:$0x0];
	s2 =	stileid.u32  }
0x9d: {  	s1 =	rddreg [dreg:$0x1];
	p0 =	sne.s32 s2, $0x0  }
0x9e: {  	s3 =	rddreg [dreg:$0x2];
	[bflag:$0x3] =	sbarrier.arrive $0xFFFF;
	s2 =	simm.s32 @!p0 $0x1C02  }
0x9f: {  	[timem:s3], [sflag:s2] =	dma.local @!p0 [hbm:s0], s1  }
0xa0: {  	s0 =	simm.s32 @!p0 $0x2  }
0xa1: {  	_ =	swait.ge @!p0 [sflag:s0], s1  }
0xa2: {  	s1 =	ssub.s32 @!p0 $0x0, s1;
	[sflag:s0] =	ssyncset.done @!p0 $0x0  }
0xa3: {  	[sflag:s0] =	ssyncadd.s32 @!p0 s1  }
0xa4: {  	[bflag:$0x3] =	sbarrier.arrive $0xFFFF  }
0xa5: {  	_ =	shalt  }

</sc_bundles>
